<compile_context>
chip_gen: v7x
topology: tpu7x:2x2x1
jax: 0.10.2.dev20260603
libtpu: 0.0.44.dev20260713+nightly
codegen_flags: <defaults>
</compile_context>

<pallas_src>
import functools

import jax
import jax.numpy as jnp
from jax import lax
from jax.experimental import pallas as pl
from jax.experimental.pallas import tpu as pltpu
from jax.experimental.pallas import tpu_sc as plsc

_N = 10000
_E = 320000
_D = 128
_G = 16
_NC = 2
_NS = 16
_NW = _NC * _NS
_EPW = _E // _NW
_C = 80
_NCH = _EPW // _C
_Q = 624
_TAIL = _N - _NS * _Q
_ZR = 128


def _bn(h, g, b, eps=1e-5):
    mu = jnp.mean(h, axis=0, keepdims=True)
    var = jnp.mean((h - mu) ** 2, axis=0, keepdims=True)
    return (h - mu) / jnp.sqrt(var + eps) * g + b



def _atom_body(x_ref, w1_ref, b1_ref, g1_ref, be1_ref, w2_ref, b2_ref,
               vn_ref, out_ref):
    h = jnp.dot(x_ref[...], w1_ref[...], preferred_element_type=jnp.float32)
    h = jnp.maximum(_bn(h + b1_ref[...], g1_ref[...], be1_ref[...]), 0.0)
    h = jnp.dot(h, w2_ref[...], preferred_element_type=jnp.float32)
    out_ref[...] = h + b2_ref[...] + vn_ref[...]


def _atom_call(x, ap, vn):
    return pl.pallas_call(
        _atom_body,
        out_shape=jax.ShapeDtypeStruct((_N, _D), jnp.float32),
    )(x, ap['W1'], ap['b1'].reshape(1, _D), ap['g1'].reshape(1, _D),
      ap['be1'].reshape(1, _D), ap['W2'], ap['b2'].reshape(1, _D), vn)


def _edge_body(ea_ref, wb_ref, bb_ref, out_ref):
    out_ref[...] = jnp.dot(ea_ref[...], wb_ref[...],
                           preferred_element_type=jnp.float32) + bb_ref[...]


def _edge_call(ea, wb, bb):
    blk = 2560
    return pl.pallas_call(
        _edge_body,
        grid=(_E // blk,),
        in_specs=[
            pl.BlockSpec((blk, 16), lambda i: (i, 0)),
            pl.BlockSpec((16, _D), lambda i: (0, 0)),
            pl.BlockSpec((1, _D), lambda i: (0, 0)),
        ],
        out_specs=pl.BlockSpec((blk, _D), lambda i: (i, 0)),
        out_shape=jax.ShapeDtypeStruct((_E, _D), jnp.float32),
    )(ea, wb, bb.reshape(1, _D))


_R = 1000


def _acc(ref, i, contrib):
    ref[...] = jnp.where(i == 0, contrib, ref[...] + contrib)


def _p1_body(hl_ref, a0_ref, a1_ref, eps_ref, wm1_ref, bm1_ref, batch_ref,
             y_ref, cs_ref, cq_ref, pool_ref):
    i = pl.program_id(0)
    z = (1.0 + eps_ref[0, 0]) * hl_ref[...] + a0_ref[...] + a1_ref[...]
    y = jnp.dot(z, wm1_ref[...], preferred_element_type=jnp.float32) + bm1_ref[...]
    y_ref[...] = y
    _acc(cs_ref, i, jnp.sum(y, axis=0, keepdims=True))
    _acc(cq_ref, i, jnp.sum(y * y, axis=0, keepdims=True))
    onehot = (batch_ref[...] ==
              lax.broadcasted_iota(jnp.int32, (1, _G), 1)).astype(jnp.float32)
    _acc(pool_ref, i, lax.dot_general(
        onehot, hl_ref[...], (((0,), (0,)), ((), ())),
        preferred_element_type=jnp.float32,
        precision=lax.Precision.HIGHEST))


def _p1_call(hl, a0, a1, lp, batch):
    c0 = lambda i: (0, 0)
    return pl.pallas_call(
        _p1_body,
        grid=(_N // _R,),
        in_specs=[
            pl.BlockSpec((_R, _D), lambda i: (i, 0)),
            pl.BlockSpec((_R, _D), lambda i: (i, 0)),
            pl.BlockSpec((_R, _D), lambda i: (i, 0)),
            pl.BlockSpec((1, 1), c0),
            pl.BlockSpec((_D, 2 * _D), c0),
            pl.BlockSpec((1, 2 * _D), c0),
            pl.BlockSpec((_R, 1), lambda i: (i, 0)),
        ],
        out_specs=[
            pl.BlockSpec((_R, 2 * _D), lambda i: (i, 0)),
            pl.BlockSpec((1, 2 * _D), c0),
            pl.BlockSpec((1, 2 * _D), c0),
            pl.BlockSpec((_G, _D), c0),
        ],
        out_shape=[
            jax.ShapeDtypeStruct((_N, 2 * _D), jnp.float32),
            jax.ShapeDtypeStruct((1, 2 * _D), jnp.float32),
            jax.ShapeDtypeStruct((1, 2 * _D), jnp.float32),
            jax.ShapeDtypeStruct((_G, _D), jnp.float32),
        ],
    )(hl, a0, a1, lp['eps'].reshape(1, 1), lp['Wm1'],
      lp['bm1'].reshape(1, 2 * _D), batch.reshape(_N, 1))


def _p2_body(y_ref, cs_ref, cq_ref, mg1_ref, mb1_ref, wm2_ref, bm2_ref,
             w_ref, cs2_ref, cq2_ref):
    i = pl.program_id(0)
    mu = cs_ref[...] * (1.0 / _N)
    var = cq_ref[...] * (1.0 / _N) - mu * mu
    t = jnp.maximum((y_ref[...] - mu) / jnp.sqrt(var + 1e-5)
                    * mg1_ref[...] + mb1_ref[...], 0.0)
    w = jnp.dot(t, wm2_ref[...], preferred_element_type=jnp.float32) + bm2_ref[...]
    w_ref[...] = w
    _acc(cs2_ref, i, jnp.sum(w, axis=0, keepdims=True))
    _acc(cq2_ref, i, jnp.sum(w * w, axis=0, keepdims=True))


def _p2_call(y, cs, cq, lp):
    c0 = lambda i: (0, 0)
    return pl.pallas_call(
        _p2_body,
        grid=(_N // _R,),
        in_specs=[
            pl.BlockSpec((_R, 2 * _D), lambda i: (i, 0)),
            pl.BlockSpec((1, 2 * _D), c0),
            pl.BlockSpec((1, 2 * _D), c0),
            pl.BlockSpec((1, 2 * _D), c0),
            pl.BlockSpec((1, 2 * _D), c0),
            pl.BlockSpec((2 * _D, _D), c0),
            pl.BlockSpec((1, _D), c0),
        ],
        out_specs=[
            pl.BlockSpec((_R, _D), lambda i: (i, 0)),
            pl.BlockSpec((1, _D), c0),
            pl.BlockSpec((1, _D), c0),
        ],
        out_shape=[
            jax.ShapeDtypeStruct((_N, _D), jnp.float32),
            jax.ShapeDtypeStruct((1, _D), jnp.float32),
            jax.ShapeDtypeStruct((1, _D), jnp.float32),
        ],
    )(y, cs, cq, lp['mg1'].reshape(1, 2 * _D), lp['mb1'].reshape(1, 2 * _D),
      lp['Wm2'], lp['bm2'].reshape(1, _D))


def _p3_body(w_ref, cs2_ref, cq2_ref, bng_ref, bnb_ref, *rest, last):
    mu = cs2_ref[...] * (1.0 / _N)
    var = cq2_ref[...] * (1.0 / _N) - mu * mu
    o = (w_ref[...] - mu) / jnp.sqrt(var + 1e-5) * bng_ref[...] + bnb_ref[...]
    if last:
        out_ref, = rest
        out_ref[...] = o
        return
    batch_ref, v_ref, out_ref = rest
    onehot = (batch_ref[...] ==
              lax.broadcasted_iota(jnp.int32, (1, _G), 1)).astype(jnp.float32)
    out_ref[...] = jnp.maximum(o, 0.0) + jnp.dot(
        onehot, v_ref[...], preferred_element_type=jnp.float32,
        precision=lax.Precision.HIGHEST)


def _p3_call(w, cs2, cq2, lp, batch, v):
    last = v is None
    c0 = lambda i: (0, 0)
    in_specs = [
        pl.BlockSpec((_R, _D), lambda i: (i, 0)),
        pl.BlockSpec((1, _D), c0),
        pl.BlockSpec((1, _D), c0),
        pl.BlockSpec((1, _D), c0),
        pl.BlockSpec((1, _D), c0),
    ]
    args = [w, cs2, cq2, lp['bn_g'].reshape(1, _D), lp['bn_b'].reshape(1, _D)]
    if not last:
        in_specs += [pl.BlockSpec((_R, 1), lambda i: (i, 0)),
                     pl.BlockSpec((_G, _D), c0)]
        args += [batch.reshape(_N, 1), v]
    return pl.pallas_call(
        functools.partial(_p3_body, last=last),
        grid=(_N // _R,),
        in_specs=in_specs,
        out_specs=pl.BlockSpec((_R, _D), lambda i: (i, 0)),
        out_shape=jax.ShapeDtypeStruct((_N, _D), jnp.float32),
    )(*args)


def _vn_body(pool_ref, vn_ref, w1_ref, b1_ref, g1_ref, be1_ref,
             w2_ref, b2_ref, g2_ref, be2_ref, v_ref):
    pooled = pool_ref[...] + vn_ref[...]
    t = jnp.dot(pooled, w1_ref[...], preferred_element_type=jnp.float32)
    t = jnp.maximum(_bn(t + b1_ref[...], g1_ref[...], be1_ref[...]), 0.0)
    t = jnp.dot(t, w2_ref[...], preferred_element_type=jnp.float32)
    v_ref[...] = jnp.maximum(_bn(t + b2_ref[...], g2_ref[...], be2_ref[...]), 0.0)


def _vn_call(pool, vn, vp):
    return pl.pallas_call(
        _vn_body,
        out_shape=jax.ShapeDtypeStruct((_G, _D), jnp.float32),
    )(pool, vn, vp['W1'], vp['b1'].reshape(1, 2 * _D),
      vp['g1'].reshape(1, 2 * _D), vp['be1'].reshape(1, 2 * _D),
      vp['W2'], vp['b2'].reshape(1, _D),
      vp['g2'].reshape(1, _D), vp['be2'].reshape(1, _D))


def _post_call(hl, aggr, lp, batch, vn, vp):
    y, cs, cq, pool = _p1_call(hl, aggr[0], aggr[1], lp, batch)
    w, cs2, cq2 = _p2_call(y, cs, cq, lp)
    if vp is None:
        return _p3_call(w, cs2, cq2, lp, batch, None)
    v = _vn_call(pool, vn, vp)
    return _p3_call(w, cs2, cq2, lp, batch, v)



def _sc_msgpass(hl, emb, src, dst):
    mesh = plsc.VectorSubcoreMesh(core_axis_name="c", subcore_axis_name="s",
                                  num_cores=_NC, num_subcores=_NS)

    @functools.partial(
        pl.kernel,
        out_type=jax.ShapeDtypeStruct((_NC, _N, _D), jnp.float32),
        mesh=mesh,
        scratch_types=[
            pltpu.VMEM((_C,), jnp.int32),
            pltpu.VMEM((_C,), jnp.int32),
            pltpu.VMEM((_C, _D), jnp.float32),
            pltpu.VMEM((_C, _D), jnp.float32),
            pltpu.VMEM((_ZR, _D), jnp.float32),
            pltpu.VMEM_SHARED((_N, _D), jnp.float32),
            pltpu.SemaphoreType.DMA,
        ],
    )
    def body(hl_hbm, emb_hbm, src_hbm, dst_hbm, out_hbm,
             sidx, didx, rows, embv, zbuf, aggr, sem):
        c = lax.axis_index("c")
        s = lax.axis_index("s")
        wid = s * _NC + c

        def zrow(i, carry):
            for j in range(_D // 16):
                zbuf[i, pl.ds(j * 16, 16)] = jnp.zeros((16,), jnp.float32)
            return carry
        lax.fori_loop(0, _ZR, zrow, 0)
        for k in range(_Q // _ZR):
            pltpu.sync_copy(zbuf, aggr.at[pl.ds(s * _Q + k * _ZR, _ZR)])
        rem = _Q % _ZR
        if rem:
            pltpu.sync_copy(zbuf.at[pl.ds(0, rem)],
                            aggr.at[pl.ds(s * _Q + _Q - rem, rem)])

        @pl.when(s == _NS - 1)
        def _():
            pltpu.sync_copy(zbuf.at[pl.ds(0, _TAIL)],
                            aggr.at[pl.ds(_NS * _Q, _TAIL)])
        plsc.subcore_barrier()

        def chunk(ci, carry):
            base = wid * _EPW + ci * _C
            pltpu.sync_copy(src_hbm.at[pl.ds(base, _C)], sidx)
            pltpu.sync_copy(dst_hbm.at[pl.ds(base, _C)], didx)
            gather = pltpu.async_copy(hl_hbm.at[sidx], rows, sem)
            pltpu.sync_copy(emb_hbm.at[pl.ds(base, _C)], embv)
            gather.wait()

            def crow(i, cc):
                for j in range(_D // 16):
                    sl = pl.ds(j * 16, 16)
                    rows[i, sl] = jnp.maximum(rows[i, sl] + embv[i, sl], 0.0)
                return cc
            lax.fori_loop(0, _C, crow, 0)
            pltpu.sync_copy(rows, aggr.at[didx], add=True)
            return carry
        lax.fori_loop(0, _NCH, chunk, 0)
        plsc.subcore_barrier()
        pltpu.sync_copy(aggr.at[pl.ds(s * _Q, _Q)],
                        out_hbm.at[c, pl.ds(s * _Q, _Q)])

        @pl.when(s == _NS - 1)
        def _():
            pltpu.sync_copy(aggr.at[pl.ds(_NS * _Q, _TAIL)],
                            out_hbm.at[c, pl.ds(_NS * _Q, _TAIL)])

    return body(hl, emb, src, dst)



def kernel(x, edge_attr, params, edge_index, batch):
    src = edge_index[0].astype(jnp.int32)
    dst = edge_index[1].astype(jnp.int32)
    vn = params['vn']

    hl = _atom_call(x, params['atom'], vn)
    for l in range(2):
        lp = params['layers'][l]
        emb = _edge_call(edge_attr, lp['Wb'], lp['bb'])
        aggr = _sc_msgpass(hl, emb, src, dst)
        vp = params['vn_mlp'][l] if l == 0 else None
        hl = _post_call(hl, aggr, lp, batch, vn, vp)
    return hl

# --- scband reference (transcript-rebuilt; emitter-appended) ---
"""Pipeline reference for scband-gnn-node-virtualnode-45423574122539 (READ-ONLY COPY).

The authoritative reference and input builder live on the scoring server;
editing this copy changes nothing except your own understanding.
"""

import jax, jax.numpy as jnp
import numpy as np

N_NODES = 10000
N_EDGES = 320000
EMB = 128
IN_DIM = 128
EDGE_DIM = 16
NUM_GRAPHS = 16
NUM_LAYER = 2


def _bn(h, g, b, eps=1e-5):
    mu = jnp.mean(h, axis=0, keepdims=True)
    var = jnp.var(h, axis=0, keepdims=True)
    return (h - mu) / jnp.sqrt(var + eps) * g + b


def _init_params(key):
    ks = jax.random.split(key, 32)
    def w(k, shape):
        return jax.random.normal(k, shape, dtype=jnp.float32) * 0.05
    params = {}
    params['atom'] = {'W1': w(ks[0], (IN_DIM, EMB)), 'b1': jnp.zeros((EMB,), jnp.float32),
                      'g1': jnp.ones((EMB,), jnp.float32), 'be1': jnp.zeros((EMB,), jnp.float32),
                      'W2': w(ks[1], (EMB, EMB)), 'b2': jnp.zeros((EMB,), jnp.float32)}
    params['vn'] = jnp.zeros((1, EMB), dtype=jnp.float32)
    layers = []
    for l in range(NUM_LAYER):
        base = 2 + l * 4
        layers.append({'Wb': w(ks[base], (EDGE_DIM, EMB)), 'bb': jnp.zeros((EMB,), jnp.float32),
                       'eps': jnp.zeros((), jnp.float32),
                       'Wm1': w(ks[base + 1], (EMB, 2 * EMB)), 'bm1': jnp.zeros((2 * EMB,), jnp.float32),
                       'mg1': jnp.ones((2 * EMB,), jnp.float32), 'mb1': jnp.zeros((2 * EMB,), jnp.float32),
                       'Wm2': w(ks[base + 2], (2 * EMB, EMB)), 'bm2': jnp.zeros((EMB,), jnp.float32),
                       'bn_g': jnp.ones((EMB,), jnp.float32), 'bn_b': jnp.zeros((EMB,), jnp.float32)})
    params['layers'] = layers
    vmlps = []
    for l in range(NUM_LAYER - 1):
        base = 12 + l * 2
        vmlps.append({'W1': w(ks[base], (EMB, 2 * EMB)), 'b1': jnp.zeros((2 * EMB,), jnp.float32),
                      'g1': jnp.ones((2 * EMB,), jnp.float32), 'be1': jnp.zeros((2 * EMB,), jnp.float32),
                      'W2': w(ks[base + 1], (2 * EMB, EMB)), 'b2': jnp.zeros((EMB,), jnp.float32),
                      'g2': jnp.ones((EMB,), jnp.float32), 'be2': jnp.zeros((EMB,), jnp.float32)})
    params['vn_mlp'] = vmlps
    return params


def setup_inputs(seed: int = 0):
    key = jax.random.key(seed)
    k1, k2, k3, k4, k5 = jax.random.split(key, 5)
    x = jax.random.normal(k1, (N_NODES, IN_DIM), dtype=jnp.float32)
    edge_index = jax.random.randint(k2, (2, N_EDGES), 0, N_NODES)
    edge_attr = jax.random.normal(k3, (N_EDGES, EDGE_DIM), dtype=jnp.float32)
    batch = jnp.sort(jax.random.randint(k4, (N_NODES,), 0, NUM_GRAPHS))
    params = _init_params(k5)
    return {'x': x, 'edge_attr': edge_attr, 'params': params, 'edge_index': edge_index, 'batch': batch}


def _forward(x, edge_attr, params, edge_index, batch):
    src = edge_index[0]
    dst = edge_index[1]
    # virtual node embedding per graph (init zero parameter, gathered)
    v = params['vn'][jnp.zeros((NUM_GRAPHS,), dtype=jnp.int32)]
    # atom encoder: Linear -> BN -> ReLU -> Linear
    ap = params['atom']
    h = jax.nn.relu(_bn(x @ ap['W1'] + ap['b1'], ap['g1'], ap['be1'])) @ ap['W2'] + ap['b2']
    h_list = [h]
    for layer in range(NUM_LAYER):
        hl = h_list[layer] + v[batch]
        h_list[layer] = hl
        lp = params['layers'][layer]
        # bond encoder (1-layer MLP = Linear)
        edge_emb = edge_attr @ lp['Wb'] + lp['bb']
        # GINConv: message = relu(x_j + edge_emb), sum-aggregate at dst
        msg = jax.nn.relu(hl[src] + edge_emb)
        aggr = jax.ops.segment_sum(msg, dst, num_segments=N_NODES)
        z = (1.0 + lp['eps']) * hl + aggr
        # GIN MLP: Linear -> BN -> ReLU -> Linear
        z = jax.nn.relu(_bn(z @ lp['Wm1'] + lp['bm1'], lp['mg1'], lp['mb1'])) @ lp['Wm2'] + lp['bm2']
        # per-layer batch norm
        z = _bn(z, lp['bn_g'], lp['bn_b'])
        if layer < NUM_LAYER - 1:
            z = jax.nn.relu(z)
        h_list.append(z)
        if layer < NUM_LAYER - 1:
            # virtual node update: global_add_pool + MLP
            pooled = jax.ops.segment_sum(hl, batch, num_segments=NUM_GRAPHS) + v
            vp = params['vn_mlp'][layer]
            t = jax.nn.relu(_bn(pooled @ vp['W1'] + vp['b1'], vp['g1'], vp['be1']))
            t = jax.nn.relu(_bn(t @ vp['W2'] + vp['b2'], vp['g2'], vp['be2']))
            v = t
    return h_list[-1]


def reference(x, edge_attr, params, edge_index, batch):
    return _forward(x, edge_attr, params, edge_index, batch)

if __name__ == "__main__":
    import jax
    _d = setup_inputs()
    print(jax.jit(kernel)(*tuple(_d.values())))

</pallas_src>

<mosaic_0001>
#map = affine_map<(d0, d1) -> (0, 0)>
#map1 = affine_map<(d0, d1) -> (0)>
#map2 = affine_map<(d0, d1) -> (0, 0, 0)>
module attributes {stable_mosaic.version = 14 : i64} {
  func.func @body(%arg0: i32, %arg1: i32, %arg2: memref<10000x128xf32, #tpu.memory_space<hbm>>, %arg3: memref<320000x128xf32, #tpu.memory_space<hbm>>, %arg4: memref<320000xi32, #tpu.memory_space<hbm>>, %arg5: memref<320000xi32, #tpu.memory_space<hbm>>, %arg6: memref<2x10000x128xf32, #tpu.memory_space<hbm>>, %arg7: memref<80xi32, #tpu.memory_space<vmem>>, %arg8: memref<80xi32, #tpu.memory_space<vmem>>, %arg9: memref<80x128xf32, #tpu.memory_space<vmem>>, %arg10: memref<80x128xf32, #tpu.memory_space<vmem>>, %arg11: memref<128x128xf32, #tpu.memory_space<vmem>>, %arg12: memref<10000x128xf32, #tpu.memory_space<vmem_shared>>, %arg13: memref<!tpu.dma_semaphore, #tpu.memory_space<semaphore_mem>>) attributes {dimension_semantics = [#tpu.dimension_semantics<core_parallel>, #tpu.dimension_semantics<subcore_parallel>], iteration_bounds = array<i64: 2, 16>, scalar_prefetch = 0 : i64, scratch_operands = 7 : i64, tpu.core_type = #tpu.core_type<sc_vector_subcore>, window_params = [{transform_indices = #map}, {transform_indices = #map}, {transform_indices = #map1}, {transform_indices = #map1}, {transform_indices = #map2}]} {
    %mul3A = arith.constant 2 : i32
    %mul3A_0 = arith.muli %arg1, %mul3A : i32
    %add3A = arith.addi %mul3A_0, %arg0 : i32
    %scan3A = arith.constant 0 : i32
    %scan3A_1 = arith.constant 0 : i32
    %scan3A_2 = arith.constant 128 : i32
    %scan3A_3 = arith.addi %scan3A_1, %scan3A_2 : i32
    %scan3A_4 = arith.constant 1 : i32
    scf.for %scan3A_45 = %scan3A_1 to %scan3A_3 step %scan3A_4  : i32 {
      %broadcast_in_dim3A = arith.constant 0.000000e+00 : f32
      %broadcast_in_dim3A_46 = vector.broadcast %broadcast_in_dim3A : f32 to vector<16xf32>
      %swap3A = arith.index_cast %scan3A_45 : i32 to index
      %swap3A_47 = arith.constant 0 : index
      %swap3A_48 = tpu.vector_load %arg11[%swap3A, %swap3A_47] {strides = array<i32>} : memref<128x128xf32, #tpu.memory_space<vmem>>, vector<1x16xf32>,
      %swap3A_49 = vector.shape_cast %swap3A_48 : vector<1x16xf32> to vector<16xf32>
      %swap3A_50 = vector.shape_cast %broadcast_in_dim3A_46 : vector<16xf32> to vector<1x16xf32>
      tpu.vector_store %arg11[%swap3A, %swap3A_47], %swap3A_50 {strides = array<i32>} : memref<128x128xf32, #tpu.memory_space<vmem>>, vector<1x16xf32>,
      %broadcast_in_dim3A_51 = arith.constant 0.000000e+00 : f32
      %broadcast_in_dim3A_52 = vector.broadcast %broadcast_in_dim3A_51 : f32 to vector<16xf32>
      %swap3A_53 = arith.index_cast %scan3A_45 : i32 to index
      %swap3A_54 = arith.constant 16 : index
      %swap3A_55 = tpu.vector_load %arg11[%swap3A_53, %swap3A_54] {strides = array<i32>} : memref<128x128xf32, #tpu.memory_space<vmem>>, vector<1x16xf32>,
      %swap3A_56 = vector.shape_cast %swap3A_55 : vector<1x16xf32> to vector<16xf32>
      %swap3A_57 = vector.shape_cast %broadcast_in_dim3A_52 : vector<16xf32> to vector<1x16xf32>
      tpu.vector_store %arg11[%swap3A_53, %swap3A_54], %swap3A_57 {strides = array<i32>} : memref<128x128xf32, #tpu.memory_space<vmem>>, vector<1x16xf32>,
      %broadcast_in_dim3A_58 = arith.constant 0.000000e+00 : f32
      %broadcast_in_dim3A_59 = vector.broadcast %broadcast_in_dim3A_58 : f32 to vector<16xf32>
      %swap3A_60 = arith.index_cast %scan3A_45 : i32 to index
      %swap3A_61 = arith.constant 32 : index
      %swap3A_62 = tpu.vector_load %arg11[%swap3A_60, %swap3A_61] {strides = array<i32>} : memref<128x128xf32, #tpu.memory_space<vmem>>, vector<1x16xf32>,
      %swap3A_63 = vector.shape_cast %swap3A_62 : vector<1x16xf32> to vector<16xf32>
      %swap3A_64 = vector.shape_cast %broadcast_in_dim3A_59 : vector<16xf32> to vector<1x16xf32>
      tpu.vector_store %arg11[%swap3A_60, %swap3A_61], %swap3A_64 {strides = array<i32>} : memref<128x128xf32, #tpu.memory_space<vmem>>, vector<1x16xf32>,
      %broadcast_in_dim3A_65 = arith.constant 0.000000e+00 : f32
      %broadcast_in_dim3A_66 = vector.broadcast %broadcast_in_dim3A_65 : f32 to vector<16xf32>
      %swap3A_67 = arith.index_cast %scan3A_45 : i32 to index
      %swap3A_68 = arith.constant 48 : index
      %swap3A_69 = tpu.vector_load %arg11[%swap3A_67, %swap3A_68] {strides = array<i32>} : memref<128x128xf32, #tpu.memory_space<vmem>>, vector<1x16xf32>,
      %swap3A_70 = vector.shape_cast %swap3A_69 : vector<1x16xf32> to vector<16xf32>
      %swap3A_71 = vector.shape_cast %broadcast_in_dim3A_66 : vector<16xf32> to vector<1x16xf32>
      tpu.vector_store %arg11[%swap3A_67, %swap3A_68], %swap3A_71 {strides = array<i32>} : memref<128x128xf32, #tpu.memory_space<vmem>>, vector<1x16xf32>,
      %broadcast_in_dim3A_72 = arith.constant 0.000000e+00 : f32
      %broadcast_in_dim3A_73 = vector.broadcast %broadcast_in_dim3A_72 : f32 to vector<16xf32>
      %swap3A_74 = arith.index_cast %scan3A_45 : i32 to index
      %swap3A_75 = arith.constant 64 : index
      %swap3A_76 = tpu.vector_load %arg11[%swap3A_74, %swap3A_75] {strides = array<i32>} : memref<128x128xf32, #tpu.memory_space<vmem>>, vector<1x16xf32>,
      %swap3A_77 = vector.shape_cast %swap3A_76 : vector<1x16xf32> to vector<16xf32>
      %swap3A_78 = vector.shape_cast %broadcast_in_dim3A_73 : vector<16xf32> to vector<1x16xf32>
      tpu.vector_store %arg11[%swap3A_74, %swap3A_75], %swap3A_78 {strides = array<i32>} : memref<128x128xf32, #tpu.memory_space<vmem>>, vector<1x16xf32>,
      %broadcast_in_dim3A_79 = arith.constant 0.000000e+00 : f32
      %broadcast_in_dim3A_80 = vector.broadcast %broadcast_in_dim3A_79 : f32 to vector<16xf32>
      %swap3A_81 = arith.index_cast %scan3A_45 : i32 to index
      %swap3A_82 = arith.constant 80 : index
      %swap3A_83 = tpu.vector_load %arg11[%swap3A_81, %swap3A_82] {strides = array<i32>} : memref<128x128xf32, #tpu.memory_space<vmem>>, vector<1x16xf32>,
      %swap3A_84 = vector.shape_cast %swap3A_83 : vector<1x16xf32> to vector<16xf32>
      %swap3A_85 = vector.shape_cast %broadcast_in_dim3A_80 : vector<16xf32> to vector<1x16xf32>
      tpu.vector_store %arg11[%swap3A_81, %swap3A_82], %swap3A_85 {strides = array<i32>} : memref<128x128xf32, #tpu.memory_space<vmem>>, vector<1x16xf32>,
      %broadcast_in_dim3A_86 = arith.constant 0.000000e+00 : f32
      %broadcast_in_dim3A_87 = vector.broadcast %broadcast_in_dim3A_86 : f32 to vector<16xf32>
      %swap3A_88 = arith.index_cast %scan3A_45 : i32 to index
      %swap3A_89 = arith.constant 96 : index
      %swap3A_90 = tpu.vector_load %arg11[%swap3A_88, %swap3A_89] {strides = array<i32>} : memref<128x128xf32, #tpu.memory_space<vmem>>, vector<1x16xf32>,
      %swap3A_91 = vector.shape_cast %swap3A_90 : vector<1x16xf32> to vector<16xf32>
      %swap3A_92 = vector.shape_cast %broadcast_in_dim3A_87 : vector<16xf32> to vector<1x16xf32>
      tpu.vector_store %arg11[%swap3A_88, %swap3A_89], %swap3A_92 {strides = array<i32>} : memref<128x128xf32, #tpu.memory_space<vmem>>, vector<1x16xf32>,
      %broadcast_in_dim3A_93 = arith.constant 0.000000e+00 : f32
      %broadcast_in_dim3A_94 = vector.broadcast %broadcast_in_dim3A_93 : f32 to vector<16xf32>
      %swap3A_95 = arith.index_cast %scan3A_45 : i32 to index
      %swap3A_96 = arith.constant 112 : index
      %swap3A_97 = tpu.vector_load %arg11[%swap3A_95, %swap3A_96] {strides = array<i32>} : memref<128x128xf32, #tpu.memory_space<vmem>>, vector<1x16xf32>,
      %swap3A_98 = vector.shape_cast %swap3A_97 : vector<1x16xf32> to vector<16xf32>
      %swap3A_99 = vector.shape_cast %broadcast_in_dim3A_94 : vector<16xf32> to vector<1x16xf32>
      tpu.vector_store %arg11[%swap3A_95, %swap3A_96], %swap3A_99 {strides = array<i32>} : memref<128x128xf32, #tpu.memory_space<vmem>>, vector<1x16xf32>,
    }
    %scan3A_5 = arith.constant 128 : i32
    %mul3A_6 = arith.constant 624 : i32
    %mul3A_7 = arith.muli %arg1, %mul3A_6 : i32
    %add3A_8 = arith.constant 0 : i32
    %add3A_9 = arith.addi %mul3A_7, %add3A_8 : i32
    "tpu.region"() ({
      %run_scoped3A = tpu.sem_alloc : memref<!tpu.dma_semaphore, #tpu.memory_space<semaphore_mem>>
      %dma_start3A = arith.constant 0 : i32
      %dma_start3A_45 = tpu.memref_slice %arg12[%add3A_9, %dma_start3A] : memref<10000x128xf32, #tpu.memory_space<vmem_shared>> -> memref<128x128xf32, #tpu.memory_space<vmem_shared>>
      %dma_start3A_46 = arith.constant 0 : i32
      %dma_start3A_47 = tpu.memref_slice %arg12[%add3A_9, %dma_start3A_46] : memref<10000x128xf32, #tpu.memory_space<vmem_shared>> -> memref<128x128xf32, #tpu.memory_space<vmem_shared>>
      tpu.enqueue_dma source(%arg11 : memref<128x128xf32, #tpu.memory_space<vmem>>) target(%dma_start3A_47 : memref<128x128xf32, #tpu.memory_space<vmem_shared>>) target_semaphore(%run_scoped3A : memref<!tpu.dma_semaphore, #tpu.memory_space<semaphore_mem>>)
      %dma_wait3A = arith.constant 0 : i32
      %dma_wait3A_48 = tpu.memref_slice %arg12[%add3A_9, %dma_wait3A] : memref<10000x128xf32, #tpu.memory_space<vmem_shared>> -> memref<128x128xf32, #tpu.memory_space<vmem_shared>>
      %dma_wait3A_49 = arith.constant 0 : i32
      %dma_wait3A_50 = tpu.memref_slice %arg12[%add3A_9, %dma_wait3A_49] : memref<10000x128xf32, #tpu.memory_space<vmem_shared>> -> memref<128x128xf32, #tpu.memory_space<vmem_shared>>
      tpu.wait_dma2 semaphore(%run_scoped3A : memref<!tpu.dma_semaphore, #tpu.memory_space<semaphore_mem>>) src(%arg11 : memref<128x128xf32, #tpu.memory_space<vmem>>) dst(%dma_wait3A_50 : memref<128x128xf32, #tpu.memory_space<vmem_shared>>)
      tpu.yield
    }) : () -> ()
    %mul3A_10 = arith.constant 624 : i32
    %mul3A_11 = arith.muli %arg1, %mul3A_10 : i32
    %add3A_12 = arith.constant 128 : i32
    %add3A_13 = arith.addi %mul3A_11, %add3A_12 : i32
    "tpu.region"() ({
      %run_scoped3A = tpu.sem_alloc : memref<!tpu.dma_semaphore, #tpu.memory_space<semaphore_mem>>
      %dma_start3A = arith.constant 0 : i32
      %dma_start3A_45 = tpu.memref_slice %arg12[%add3A_13, %dma_start3A] : memref<10000x128xf32, #tpu.memory_space<vmem_shared>> -> memref<128x128xf32, #tpu.memory_space<vmem_shared>>
      %dma_start3A_46 = arith.constant 0 : i32
      %dma_start3A_47 = tpu.memref_slice %arg12[%add3A_13, %dma_start3A_46] : memref<10000x128xf32, #tpu.memory_space<vmem_shared>> -> memref<128x128xf32, #tpu.memory_space<vmem_shared>>
      tpu.enqueue_dma source(%arg11 : memref<128x128xf32, #tpu.memory_space<vmem>>) target(%dma_start3A_47 : memref<128x128xf32, #tpu.memory_space<vmem_shared>>) target_semaphore(%run_scoped3A : memref<!tpu.dma_semaphore, #tpu.memory_space<semaphore_mem>>)
      %dma_wait3A = arith.constant 0 : i32
      %dma_wait3A_48 = tpu.memref_slice %arg12[%add3A_13, %dma_wait3A] : memref<10000x128xf32, #tpu.memory_space<vmem_shared>> -> memref<128x128xf32, #tpu.memory_space<vmem_shared>>
      %dma_wait3A_49 = arith.constant 0 : i32
      %dma_wait3A_50 = tpu.memref_slice %arg12[%add3A_13, %dma_wait3A_49] : memref<10000x128xf32, #tpu.memory_space<vmem_shared>> -> memref<128x128xf32, #tpu.memory_space<vmem_shared>>
      tpu.wait_dma2 semaphore(%run_scoped3A : memref<!tpu.dma_semaphore, #tpu.memory_space<semaphore_mem>>) src(%arg11 : memref<128x128xf32, #tpu.memory_space<vmem>>) dst(%dma_wait3A_50 : memref<128x128xf32, #tpu.memory_space<vmem_shared>>)
      tpu.yield
    }) : () -> ()
    %mul3A_14 = arith.constant 624 : i32
    %mul3A_15 = arith.muli %arg1, %mul3A_14 : i32
    %add3A_16 = arith.constant 256 : i32
    %add3A_17 = arith.addi %mul3A_15, %add3A_16 : i32
    "tpu.region"() ({
      %run_scoped3A = tpu.sem_alloc : memref<!tpu.dma_semaphore, #tpu.memory_space<semaphore_mem>>
      %dma_start3A = arith.constant 0 : i32
      %dma_start3A_45 = tpu.memref_slice %arg12[%add3A_17, %dma_start3A] : memref<10000x128xf32, #tpu.memory_space<vmem_shared>> -> memref<128x128xf32, #tpu.memory_space<vmem_shared>>
      %dma_start3A_46 = arith.constant 0 : i32
      %dma_start3A_47 = tpu.memref_slice %arg12[%add3A_17, %dma_start3A_46] : memref<10000x128xf32, #tpu.memory_space<vmem_shared>> -> memref<128x128xf32, #tpu.memory_space<vmem_shared>>
      tpu.enqueue_dma source(%arg11 : memref<128x128xf32, #tpu.memory_space<vmem>>) target(%dma_start3A_47 : memref<128x128xf32, #tpu.memory_space<vmem_shared>>) target_semaphore(%run_scoped3A : memref<!tpu.dma_semaphore, #tpu.memory_space<semaphore_mem>>)
      %dma_wait3A = arith.constant 0 : i32
      %dma_wait3A_48 = tpu.memref_slice %arg12[%add3A_17, %dma_wait3A] : memref<10000x128xf32, #tpu.memory_space<vmem_shared>> -> memref<128x128xf32, #tpu.memory_space<vmem_shared>>
      %dma_wait3A_49 = arith.constant 0 : i32
      %dma_wait3A_50 = tpu.memref_slice %arg12[%add3A_17, %dma_wait3A_49] : memref<10000x128xf32, #tpu.memory_space<vmem_shared>> -> memref<128x128xf32, #tpu.memory_space<vmem_shared>>
      tpu.wait_dma2 semaphore(%run_scoped3A : memref<!tpu.dma_semaphore, #tpu.memory_space<semaphore_mem>>) src(%arg11 : memref<128x128xf32, #tpu.memory_space<vmem>>) dst(%dma_wait3A_50 : memref<128x128xf32, #tpu.memory_space<vmem_shared>>)
      tpu.yield
    }) : () -> ()
    %mul3A_18 = arith.constant 624 : i32
    %mul3A_19 = arith.muli %arg1, %mul3A_18 : i32
    %add3A_20 = arith.constant 384 : i32
    %add3A_21 = arith.addi %mul3A_19, %add3A_20 : i32
    "tpu.region"() ({
      %run_scoped3A = tpu.sem_alloc : memref<!tpu.dma_semaphore, #tpu.memory_space<semaphore_mem>>
      %dma_start3A = arith.constant 0 : i32
      %dma_start3A_45 = tpu.memref_slice %arg12[%add3A_21, %dma_start3A] : memref<10000x128xf32, #tpu.memory_space<vmem_shared>> -> memref<128x128xf32, #tpu.memory_space<vmem_shared>>
      %dma_start3A_46 = arith.constant 0 : i32
      %dma_start3A_47 = tpu.memref_slice %arg12[%add3A_21, %dma_start3A_46] : memref<10000x128xf32, #tpu.memory_space<vmem_shared>> -> memref<128x128xf32, #tpu.memory_space<vmem_shared>>
      tpu.enqueue_dma source(%arg11 : memref<128x128xf32, #tpu.memory_space<vmem>>) target(%dma_start3A_47 : memref<128x128xf32, #tpu.memory_space<vmem_shared>>) target_semaphore(%run_scoped3A : memref<!tpu.dma_semaphore, #tpu.memory_space<semaphore_mem>>)
      %dma_wait3A = arith.constant 0 : i32
      %dma_wait3A_48 = tpu.memref_slice %arg12[%add3A_21, %dma_wait3A] : memref<10000x128xf32, #tpu.memory_space<vmem_shared>> -> memref<128x128xf32, #tpu.memory_space<vmem_shared>>
      %dma_wait3A_49 = arith.constant 0 : i32
      %dma_wait3A_50 = tpu.memref_slice %arg12[%add3A_21, %dma_wait3A_49] : memref<10000x128xf32, #tpu.memory_space<vmem_shared>> -> memref<128x128xf32, #tpu.memory_space<vmem_shared>>
      tpu.wait_dma2 semaphore(%run_scoped3A : memref<!tpu.dma_semaphore, #tpu.memory_space<semaphore_mem>>) src(%arg11 : memref<128x128xf32, #tpu.memory_space<vmem>>) dst(%dma_wait3A_50 : memref<128x128xf32, #tpu.memory_space<vmem_shared>>)
      tpu.yield
    }) : () -> ()
    %mul3A_22 = arith.constant 624 : i32
    %mul3A_23 = arith.muli %arg1, %mul3A_22 : i32
    %add3A_24 = arith.constant 624 : i32
    %add3A_25 = arith.addi %mul3A_23, %add3A_24 : i32
    %sub3A = arith.constant 112 : i32
    %sub3A_26 = arith.subi %add3A_25, %sub3A : i32
    "tpu.region"() ({
      %run_scoped3A = tpu.sem_alloc : memref<!tpu.dma_semaphore, #tpu.memory_space<semaphore_mem>>
      %dma_start3A = arith.constant 0 : i32
      %dma_start3A_45 = arith.constant 0 : i32
      %dma_start3A_46 = tpu.memref_slice %arg11[%dma_start3A, %dma_start3A_45] : memref<128x128xf32, #tpu.memory_space<vmem>> -> memref<112x128xf32, #tpu.memory_space<vmem>>
      %dma_start3A_47 = arith.constant 0 : i32
      %dma_start3A_48 = tpu.memref_slice %arg12[%sub3A_26, %dma_start3A_47] : memref<10000x128xf32, #tpu.memory_space<vmem_shared>> -> memref<112x128xf32, #tpu.memory_space<vmem_shared>>
      %dma_start3A_49 = arith.constant 0 : i32
      %dma_start3A_50 = tpu.memref_slice %arg12[%sub3A_26, %dma_start3A_49] : memref<10000x128xf32, #tpu.memory_space<vmem_shared>> -> memref<112x128xf32, #tpu.memory_space<vmem_shared>>
      %dma_start3A_51 = arith.constant 0 : i32
      %dma_start3A_52 = arith.constant 0 : i32
      %dma_start3A_53 = tpu.memref_slice %arg11[%dma_start3A_51, %dma_start3A_52] : memref<128x128xf32, #tpu.memory_space<vmem>> -> memref<112x128xf32, #tpu.memory_space<vmem>>
      tpu.enqueue_dma source(%dma_start3A_53 : memref<112x128xf32, #tpu.memory_space<vmem>>) target(%dma_start3A_50 : memref<112x128xf32, #tpu.memory_space<vmem_shared>>) target_semaphore(%run_scoped3A : memref<!tpu.dma_semaphore, #tpu.memory_space<semaphore_mem>>)
      %dma_wait3A = arith.constant 0 : i32
      %dma_wait3A_54 = arith.constant 0 : i32
      %dma_wait3A_55 = tpu.memref_slice %arg11[%dma_wait3A, %dma_wait3A_54] : memref<128x128xf32, #tpu.memory_space<vmem>> -> memref<112x128xf32, #tpu.memory_space<vmem>>
      %dma_wait3A_56 = arith.constant 0 : i32
      %dma_wait3A_57 = tpu.memref_slice %arg12[%sub3A_26, %dma_wait3A_56] : memref<10000x128xf32, #tpu.memory_space<vmem_shared>> -> memref<112x128xf32, #tpu.memory_space<vmem_shared>>
      %dma_wait3A_58 = arith.constant 0 : i32
      %dma_wait3A_59 = tpu.memref_slice %arg12[%sub3A_26, %dma_wait3A_58] : memref<10000x128xf32, #tpu.memory_space<vmem_shared>> -> memref<112x128xf32, #tpu.memory_space<vmem_shared>>
      %dma_wait3A_60 = arith.constant 0 : i32
      %dma_wait3A_61 = arith.constant 0 : i32
      %dma_wait3A_62 = tpu.memref_slice %arg11[%dma_wait3A_60, %dma_wait3A_61] : memref<128x128xf32, #tpu.memory_space<vmem>> -> memref<112x128xf32, #tpu.memory_space<vmem>>
      tpu.wait_dma2 semaphore(%run_scoped3A : memref<!tpu.dma_semaphore, #tpu.memory_space<semaphore_mem>>) src(%dma_wait3A_62 : memref<112x128xf32, #tpu.memory_space<vmem>>) dst(%dma_wait3A_59 : memref<112x128xf32, #tpu.memory_space<vmem_shared>>)
      tpu.yield
    }) : () -> ()
    %eq3A = arith.constant 15 : i32
    %eq3A_27 = arith.cmpi eq, %arg1, %eq3A : i32
    %convert_element_type3A = arith.extui %eq3A_27 : i1 to i32
    %cond3A = arith.constant 0 : i32
    %cond3A_28 = arith.cmpi ne, %convert_element_type3A, %cond3A : i32
    scf.if %cond3A_28 {
      "tpu.region"() ({
        %run_scoped3A = tpu.sem_alloc : memref<!tpu.dma_semaphore, #tpu.memory_space<semaphore_mem>>
        %dma_start3A = arith.constant 0 : i32
        %dma_start3A_45 = arith.constant 0 : i32
        %dma_start3A_46 = tpu.memref_slice %arg11[%dma_start3A, %dma_start3A_45] : memref<128x128xf32, #tpu.memory_space<vmem>> -> memref<16x128xf32, #tpu.memory_space<vmem>>
        %dma_start3A_47 = arith.constant 9984 : i32
        %dma_start3A_48 = arith.constant 0 : i32
        %dma_start3A_49 = tpu.memref_slice %arg12[%dma_start3A_47, %dma_start3A_48] : memref<10000x128xf32, #tpu.memory_space<vmem_shared>> -> memref<16x128xf32, #tpu.memory_space<vmem_shared>>
        %dma_start3A_50 = arith.constant 9984 : i32
        %dma_start3A_51 = arith.constant 0 : i32
        %dma_start3A_52 = tpu.memref_slice %arg12[%dma_start3A_50, %dma_start3A_51] : memref<10000x128xf32, #tpu.memory_space<vmem_shared>> -> memref<16x128xf32, #tpu.memory_space<vmem_shared>>
        %dma_start3A_53 = arith.constant 0 : i32
        %dma_start3A_54 = arith.constant 0 : i32
        %dma_start3A_55 = tpu.memref_slice %arg11[%dma_start3A_53, %dma_start3A_54] : memref<128x128xf32, #tpu.memory_space<vmem>> -> memref<16x128xf32, #tpu.memory_space<vmem>>
        tpu.enqueue_dma source(%dma_start3A_55 : memref<16x128xf32, #tpu.memory_space<vmem>>) target(%dma_start3A_52 : memref<16x128xf32, #tpu.memory_space<vmem_shared>>) target_semaphore(%run_scoped3A : memref<!tpu.dma_semaphore, #tpu.memory_space<semaphore_mem>>)
        %dma_wait3A = arith.constant 0 : i32
        %dma_wait3A_56 = arith.constant 0 : i32
        %dma_wait3A_57 = tpu.memref_slice %arg11[%dma_wait3A, %dma_wait3A_56] : memref<128x128xf32, #tpu.memory_space<vmem>> -> memref<16x128xf32, #tpu.memory_space<vmem>>
        %dma_wait3A_58 = arith.constant 9984 : i32
        %dma_wait3A_59 = arith.constant 0 : i32
        %dma_wait3A_60 = tpu.memref_slice %arg12[%dma_wait3A_58, %dma_wait3A_59] : memref<10000x128xf32, #tpu.memory_space<vmem_shared>> -> memref<16x128xf32, #tpu.memory_space<vmem_shared>>
        %dma_wait3A_61 = arith.constant 9984 : i32
        %dma_wait3A_62 = arith.constant 0 : i32
        %dma_wait3A_63 = tpu.memref_slice %arg12[%dma_wait3A_61, %dma_wait3A_62] : memref<10000x128xf32, #tpu.memory_space<vmem_shared>> -> memref<16x128xf32, #tpu.memory_space<vmem_shared>>
        %dma_wait3A_64 = arith.constant 0 : i32
        %dma_wait3A_65 = arith.constant 0 : i32
        %dma_wait3A_66 = tpu.memref_slice %arg11[%dma_wait3A_64, %dma_wait3A_65] : memref<128x128xf32, #tpu.memory_space<vmem>> -> memref<16x128xf32, #tpu.memory_space<vmem>>
        tpu.wait_dma2 semaphore(%run_scoped3A : memref<!tpu.dma_semaphore, #tpu.memory_space<semaphore_mem>>) src(%dma_wait3A_66 : memref<16x128xf32, #tpu.memory_space<vmem>>) dst(%dma_wait3A_63 : memref<16x128xf32, #tpu.memory_space<vmem_shared>>)
        tpu.yield
      }) : () -> ()
    } else {
    }
    %barrier3A = arith.constant 0 : index
    tpu.barrier barrier_id(%barrier3A)
    %scan3A_29 = arith.constant 0 : i32
    %scan3A_30 = arith.constant 0 : i32
    %scan3A_31 = arith.constant 125 : i32
    %scan3A_32 = arith.addi %scan3A_30, %scan3A_31 : i32
    %scan3A_33 = arith.constant 1 : i32
    scf.for %scan3A_45 = %scan3A_30 to %scan3A_32 step %scan3A_33  : i32 {
      %mul3A_46 = arith.constant 10000 : i32
      %mul3A_47 = arith.muli %add3A, %mul3A_46 : i32
      %mul3A_48 = arith.constant 80 : i32
      %mul3A_49 = arith.muli %scan3A_45, %mul3A_48 : i32
      %add3A_50 = arith.addi %mul3A_47, %mul3A_49 : i32
      "tpu.region"() ({
        %run_scoped3A = tpu.sem_alloc : memref<!tpu.dma_semaphore, #tpu.memory_space<semaphore_mem>>
        %dma_start3A_61 = tpu.memref_slice %arg4[%add3A_50] : memref<320000xi32, #tpu.memory_space<hbm>> -> memref<80xi32, #tpu.memory_space<hbm>>
        %dma_start3A_62 = tpu.memref_slice %arg4[%add3A_50] : memref<320000xi32, #tpu.memory_space<hbm>> -> memref<80xi32, #tpu.memory_space<hbm>>
        tpu.enqueue_dma source(%dma_start3A_62 : memref<80xi32, #tpu.memory_space<hbm>>) target(%arg7 : memref<80xi32, #tpu.memory_space<vmem>>) target_semaphore(%run_scoped3A : memref<!tpu.dma_semaphore, #tpu.memory_space<semaphore_mem>>)
        %dma_wait3A_63 = tpu.memref_slice %arg4[%add3A_50] : memref<320000xi32, #tpu.memory_space<hbm>> -> memref<80xi32, #tpu.memory_space<hbm>>
        %dma_wait3A_64 = tpu.memref_slice %arg4[%add3A_50] : memref<320000xi32, #tpu.memory_space<hbm>> -> memref<80xi32, #tpu.memory_space<hbm>>
        tpu.wait_dma2 semaphore(%run_scoped3A : memref<!tpu.dma_semaphore, #tpu.memory_space<semaphore_mem>>) src(%dma_wait3A_64 : memref<80xi32, #tpu.memory_space<hbm>>) dst(%arg7 : memref<80xi32, #tpu.memory_space<vmem>>)
        tpu.yield
      }) : () -> ()
      "tpu.region"() ({
        %run_scoped3A = tpu.sem_alloc : memref<!tpu.dma_semaphore, #tpu.memory_space<semaphore_mem>>
        %dma_start3A_61 = tpu.memref_slice %arg5[%add3A_50] : memref<320000xi32, #tpu.memory_space<hbm>> -> memref<80xi32, #tpu.memory_space<hbm>>
        %dma_start3A_62 = tpu.memref_slice %arg5[%add3A_50] : memref<320000xi32, #tpu.memory_space<hbm>> -> memref<80xi32, #tpu.memory_space<hbm>>
        tpu.enqueue_dma source(%dma_start3A_62 : memref<80xi32, #tpu.memory_space<hbm>>) target(%arg8 : memref<80xi32, #tpu.memory_space<vmem>>) target_semaphore(%run_scoped3A : memref<!tpu.dma_semaphore, #tpu.memory_space<semaphore_mem>>)
        %dma_wait3A_63 = tpu.memref_slice %arg5[%add3A_50] : memref<320000xi32, #tpu.memory_space<hbm>> -> memref<80xi32, #tpu.memory_space<hbm>>
        %dma_wait3A_64 = tpu.memref_slice %arg5[%add3A_50] : memref<320000xi32, #tpu.memory_space<hbm>> -> memref<80xi32, #tpu.memory_space<hbm>>
        tpu.wait_dma2 semaphore(%run_scoped3A : memref<!tpu.dma_semaphore, #tpu.memory_space<semaphore_mem>>) src(%dma_wait3A_64 : memref<80xi32, #tpu.memory_space<hbm>>) dst(%arg8 : memref<80xi32, #tpu.memory_space<vmem>>)
        tpu.yield
      }) : () -> ()
      %dma_start3A = arith.constant 0 : i32
      %dma_start3A_51 = arith.constant 0 : i32
      %dma_start3A_52 = tpu.memref_slice %arg2[%dma_start3A, %dma_start3A_51] : memref<10000x128xf32, #tpu.memory_space<hbm>> -> memref<10000x128xf32, #tpu.memory_space<hbm>>
      tpu.enqueue_indirect_dma source(%dma_start3A_52 : memref<10000x128xf32, #tpu.memory_space<hbm>>) target(%arg9 : memref<80x128xf32, #tpu.memory_space<vmem>>) offsets(%arg7 : memref<80xi32, #tpu.memory_space<vmem>>) semaphore(%arg13 : memref<!tpu.dma_semaphore, #tpu.memory_space<semaphore_mem>>)
      "tpu.region"() ({
        %run_scoped3A = tpu.sem_alloc : memref<!tpu.dma_semaphore, #tpu.memory_space<semaphore_mem>>
        %dma_start3A_61 = arith.constant 0 : i32
        %dma_start3A_62 = tpu.memref_slice %arg3[%add3A_50, %dma_start3A_61] : memref<320000x128xf32, #tpu.memory_space<hbm>> -> memref<80x128xf32, #tpu.memory_space<hbm>>
        %dma_start3A_63 = arith.constant 0 : i32
        %dma_start3A_64 = tpu.memref_slice %arg3[%add3A_50, %dma_start3A_63] : memref<320000x128xf32, #tpu.memory_space<hbm>> -> memref<80x128xf32, #tpu.memory_space<hbm>>
        tpu.enqueue_dma source(%dma_start3A_64 : memref<80x128xf32, #tpu.memory_space<hbm>>) target(%arg10 : memref<80x128xf32, #tpu.memory_space<vmem>>) target_semaphore(%run_scoped3A : memref<!tpu.dma_semaphore, #tpu.memory_space<semaphore_mem>>)
        %dma_wait3A_65 = arith.constant 0 : i32
        %dma_wait3A_66 = tpu.memref_slice %arg3[%add3A_50, %dma_wait3A_65] : memref<320000x128xf32, #tpu.memory_space<hbm>> -> memref<80x128xf32, #tpu.memory_space<hbm>>
        %dma_wait3A_67 = arith.constant 0 : i32
        %dma_wait3A_68 = tpu.memref_slice %arg3[%add3A_50, %dma_wait3A_67] : memref<320000x128xf32, #tpu.memory_space<hbm>> -> memref<80x128xf32, #tpu.memory_space<hbm>>
        tpu.wait_dma2 semaphore(%run_scoped3A : memref<!tpu.dma_semaphore, #tpu.memory_space<semaphore_mem>>) src(%dma_wait3A_68 : memref<80x128xf32, #tpu.memory_space<hbm>>) dst(%arg10 : memref<80x128xf32, #tpu.memory_space<vmem>>)
        tpu.yield
      }) : () -> ()
      %dma_wait3A = arith.constant 0 : i32
      %dma_wait3A_53 = arith.constant 0 : i32
      %dma_wait3A_54 = tpu.memref_slice %arg2[%dma_wait3A, %dma_wait3A_53] : memref<10000x128xf32, #tpu.memory_space<hbm>> -> memref<10000x128xf32, #tpu.memory_space<hbm>>
      tpu.wait_indirect_dma semaphore(%arg13 : memref<!tpu.dma_semaphore, #tpu.memory_space<semaphore_mem>>) src(%dma_wait3A_54 : memref<10000x128xf32, #tpu.memory_space<hbm>>) dst(%arg9 : memref<80x128xf32, #tpu.memory_space<vmem>>)
      %scan3A_55 = arith.constant 0 : i32
      %scan3A_56 = arith.constant 0 : i32
      %scan3A_57 = arith.constant 80 : i32
      %scan3A_58 = arith.addi %scan3A_56, %scan3A_57 : i32
      %scan3A_59 = arith.constant 1 : i32
      scf.for %scan3A_61 = %scan3A_56 to %scan3A_58 step %scan3A_59  : i32 {
        %get3A = arith.index_cast %scan3A_61 : i32 to index
        %get3A_62 = arith.constant 0 : index
        %get3A_63 = tpu.vector_load %arg9[%get3A, %get3A_62] {strides = array<i32>} : memref<80x128xf32, #tpu.memory_space<vmem>>, vector<1x16xf32>,
        %get3A_64 = vector.shape_cast %get3A_63 : vector<1x16xf32> to vector<16xf32>
        %get3A_65 = arith.index_cast %scan3A_61 : i32 to index
        %get3A_66 = arith.constant 0 : index
        %get3A_67 = tpu.vector_load %arg10[%get3A_65, %get3A_66] {strides = array<i32>} : memref<80x128xf32, #tpu.memory_space<vmem>>, vector<1x16xf32>,
        %get3A_68 = vector.shape_cast %get3A_67 : vector<1x16xf32> to vector<16xf32>
        %add3A_69 = arith.addf %get3A_64, %get3A_68 : vector<16xf32>
        %max3A = arith.constant 0.000000e+00 : f32
        %max3A_70 = vector.broadcast %max3A : f32 to vector<16xf32>
        %max3A_71 = arith.maximumf %add3A_69, %max3A_70 : vector<16xf32>
        %swap3A = arith.index_cast %scan3A_61 : i32 to index
        %swap3A_72 = arith.constant 0 : index
        %swap3A_73 = tpu.vector_load %arg9[%swap3A, %swap3A_72] {strides = array<i32>} : memref<80x128xf32, #tpu.memory_space<vmem>>, vector<1x16xf32>,
        %swap3A_74 = vector.shape_cast %swap3A_73 : vector<1x16xf32> to vector<16xf32>
        %swap3A_75 = vector.shape_cast %max3A_71 : vector<16xf32> to vector<1x16xf32>
        tpu.vector_store %arg9[%swap3A, %swap3A_72], %swap3A_75 {strides = array<i32>} : memref<80x128xf32, #tpu.memory_space<vmem>>, vector<1x16xf32>,
        %get3A_76 = arith.index_cast %scan3A_61 : i32 to index
        %get3A_77 = arith.constant 16 : index
        %get3A_78 = tpu.vector_load %arg9[%get3A_76, %get3A_77] {strides = array<i32>} : memref<80x128xf32, #tpu.memory_space<vmem>>, vector<1x16xf32>,
        %get3A_79 = vector.shape_cast %get3A_78 : vector<1x16xf32> to vector<16xf32>
        %get3A_80 = arith.index_cast %scan3A_61 : i32 to index
        %get3A_81 = arith.constant 16 : index
        %get3A_82 = tpu.vector_load %arg10[%get3A_80, %get3A_81] {strides = array<i32>} : memref<80x128xf32, #tpu.memory_space<vmem>>, vector<1x16xf32>,
        %get3A_83 = vector.shape_cast %get3A_82 : vector<1x16xf32> to vector<16xf32>
        %add3A_84 = arith.addf %get3A_79, %get3A_83 : vector<16xf32>
        %max3A_85 = arith.constant 0.000000e+00 : f32
        %max3A_86 = vector.broadcast %max3A_85 : f32 to vector<16xf32>
        %max3A_87 = arith.maximumf %add3A_84, %max3A_86 : vector<16xf32>
        %swap3A_88 = arith.index_cast %scan3A_61 : i32 to index
        %swap3A_89 = arith.constant 16 : index
        %swap3A_90 = tpu.vector_load %arg9[%swap3A_88, %swap3A_89] {strides = array<i32>} : memref<80x128xf32, #tpu.memory_space<vmem>>, vector<1x16xf32>,
        %swap3A_91 = vector.shape_cast %swap3A_90 : vector<1x16xf32> to vector<16xf32>
        %swap3A_92 = vector.shape_cast %max3A_87 : vector<16xf32> to vector<1x16xf32>
        tpu.vector_store %arg9[%swap3A_88, %swap3A_89], %swap3A_92 {strides = array<i32>} : memref<80x128xf32, #tpu.memory_space<vmem>>, vector<1x16xf32>,
        %get3A_93 = arith.index_cast %scan3A_61 : i32 to index
        %get3A_94 = arith.constant 32 : index
        %get3A_95 = tpu.vector_load %arg9[%get3A_93, %get3A_94] {strides = array<i32>} : memref<80x128xf32, #tpu.memory_space<vmem>>, vector<1x16xf32>,
        %get3A_96 = vector.shape_cast %get3A_95 : vector<1x16xf32> to vector<16xf32>
        %get3A_97 = arith.index_cast %scan3A_61 : i32 to index
        %get3A_98 = arith.constant 32 : index
        %get3A_99 = tpu.vector_load %arg10[%get3A_97, %get3A_98] {strides = array<i32>} : memref<80x128xf32, #tpu.memory_space<vmem>>, vector<1x16xf32>,
        %get3A_100 = vector.shape_cast %get3A_99 : vector<1x16xf32> to vector<16xf32>
        %add3A_101 = arith.addf %get3A_96, %get3A_100 : vector<16xf32>
        %max3A_102 = arith.constant 0.000000e+00 : f32
        %max3A_103 = vector.broadcast %max3A_102 : f32 to vector<16xf32>
        %max3A_104 = arith.maximumf %add3A_101, %max3A_103 : vector<16xf32>
        %swap3A_105 = arith.index_cast %scan3A_61 : i32 to index
        %swap3A_106 = arith.constant 32 : index
        %swap3A_107 = tpu.vector_load %arg9[%swap3A_105, %swap3A_106] {strides = array<i32>} : memref<80x128xf32, #tpu.memory_space<vmem>>, vector<1x16xf32>,
        %swap3A_108 = vector.shape_cast %swap3A_107 : vector<1x16xf32> to vector<16xf32>
        %swap3A_109 = vector.shape_cast %max3A_104 : vector<16xf32> to vector<1x16xf32>
        tpu.vector_store %arg9[%swap3A_105, %swap3A_106], %swap3A_109 {strides = array<i32>} : memref<80x128xf32, #tpu.memory_space<vmem>>, vector<1x16xf32>,
        %get3A_110 = arith.index_cast %scan3A_61 : i32 to index
        %get3A_111 = arith.constant 48 : index
        %get3A_112 = tpu.vector_load %arg9[%get3A_110, %get3A_111] {strides = array<i32>} : memref<80x128xf32, #tpu.memory_space<vmem>>, vector<1x16xf32>,
        %get3A_113 = vector.shape_cast %get3A_112 : vector<1x16xf32> to vector<16xf32>
        %get3A_114 = arith.index_cast %scan3A_61 : i32 to index
        %get3A_115 = arith.constant 48 : index
        %get3A_116 = tpu.vector_load %arg10[%get3A_114, %get3A_115] {strides = array<i32>} : memref<80x128xf32, #tpu.memory_space<vmem>>, vector<1x16xf32>,
        %get3A_117 = vector.shape_cast %get3A_116 : vector<1x16xf32> to vector<16xf32>
        %add3A_118 = arith.addf %get3A_113, %get3A_117 : vector<16xf32>
        %max3A_119 = arith.constant 0.000000e+00 : f32
        %max3A_120 = vector.broadcast %max3A_119 : f32 to vector<16xf32>
        %max3A_121 = arith.maximumf %add3A_118, %max3A_120 : vector<16xf32>
        %swap3A_122 = arith.index_cast %scan3A_61 : i32 to index
        %swap3A_123 = arith.constant 48 : index
        %swap3A_124 = tpu.vector_load %arg9[%swap3A_122, %swap3A_123] {strides = array<i32>} : memref<80x128xf32, #tpu.memory_space<vmem>>, vector<1x16xf32>,
        %swap3A_125 = vector.shape_cast %swap3A_124 : vector<1x16xf32> to vector<16xf32>
        %swap3A_126 = vector.shape_cast %max3A_121 : vector<16xf32> to vector<1x16xf32>
        tpu.vector_store %arg9[%swap3A_122, %swap3A_123], %swap3A_126 {strides = array<i32>} : memref<80x128xf32, #tpu.memory_space<vmem>>, vector<1x16xf32>,
        %get3A_127 = arith.index_cast %scan3A_61 : i32 to index
        %get3A_128 = arith.constant 64 : index
        %get3A_129 = tpu.vector_load %arg9[%get3A_127, %get3A_128] {strides = array<i32>} : memref<80x128xf32, #tpu.memory_space<vmem>>, vector<1x16xf32>,
        %get3A_130 = vector.shape_cast %get3A_129 : vector<1x16xf32> to vector<16xf32>
        %get3A_131 = arith.index_cast %scan3A_61 : i32 to index
        %get3A_132 = arith.constant 64 : index
        %get3A_133 = tpu.vector_load %arg10[%get3A_131, %get3A_132] {strides = array<i32>} : memref<80x128xf32, #tpu.memory_space<vmem>>, vector<1x16xf32>,
        %get3A_134 = vector.shape_cast %get3A_133 : vector<1x16xf32> to vector<16xf32>
        %add3A_135 = arith.addf %get3A_130, %get3A_134 : vector<16xf32>
        %max3A_136 = arith.constant 0.000000e+00 : f32
        %max3A_137 = vector.broadcast %max3A_136 : f32 to vector<16xf32>
        %max3A_138 = arith.maximumf %add3A_135, %max3A_137 : vector<16xf32>
        %swap3A_139 = arith.index_cast %scan3A_61 : i32 to index
        %swap3A_140 = arith.constant 64 : index
        %swap3A_141 = tpu.vector_load %arg9[%swap3A_139, %swap3A_140] {strides = array<i32>} : memref<80x128xf32, #tpu.memory_space<vmem>>, vector<1x16xf32>,
        %swap3A_142 = vector.shape_cast %swap3A_141 : vector<1x16xf32> to vector<16xf32>
        %swap3A_143 = vector.shape_cast %max3A_138 : vector<16xf32> to vector<1x16xf32>
        tpu.vector_store %arg9[%swap3A_139, %swap3A_140], %swap3A_143 {strides = array<i32>} : memref<80x128xf32, #tpu.memory_space<vmem>>, vector<1x16xf32>,
        %get3A_144 = arith.index_cast %scan3A_61 : i32 to index
        %get3A_145 = arith.constant 80 : index
        %get3A_146 = tpu.vector_load %arg9[%get3A_144, %get3A_145] {strides = array<i32>} : memref<80x128xf32, #tpu.memory_space<vmem>>, vector<1x16xf32>,
        %get3A_147 = vector.shape_cast %get3A_146 : vector<1x16xf32> to vector<16xf32>
        %get3A_148 = arith.index_cast %scan3A_61 : i32 to index
        %get3A_149 = arith.constant 80 : index
        %get3A_150 = tpu.vector_load %arg10[%get3A_148, %get3A_149] {strides = array<i32>} : memref<80x128xf32, #tpu.memory_space<vmem>>, vector<1x16xf32>,
        %get3A_151 = vector.shape_cast %get3A_150 : vector<1x16xf32> to vector<16xf32>
        %add3A_152 = arith.addf %get3A_147, %get3A_151 : vector<16xf32>
        %max3A_153 = arith.constant 0.000000e+00 : f32
        %max3A_154 = vector.broadcast %max3A_153 : f32 to vector<16xf32>
        %max3A_155 = arith.maximumf %add3A_152, %max3A_154 : vector<16xf32>
        %swap3A_156 = arith.index_cast %scan3A_61 : i32 to index
        %swap3A_157 = arith.constant 80 : index
        %swap3A_158 = tpu.vector_load %arg9[%swap3A_156, %swap3A_157] {strides = array<i32>} : memref<80x128xf32, #tpu.memory_space<vmem>>, vector<1x16xf32>,
        %swap3A_159 = vector.shape_cast %swap3A_158 : vector<1x16xf32> to vector<16xf32>
        %swap3A_160 = vector.shape_cast %max3A_155 : vector<16xf32> to vector<1x16xf32>
        tpu.vector_store %arg9[%swap3A_156, %swap3A_157], %swap3A_160 {strides = array<i32>} : memref<80x128xf32, #tpu.memory_space<vmem>>, vector<1x16xf32>,
        %get3A_161 = arith.index_cast %scan3A_61 : i32 to index
        %get3A_162 = arith.constant 96 : index
        %get3A_163 = tpu.vector_load %arg9[%get3A_161, %get3A_162] {strides = array<i32>} : memref<80x128xf32, #tpu.memory_space<vmem>>, vector<1x16xf32>,
        %get3A_164 = vector.shape_cast %get3A_163 : vector<1x16xf32> to vector<16xf32>
        %get3A_165 = arith.index_cast %scan3A_61 : i32 to index
        %get3A_166 = arith.constant 96 : index
        %get3A_167 = tpu.vector_load %arg10[%get3A_165, %get3A_166] {strides = array<i32>} : memref<80x128xf32, #tpu.memory_space<vmem>>, vector<1x16xf32>,
        %get3A_168 = vector.shape_cast %get3A_167 : vector<1x16xf32> to vector<16xf32>
        %add3A_169 = arith.addf %get3A_164, %get3A_168 : vector<16xf32>
        %max3A_170 = arith.constant 0.000000e+00 : f32
        %max3A_171 = vector.broadcast %max3A_170 : f32 to vector<16xf32>
        %max3A_172 = arith.maximumf %add3A_169, %max3A_171 : vector<16xf32>
        %swap3A_173 = arith.index_cast %scan3A_61 : i32 to index
        %swap3A_174 = arith.constant 96 : index
        %swap3A_175 = tpu.vector_load %arg9[%swap3A_173, %swap3A_174] {strides = array<i32>} : memref<80x128xf32, #tpu.memory_space<vmem>>, vector<1x16xf32>,
        %swap3A_176 = vector.shape_cast %swap3A_175 : vector<1x16xf32> to vector<16xf32>
        %swap3A_177 = vector.shape_cast %max3A_172 : vector<16xf32> to vector<1x16xf32>
        tpu.vector_store %arg9[%swap3A_173, %swap3A_174], %swap3A_177 {strides = array<i32>} : memref<80x128xf32, #tpu.memory_space<vmem>>, vector<1x16xf32>,
        %get3A_178 = arith.index_cast %scan3A_61 : i32 to index
        %get3A_179 = arith.constant 112 : index
        %get3A_180 = tpu.vector_load %arg9[%get3A_178, %get3A_179] {strides = array<i32>} : memref<80x128xf32, #tpu.memory_space<vmem>>, vector<1x16xf32>,
        %get3A_181 = vector.shape_cast %get3A_180 : vector<1x16xf32> to vector<16xf32>
        %get3A_182 = arith.index_cast %scan3A_61 : i32 to index
        %get3A_183 = arith.constant 112 : index
        %get3A_184 = tpu.vector_load %arg10[%get3A_182, %get3A_183] {strides = array<i32>} : memref<80x128xf32, #tpu.memory_space<vmem>>, vector<1x16xf32>,
        %get3A_185 = vector.shape_cast %get3A_184 : vector<1x16xf32> to vector<16xf32>
        %add3A_186 = arith.addf %get3A_181, %get3A_185 : vector<16xf32>
        %max3A_187 = arith.constant 0.000000e+00 : f32
        %max3A_188 = vector.broadcast %max3A_187 : f32 to vector<16xf32>
        %max3A_189 = arith.maximumf %add3A_186, %max3A_188 : vector<16xf32>
        %swap3A_190 = arith.index_cast %scan3A_61 : i32 to index
        %swap3A_191 = arith.constant 112 : index
        %swap3A_192 = tpu.vector_load %arg9[%swap3A_190, %swap3A_191] {strides = array<i32>} : memref<80x128xf32, #tpu.memory_space<vmem>>, vector<1x16xf32>,
        %swap3A_193 = vector.shape_cast %swap3A_192 : vector<1x16xf32> to vector<16xf32>
        %swap3A_194 = vector.shape_cast %max3A_189 : vector<16xf32> to vector<1x16xf32>
        tpu.vector_store %arg9[%swap3A_190, %swap3A_191], %swap3A_194 {strides = array<i32>} : memref<80x128xf32, #tpu.memory_space<vmem>>, vector<1x16xf32>,
      }
      %scan3A_60 = arith.constant 80 : i32
      "tpu.region"() ({
        %run_scoped3A = tpu.sem_alloc : memref<!tpu.dma_semaphore, #tpu.memory_space<semaphore_mem>>
        %dma_start3A_61 = arith.constant 0 : i32
        %dma_start3A_62 = arith.constant 0 : i32
        %dma_start3A_63 = tpu.memref_slice %arg12[%dma_start3A_61, %dma_start3A_62] : memref<10000x128xf32, #tpu.memory_space<vmem_shared>> -> memref<10000x128xf32, #tpu.memory_space<vmem_shared>>
        tpu.enqueue_indirect_dma source(%arg9 : memref<80x128xf32, #tpu.memory_space<vmem>>) target(%dma_start3A_63 : memref<10000x128xf32, #tpu.memory_space<vmem_shared>>) offsets(%arg8 : memref<80xi32, #tpu.memory_space<vmem>>) semaphore(%run_scoped3A : memref<!tpu.dma_semaphore, #tpu.memory_space<semaphore_mem>>) {add = true}
        %dma_wait3A_64 = arith.constant 0 : i32
        %dma_wait3A_65 = arith.constant 0 : i32
        %dma_wait3A_66 = tpu.memref_slice %arg12[%dma_wait3A_64, %dma_wait3A_65] : memref<10000x128xf32, #tpu.memory_space<vmem_shared>> -> memref<10000x128xf32, #tpu.memory_space<vmem_shared>>
        tpu.wait_indirect_dma semaphore(%run_scoped3A : memref<!tpu.dma_semaphore, #tpu.memory_space<semaphore_mem>>) src(%arg9 : memref<80x128xf32, #tpu.memory_space<vmem>>) dst(%dma_wait3A_66 : memref<10000x128xf32, #tpu.memory_space<vmem_shared>>)
        tpu.yield
      }) : () -> ()
    }
    %scan3A_34 = arith.constant 125 : i32
    %barrier3A_35 = arith.constant 0 : index
    tpu.barrier barrier_id(%barrier3A_35)
    %mul3A_36 = arith.constant 624 : i32
    %mul3A_37 = arith.muli %arg1, %mul3A_36 : i32
    %mul3A_38 = arith.constant 624 : i32
    %mul3A_39 = arith.muli %arg1, %mul3A_38 : i32
    "tpu.region"() ({
      %run_scoped3A = tpu.sem_alloc : memref<!tpu.dma_semaphore, #tpu.memory_space<semaphore_mem>>
      %dma_start3A = arith.constant 0 : i32
      %dma_start3A_45 = tpu.memref_slice %arg6[%arg0, %mul3A_39, %dma_start3A] : memref<2x10000x128xf32, #tpu.memory_space<hbm>> -> memref<1x624x128xf32, #tpu.memory_space<hbm>>
      %dma_start3A_46 = tpu.memref_squeeze %dma_start3A_45 : memref<1x624x128xf32, #tpu.memory_space<hbm>> -> memref<624x128xf32, #tpu.memory_space<hbm>>
      %dma_start3A_47 = arith.constant 0 : i32
      %dma_start3A_48 = tpu.memref_slice %arg12[%mul3A_37, %dma_start3A_47] : memref<10000x128xf32, #tpu.memory_space<vmem_shared>> -> memref<624x128xf32, #tpu.memory_space<vmem_shared>>
      tpu.enqueue_dma source(%dma_start3A_48 : memref<624x128xf32, #tpu.memory_space<vmem_shared>>) target(%dma_start3A_46 : memref<624x128xf32, #tpu.memory_space<hbm>>) target_semaphore(%run_scoped3A : memref<!tpu.dma_semaphore, #tpu.memory_space<semaphore_mem>>)
      %dma_wait3A = arith.constant 0 : i32
      %dma_wait3A_49 = tpu.memref_slice %arg6[%arg0, %mul3A_39, %dma_wait3A] : memref<2x10000x128xf32, #tpu.memory_space<hbm>> -> memref<1x624x128xf32, #tpu.memory_space<hbm>>
      %dma_wait3A_50 = tpu.memref_squeeze %dma_wait3A_49 : memref<1x624x128xf32, #tpu.memory_space<hbm>> -> memref<624x128xf32, #tpu.memory_space<hbm>>
      %dma_wait3A_51 = arith.constant 0 : i32
      %dma_wait3A_52 = tpu.memref_slice %arg12[%mul3A_37, %dma_wait3A_51] : memref<10000x128xf32, #tpu.memory_space<vmem_shared>> -> memref<624x128xf32, #tpu.memory_space<vmem_shared>>
      tpu.wait_dma2 semaphore(%run_scoped3A : memref<!tpu.dma_semaphore, #tpu.memory_space<semaphore_mem>>) src(%dma_wait3A_52 : memref<624x128xf32, #tpu.memory_space<vmem_shared>>) dst(%dma_wait3A_50 : memref<624x128xf32, #tpu.memory_space<hbm>>)
      tpu.yield
    }) : () -> ()
    %eq3A_40 = arith.constant 15 : i32
    %eq3A_41 = arith.cmpi eq, %arg1, %eq3A_40 : i32
    %convert_element_type3A_42 = arith.extui %eq3A_41 : i1 to i32
    %cond3A_43 = arith.constant 0 : i32
    %cond3A_44 = arith.cmpi ne, %convert_element_type3A_42, %cond3A_43 : i32
    scf.if %cond3A_44 {
      "tpu.region"() ({
        %run_scoped3A = tpu.sem_alloc : memref<!tpu.dma_semaphore, #tpu.memory_space<semaphore_mem>>
        %dma_start3A = arith.constant 9984 : i32
        %dma_start3A_45 = arith.constant 0 : i32
        %dma_start3A_46 = tpu.memref_slice %arg6[%arg0, %dma_start3A, %dma_start3A_45] : memref<2x10000x128xf32, #tpu.memory_space<hbm>> -> memref<1x16x128xf32, #tpu.memory_space<hbm>>
        %dma_start3A_47 = tpu.memref_squeeze %dma_start3A_46 : memref<1x16x128xf32, #tpu.memory_space<hbm>> -> memref<16x128xf32, #tpu.memory_space<hbm>>
        %dma_start3A_48 = arith.constant 9984 : i32
        %dma_start3A_49 = arith.constant 0 : i32
        %dma_start3A_50 = tpu.memref_slice %arg12[%dma_start3A_48, %dma_start3A_49] : memref<10000x128xf32, #tpu.memory_space<vmem_shared>> -> memref<16x128xf32, #tpu.memory_space<vmem_shared>>
        tpu.enqueue_dma source(%dma_start3A_50 : memref<16x128xf32, #tpu.memory_space<vmem_shared>>) target(%dma_start3A_47 : memref<16x128xf32, #tpu.memory_space<hbm>>) target_semaphore(%run_scoped3A : memref<!tpu.dma_semaphore, #tpu.memory_space<semaphore_mem>>)
        %dma_wait3A = arith.constant 9984 : i32
        %dma_wait3A_51 = arith.constant 0 : i32
        %dma_wait3A_52 = tpu.memref_slice %arg6[%arg0, %dma_wait3A, %dma_wait3A_51] : memref<2x10000x128xf32, #tpu.memory_space<hbm>> -> memref<1x16x128xf32, #tpu.memory_space<hbm>>
        %dma_wait3A_53 = tpu.memref_squeeze %dma_wait3A_52 : memref<1x16x128xf32, #tpu.memory_space<hbm>> -> memref<16x128xf32, #tpu.memory_space<hbm>>
        %dma_wait3A_54 = arith.constant 9984 : i32
        %dma_wait3A_55 = arith.constant 0 : i32
        %dma_wait3A_56 = tpu.memref_slice %arg12[%dma_wait3A_54, %dma_wait3A_55] : memref<10000x128xf32, #tpu.memory_space<vmem_shared>> -> memref<16x128xf32, #tpu.memory_space<vmem_shared>>
        tpu.wait_dma2 semaphore(%run_scoped3A : memref<!tpu.dma_semaphore, #tpu.memory_space<semaphore_mem>>) src(%dma_wait3A_56 : memref<16x128xf32, #tpu.memory_space<vmem_shared>>) dst(%dma_wait3A_53 : memref<16x128xf32, #tpu.memory_space<hbm>>)
        tpu.yield
      }) : () -> ()
    } else {
    }
    return
  }
}

#map = affine_map<(d0, d1) -> (0, 0)>
#map1 = affine_map<(d0, d1) -> (0)>
#map2 = affine_map<(d0, d1) -> (0, 0, 0)>
module attributes {stable_mosaic.version = 14 : i64} {
  func.func @body(%arg0: i32, %arg1: i32, %arg2: memref<10000x128xf32, #tpu.memory_space<hbm>>, %arg3: memref<320000x128xf32, #tpu.memory_space<hbm>>, %arg4: memref<320000xi32, #tpu.memory_space<hbm>>, %arg5: memref<320000xi32, #tpu.memory_space<hbm>>, %arg6: memref<2x10000x128xf32, #tpu.memory_space<hbm>>, %arg7: memref<80xi32, #tpu.memory_space<vmem>>, %arg8: memref<80xi32, #tpu.memory_space<vmem>>, %arg9: memref<80x128xf32, #tpu.memory_space<vmem>>, %arg10: memref<80x128xf32, #tpu.memory_space<vmem>>, %arg11: memref<128x128xf32, #tpu.memory_space<vmem>>, %arg12: memref<10000x128xf32, #tpu.memory_space<vmem_shared>>, %arg13: memref<!tpu.dma_semaphore, #tpu.memory_space<semaphore_mem>>) attributes {dimension_semantics = [#tpu.dimension_semantics<core_parallel>, #tpu.dimension_semantics<subcore_parallel>], iteration_bounds = array<i64: 2, 16>, scalar_prefetch = 0 : i64, scratch_operands = 7 : i64, tpu.core_type = #tpu.core_type<sc_vector_subcore>, window_params = [{transform_indices = #map}, {transform_indices = #map}, {transform_indices = #map1}, {transform_indices = #map1}, {transform_indices = #map2}]} {
    %mul3A = arith.constant 2 : i32
    %mul3A_0 = arith.muli %arg1, %mul3A : i32
    %add3A = arith.addi %mul3A_0, %arg0 : i32
    %scan3A = arith.constant 0 : i32
    %scan3A_1 = arith.constant 0 : i32
    %scan3A_2 = arith.constant 128 : i32
    %scan3A_3 = arith.addi %scan3A_1, %scan3A_2 : i32
    %scan3A_4 = arith.constant 1 : i32
    scf.for %scan3A_45 = %scan3A_1 to %scan3A_3 step %scan3A_4  : i32 {
      %broadcast_in_dim3A = arith.constant 0.000000e+00 : f32
      %broadcast_in_dim3A_46 = vector.broadcast %broadcast_in_dim3A : f32 to vector<16xf32>
      %swap3A = arith.index_cast %scan3A_45 : i32 to index
      %swap3A_47 = arith.constant 0 : index
      %swap3A_48 = tpu.vector_load %arg11[%swap3A, %swap3A_47] {strides = array<i32>} : memref<128x128xf32, #tpu.memory_space<vmem>>, vector<1x16xf32>,
      %swap3A_49 = vector.shape_cast %swap3A_48 : vector<1x16xf32> to vector<16xf32>
      %swap3A_50 = vector.shape_cast %broadcast_in_dim3A_46 : vector<16xf32> to vector<1x16xf32>
      tpu.vector_store %arg11[%swap3A, %swap3A_47], %swap3A_50 {strides = array<i32>} : memref<128x128xf32, #tpu.memory_space<vmem>>, vector<1x16xf32>,
      %broadcast_in_dim3A_51 = arith.constant 0.000000e+00 : f32
      %broadcast_in_dim3A_52 = vector.broadcast %broadcast_in_dim3A_51 : f32 to vector<16xf32>
      %swap3A_53 = arith.index_cast %scan3A_45 : i32 to index
      %swap3A_54 = arith.constant 16 : index
      %swap3A_55 = tpu.vector_load %arg11[%swap3A_53, %swap3A_54] {strides = array<i32>} : memref<128x128xf32, #tpu.memory_space<vmem>>, vector<1x16xf32>,
      %swap3A_56 = vector.shape_cast %swap3A_55 : vector<1x16xf32> to vector<16xf32>
      %swap3A_57 = vector.shape_cast %broadcast_in_dim3A_52 : vector<16xf32> to vector<1x16xf32>
      tpu.vector_store %arg11[%swap3A_53, %swap3A_54], %swap3A_57 {strides = array<i32>} : memref<128x128xf32, #tpu.memory_space<vmem>>, vector<1x16xf32>,
      %broadcast_in_dim3A_58 = arith.constant 0.000000e+00 : f32
      %broadcast_in_dim3A_59 = vector.broadcast %broadcast_in_dim3A_58 : f32 to vector<16xf32>
      %swap3A_60 = arith.index_cast %scan3A_45 : i32 to index
      %swap3A_61 = arith.constant 32 : index
      %swap3A_62 = tpu.vector_load %arg11[%swap3A_60, %swap3A_61] {strides = array<i32>} : memref<128x128xf32, #tpu.memory_space<vmem>>, vector<1x16xf32>,
      %swap3A_63 = vector.shape_cast %swap3A_62 : vector<1x16xf32> to vector<16xf32>
      %swap3A_64 = vector.shape_cast %broadcast_in_dim3A_59 : vector<16xf32> to vector<1x16xf32>
      tpu.vector_store %arg11[%swap3A_60, %swap3A_61], %swap3A_64 {strides = array<i32>} : memref<128x128xf32, #tpu.memory_space<vmem>>, vector<1x16xf32>,
      %broadcast_in_dim3A_65 = arith.constant 0.000000e+00 : f32
      %broadcast_in_dim3A_66 = vector.broadcast %broadcast_in_dim3A_65 : f32 to vector<16xf32>
      %swap3A_67 = arith.index_cast %scan3A_45 : i32 to index
      %swap3A_68 = arith.constant 48 : index
      %swap3A_69 = tpu.vector_load %arg11[%swap3A_67, %swap3A_68] {strides = array<i32>} : memref<128x128xf32, #tpu.memory_space<vmem>>, vector<1x16xf32>,
      %swap3A_70 = vector.shape_cast %swap3A_69 : vector<1x16xf32> to vector<16xf32>
      %swap3A_71 = vector.shape_cast %broadcast_in_dim3A_66 : vector<16xf32> to vector<1x16xf32>
      tpu.vector_store %arg11[%swap3A_67, %swap3A_68], %swap3A_71 {strides = array<i32>} : memref<128x128xf32, #tpu.memory_space<vmem>>, vector<1x16xf32>,
      %broadcast_in_dim3A_72 = arith.constant 0.000000e+00 : f32
      %broadcast_in_dim3A_73 = vector.broadcast %broadcast_in_dim3A_72 : f32 to vector<16xf32>
      %swap3A_74 = arith.index_cast %scan3A_45 : i32 to index
      %swap3A_75 = arith.constant 64 : index
      %swap3A_76 = tpu.vector_load %arg11[%swap3A_74, %swap3A_75] {strides = array<i32>} : memref<128x128xf32, #tpu.memory_space<vmem>>, vector<1x16xf32>,
      %swap3A_77 = vector.shape_cast %swap3A_76 : vector<1x16xf32> to vector<16xf32>
      %swap3A_78 = vector.shape_cast %broadcast_in_dim3A_73 : vector<16xf32> to vector<1x16xf32>
      tpu.vector_store %arg11[%swap3A_74, %swap3A_75], %swap3A_78 {strides = array<i32>} : memref<128x128xf32, #tpu.memory_space<vmem>>, vector<1x16xf32>,
      %broadcast_in_dim3A_79 = arith.constant 0.000000e+00 : f32
      %broadcast_in_dim3A_80 = vector.broadcast %broadcast_in_dim3A_79 : f32 to vector<16xf32>
      %swap3A_81 = arith.index_cast %scan3A_45 : i32 to index
      %swap3A_82 = arith.constant 80 : index
      %swap3A_83 = tpu.vector_load %arg11[%swap3A_81, %swap3A_82] {strides = array<i32>} : memref<128x128xf32, #tpu.memory_space<vmem>>, vector<1x16xf32>,
      %swap3A_84 = vector.shape_cast %swap3A_83 : vector<1x16xf32> to vector<16xf32>
      %swap3A_85 = vector.shape_cast %broadcast_in_dim3A_80 : vector<16xf32> to vector<1x16xf32>
      tpu.vector_store %arg11[%swap3A_81, %swap3A_82], %swap3A_85 {strides = array<i32>} : memref<128x128xf32, #tpu.memory_space<vmem>>, vector<1x16xf32>,
      %broadcast_in_dim3A_86 = arith.constant 0.000000e+00 : f32
      %broadcast_in_dim3A_87 = vector.broadcast %broadcast_in_dim3A_86 : f32 to vector<16xf32>
      %swap3A_88 = arith.index_cast %scan3A_45 : i32 to index
      %swap3A_89 = arith.constant 96 : index
      %swap3A_90 = tpu.vector_load %arg11[%swap3A_88, %swap3A_89] {strides = array<i32>} : memref<128x128xf32, #tpu.memory_space<vmem>>, vector<1x16xf32>,
      %swap3A_91 = vector.shape_cast %swap3A_90 : vector<1x16xf32> to vector<16xf32>
      %swap3A_92 = vector.shape_cast %broadcast_in_dim3A_87 : vector<16xf32> to vector<1x16xf32>
      tpu.vector_store %arg11[%swap3A_88, %swap3A_89], %swap3A_92 {strides = array<i32>} : memref<128x128xf32, #tpu.memory_space<vmem>>, vector<1x16xf32>,
      %broadcast_in_dim3A_93 = arith.constant 0.000000e+00 : f32
      %broadcast_in_dim3A_94 = vector.broadcast %broadcast_in_dim3A_93 : f32 to vector<16xf32>
      %swap3A_95 = arith.index_cast %scan3A_45 : i32 to index
      %swap3A_96 = arith.constant 112 : index
      %swap3A_97 = tpu.vector_load %arg11[%swap3A_95, %swap3A_96] {strides = array<i32>} : memref<128x128xf32, #tpu.memory_space<vmem>>, vector<1x16xf32>,
      %swap3A_98 = vector.shape_cast %swap3A_97 : vector<1x16xf32> to vector<16xf32>
      %swap3A_99 = vector.shape_cast %broadcast_in_dim3A_94 : vector<16xf32> to vector<1x16xf32>
      tpu.vector_store %arg11[%swap3A_95, %swap3A_96], %swap3A_99 {strides = array<i32>} : memref<128x128xf32, #tpu.memory_space<vmem>>, vector<1x16xf32>,
    }
    %scan3A_5 = arith.constant 128 : i32
    %mul3A_6 = arith.constant 624 : i32
    %mul3A_7 = arith.muli %arg1, %mul3A_6 : i32
    %add3A_8 = arith.constant 0 : i32
    %add3A_9 = arith.addi %mul3A_7, %add3A_8 : i32
    "tpu.region"() ({
      %run_scoped3A = tpu.sem_alloc : memref<!tpu.dma_semaphore, #tpu.memory_space<semaphore_mem>>
      %dma_start3A = arith.constant 0 : i32
      %dma_start3A_45 = tpu.memref_slice %arg12[%add3A_9, %dma_start3A] : memref<10000x128xf32, #tpu.memory_space<vmem_shared>> -> memref<128x128xf32, #tpu.memory_space<vmem_shared>>
      %dma_start3A_46 = arith.constant 0 : i32
      %dma_start3A_47 = tpu.memref_slice %arg12[%add3A_9, %dma_start3A_46] : memref<10000x128xf32, #tpu.memory_space<vmem_shared>> -> memref<128x128xf32, #tpu.memory_space<vmem_shared>>
      tpu.enqueue_dma source(%arg11 : memref<128x128xf32, #tpu.memory_space<vmem>>) target(%dma_start3A_47 : memref<128x128xf32, #tpu.memory_space<vmem_shared>>) target_semaphore(%run_scoped3A : memref<!tpu.dma_semaphore, #tpu.memory_space<semaphore_mem>>)
      %dma_wait3A = arith.constant 0 : i32
      %dma_wait3A_48 = tpu.memref_slice %arg12[%add3A_9, %dma_wait3A] : memref<10000x128xf32, #tpu.memory_space<vmem_shared>> -> memref<128x128xf32, #tpu.memory_space<vmem_shared>>
      %dma_wait3A_49 = arith.constant 0 : i32
      %dma_wait3A_50 = tpu.memref_slice %arg12[%add3A_9, %dma_wait3A_49] : memref<10000x128xf32, #tpu.memory_space<vmem_shared>> -> memref<128x128xf32, #tpu.memory_space<vmem_shared>>
      tpu.wait_dma2 semaphore(%run_scoped3A : memref<!tpu.dma_semaphore, #tpu.memory_space<semaphore_mem>>) src(%arg11 : memref<128x128xf32, #tpu.memory_space<vmem>>) dst(%dma_wait3A_50 : memref<128x128xf32, #tpu.memory_space<vmem_shared>>)
      tpu.yield
    }) : () -> ()
    %mul3A_10 = arith.constant 624 : i32
    %mul3A_11 = arith.muli %arg1, %mul3A_10 : i32
    %add3A_12 = arith.constant 128 : i32
    %add3A_13 = arith.addi %mul3A_11, %add3A_12 : i32
    "tpu.region"() ({
      %run_scoped3A = tpu.sem_alloc : memref<!tpu.dma_semaphore, #tpu.memory_space<semaphore_mem>>
      %dma_start3A = arith.constant 0 : i32
      %dma_start3A_45 = tpu.memref_slice %arg12[%add3A_13, %dma_start3A] : memref<10000x128xf32, #tpu.memory_space<vmem_shared>> -> memref<128x128xf32, #tpu.memory_space<vmem_shared>>
      %dma_start3A_46 = arith.constant 0 : i32
      %dma_start3A_47 = tpu.memref_slice %arg12[%add3A_13, %dma_start3A_46] : memref<10000x128xf32, #tpu.memory_space<vmem_shared>> -> memref<128x128xf32, #tpu.memory_space<vmem_shared>>
      tpu.enqueue_dma source(%arg11 : memref<128x128xf32, #tpu.memory_space<vmem>>) target(%dma_start3A_47 : memref<128x128xf32, #tpu.memory_space<vmem_shared>>) target_semaphore(%run_scoped3A : memref<!tpu.dma_semaphore, #tpu.memory_space<semaphore_mem>>)
      %dma_wait3A = arith.constant 0 : i32
      %dma_wait3A_48 = tpu.memref_slice %arg12[%add3A_13, %dma_wait3A] : memref<10000x128xf32, #tpu.memory_space<vmem_shared>> -> memref<128x128xf32, #tpu.memory_space<vmem_shared>>
      %dma_wait3A_49 = arith.constant 0 : i32
      %dma_wait3A_50 = tpu.memref_slice %arg12[%add3A_13, %dma_wait3A_49] : memref<10000x128xf32, #tpu.memory_space<vmem_shared>> -> memref<128x128xf32, #tpu.memory_space<vmem_shared>>
      tpu.wait_dma2 semaphore(%run_scoped3A : memref<!tpu.dma_semaphore, #tpu.memory_space<semaphore_mem>>) src(%arg11 : memref<128x128xf32, #tpu.memory_space<vmem>>) dst(%dma_wait3A_50 : memref<128x128xf32, #tpu.memory_space<vmem_shared>>)
      tpu.yield
    }) : () -> ()
    %mul3A_14 = arith.constant 624 : i32
    %mul3A_15 = arith.muli %arg1, %mul3A_14 : i32
    %add3A_16 = arith.constant 256 : i32
    %add3A_17 = arith.addi %mul3A_15, %add3A_16 : i32
    "tpu.region"() ({
      %run_scoped3A = tpu.sem_alloc : memref<!tpu.dma_semaphore, #tpu.memory_space<semaphore_mem>>
      %dma_start3A = arith.constant 0 : i32
      %dma_start3A_45 = tpu.memref_slice %arg12[%add3A_17, %dma_start3A] : memref<10000x128xf32, #tpu.memory_space<vmem_shared>> -> memref<128x128xf32, #tpu.memory_space<vmem_shared>>
      %dma_start3A_46 = arith.constant 0 : i32
      %dma_start3A_47 = tpu.memref_slice %arg12[%add3A_17, %dma_start3A_46] : memref<10000x128xf32, #tpu.memory_space<vmem_shared>> -> memref<128x128xf32, #tpu.memory_space<vmem_shared>>
      tpu.enqueue_dma source(%arg11 : memref<128x128xf32, #tpu.memory_space<vmem>>) target(%dma_start3A_47 : memref<128x128xf32, #tpu.memory_space<vmem_shared>>) target_semaphore(%run_scoped3A : memref<!tpu.dma_semaphore, #tpu.memory_space<semaphore_mem>>)
      %dma_wait3A = arith.constant 0 : i32
      %dma_wait3A_48 = tpu.memref_slice %arg12[%add3A_17, %dma_wait3A] : memref<10000x128xf32, #tpu.memory_space<vmem_shared>> -> memref<128x128xf32, #tpu.memory_space<vmem_shared>>
      %dma_wait3A_49 = arith.constant 0 : i32
      %dma_wait3A_50 = tpu.memref_slice %arg12[%add3A_17, %dma_wait3A_49] : memref<10000x128xf32, #tpu.memory_space<vmem_shared>> -> memref<128x128xf32, #tpu.memory_space<vmem_shared>>
      tpu.wait_dma2 semaphore(%run_scoped3A : memref<!tpu.dma_semaphore, #tpu.memory_space<semaphore_mem>>) src(%arg11 : memref<128x128xf32, #tpu.memory_space<vmem>>) dst(%dma_wait3A_50 : memref<128x128xf32, #tpu.memory_space<vmem_shared>>)
      tpu.yield
    }) : () -> ()
    %mul3A_18 = arith.constant 624 : i32
    %mul3A_19 = arith.muli %arg1, %mul3A_18 : i32
    %add3A_20 = arith.constant 384 : i32
    %add3A_21 = arith.addi %mul3A_19, %add3A_20 : i32
    "tpu.region"() ({
      %run_scoped3A = tpu.sem_alloc : memref<!tpu.dma_semaphore, #tpu.memory_space<semaphore_mem>>
      %dma_start3A = arith.constant 0 : i32
      %dma_start3A_45 = tpu.memref_slice %arg12[%add3A_21, %dma_start3A] : memref<10000x128xf32, #tpu.memory_space<vmem_shared>> -> memref<128x128xf32, #tpu.memory_space<vmem_shared>>
      %dma_start3A_46 = arith.constant 0 : i32
      %dma_start3A_47 = tpu.memref_slice %arg12[%add3A_21, %dma_start3A_46] : memref<10000x128xf32, #tpu.memory_space<vmem_shared>> -> memref<128x128xf32, #tpu.memory_space<vmem_shared>>
      tpu.enqueue_dma source(%arg11 : memref<128x128xf32, #tpu.memory_space<vmem>>) target(%dma_start3A_47 : memref<128x128xf32, #tpu.memory_space<vmem_shared>>) target_semaphore(%run_scoped3A : memref<!tpu.dma_semaphore, #tpu.memory_space<semaphore_mem>>)
      %dma_wait3A = arith.constant 0 : i32
      %dma_wait3A_48 = tpu.memref_slice %arg12[%add3A_21, %dma_wait3A] : memref<10000x128xf32, #tpu.memory_space<vmem_shared>> -> memref<128x128xf32, #tpu.memory_space<vmem_shared>>
      %dma_wait3A_49 = arith.constant 0 : i32
      %dma_wait3A_50 = tpu.memref_slice %arg12[%add3A_21, %dma_wait3A_49] : memref<10000x128xf32, #tpu.memory_space<vmem_shared>> -> memref<128x128xf32, #tpu.memory_space<vmem_shared>>
      tpu.wait_dma2 semaphore(%run_scoped3A : memref<!tpu.dma_semaphore, #tpu.memory_space<semaphore_mem>>) src(%arg11 : memref<128x128xf32, #tpu.memory_space<vmem>>) dst(%dma_wait3A_50 : memref<128x128xf32, #tpu.memory_space<vmem_shared>>)
      tpu.yield
    }) : () -> ()
    %mul3A_22 = arith.constant 624 : i32
    %mul3A_23 = arith.muli %arg1, %mul3A_22 : i32
    %add3A_24 = arith.constant 624 : i32
    %add3A_25 = arith.addi %mul3A_23, %add3A_24 : i32
    %sub3A = arith.constant 112 : i32
    %sub3A_26 = arith.subi %add3A_25, %sub3A : i32
    "tpu.region"() ({
      %run_scoped3A = tpu.sem_alloc : memref<!tpu.dma_semaphore, #tpu.memory_space<semaphore_mem>>
      %dma_start3A = arith.constant 0 : i32
      %dma_start3A_45 = arith.constant 0 : i32
      %dma_start3A_46 = tpu.memref_slice %arg11[%dma_start3A, %dma_start3A_45] : memref<128x128xf32, #tpu.memory_space<vmem>> -> memref<112x128xf32, #tpu.memory_space<vmem>>
      %dma_start3A_47 = arith.constant 0 : i32
      %dma_start3A_48 = tpu.memref_slice %arg12[%sub3A_26, %dma_start3A_47] : memref<10000x128xf32, #tpu.memory_space<vmem_shared>> -> memref<112x128xf32, #tpu.memory_space<vmem_shared>>
      %dma_start3A_49 = arith.constant 0 : i32
      %dma_start3A_50 = tpu.memref_slice %arg12[%sub3A_26, %dma_start3A_49] : memref<10000x128xf32, #tpu.memory_space<vmem_shared>> -> memref<112x128xf32, #tpu.memory_space<vmem_shared>>
      %dma_start3A_51 = arith.constant 0 : i32
      %dma_start3A_52 = arith.constant 0 : i32
      %dma_start3A_53 = tpu.memref_slice %arg11[%dma_start3A_51, %dma_start3A_52] : memref<128x128xf32, #tpu.memory_space<vmem>> -> memref<112x128xf32, #tpu.memory_space<vmem>>
      tpu.enqueue_dma source(%dma_start3A_53 : memref<112x128xf32, #tpu.memory_space<vmem>>) target(%dma_start3A_50 : memref<112x128xf32, #tpu.memory_space<vmem_shared>>) target_semaphore(%run_scoped3A : memref<!tpu.dma_semaphore, #tpu.memory_space<semaphore_mem>>)
      %dma_wait3A = arith.constant 0 : i32
      %dma_wait3A_54 = arith.constant 0 : i32
      %dma_wait3A_55 = tpu.memref_slice %arg11[%dma_wait3A, %dma_wait3A_54] : memref<128x128xf32, #tpu.memory_space<vmem>> -> memref<112x128xf32, #tpu.memory_space<vmem>>
      %dma_wait3A_56 = arith.constant 0 : i32
      %dma_wait3A_57 = tpu.memref_slice %arg12[%sub3A_26, %dma_wait3A_56] : memref<10000x128xf32, #tpu.memory_space<vmem_shared>> -> memref<112x128xf32, #tpu.memory_space<vmem_shared>>
      %dma_wait3A_58 = arith.constant 0 : i32
      %dma_wait3A_59 = tpu.memref_slice %arg12[%sub3A_26, %dma_wait3A_58] : memref<10000x128xf32, #tpu.memory_space<vmem_shared>> -> memref<112x128xf32, #tpu.memory_space<vmem_shared>>
      %dma_wait3A_60 = arith.constant 0 : i32
      %dma_wait3A_61 = arith.constant 0 : i32
      %dma_wait3A_62 = tpu.memref_slice %arg11[%dma_wait3A_60, %dma_wait3A_61] : memref<128x128xf32, #tpu.memory_space<vmem>> -> memref<112x128xf32, #tpu.memory_space<vmem>>
      tpu.wait_dma2 semaphore(%run_scoped3A : memref<!tpu.dma_semaphore, #tpu.memory_space<semaphore_mem>>) src(%dma_wait3A_62 : memref<112x128xf32, #tpu.memory_space<vmem>>) dst(%dma_wait3A_59 : memref<112x128xf32, #tpu.memory_space<vmem_shared>>)
      tpu.yield
    }) : () -> ()
    %eq3A = arith.constant 15 : i32
    %eq3A_27 = arith.cmpi eq, %arg1, %eq3A : i32
    %convert_element_type3A = arith.extui %eq3A_27 : i1 to i32
    %cond3A = arith.constant 0 : i32
    %cond3A_28 = arith.cmpi ne, %convert_element_type3A, %cond3A : i32
    scf.if %cond3A_28 {
      "tpu.region"() ({
        %run_scoped3A = tpu.sem_alloc : memref<!tpu.dma_semaphore, #tpu.memory_space<semaphore_mem>>
        %dma_start3A = arith.constant 0 : i32
        %dma_start3A_45 = arith.constant 0 : i32
        %dma_start3A_46 = tpu.memref_slice %arg11[%dma_start3A, %dma_start3A_45] : memref<128x128xf32, #tpu.memory_space<vmem>> -> memref<16x128xf32, #tpu.memory_space<vmem>>
        %dma_start3A_47 = arith.constant 9984 : i32
        %dma_start3A_48 = arith.constant 0 : i32
        %dma_start3A_49 = tpu.memref_slice %arg12[%dma_start3A_47, %dma_start3A_48] : memref<10000x128xf32, #tpu.memory_space<vmem_shared>> -> memref<16x128xf32, #tpu.memory_space<vmem_shared>>
        %dma_start3A_50 = arith.constant 9984 : i32
        %dma_start3A_51 = arith.constant 0 : i32
        %dma_start3A_52 = tpu.memref_slice %arg12[%dma_start3A_50, %dma_start3A_51] : memref<10000x128xf32, #tpu.memory_space<vmem_shared>> -> memref<16x128xf32, #tpu.memory_space<vmem_shared>>
        %dma_start3A_53 = arith.constant 0 : i32
        %dma_start3A_54 = arith.constant 0 : i32
        %dma_start3A_55 = tpu.memref_slice %arg11[%dma_start3A_53, %dma_start3A_54] : memref<128x128xf32, #tpu.memory_space<vmem>> -> memref<16x128xf32, #tpu.memory_space<vmem>>
        tpu.enqueue_dma source(%dma_start3A_55 : memref<16x128xf32, #tpu.memory_space<vmem>>) target(%dma_start3A_52 : memref<16x128xf32, #tpu.memory_space<vmem_shared>>) target_semaphore(%run_scoped3A : memref<!tpu.dma_semaphore, #tpu.memory_space<semaphore_mem>>)
        %dma_wait3A = arith.constant 0 : i32
        %dma_wait3A_56 = arith.constant 0 : i32
        %dma_wait3A_57 = tpu.memref_slice %arg11[%dma_wait3A, %dma_wait3A_56] : memref<128x128xf32, #tpu.memory_space<vmem>> -> memref<16x128xf32, #tpu.memory_space<vmem>>
        %dma_wait3A_58 = arith.constant 9984 : i32
        %dma_wait3A_59 = arith.constant 0 : i32
        %dma_wait3A_60 = tpu.memref_slice %arg12[%dma_wait3A_58, %dma_wait3A_59] : memref<10000x128xf32, #tpu.memory_space<vmem_shared>> -> memref<16x128xf32, #tpu.memory_space<vmem_shared>>
        %dma_wait3A_61 = arith.constant 9984 : i32
        %dma_wait3A_62 = arith.constant 0 : i32
        %dma_wait3A_63 = tpu.memref_slice %arg12[%dma_wait3A_61, %dma_wait3A_62] : memref<10000x128xf32, #tpu.memory_space<vmem_shared>> -> memref<16x128xf32, #tpu.memory_space<vmem_shared>>
        %dma_wait3A_64 = arith.constant 0 : i32
        %dma_wait3A_65 = arith.constant 0 : i32
        %dma_wait3A_66 = tpu.memref_slice %arg11[%dma_wait3A_64, %dma_wait3A_65] : memref<128x128xf32, #tpu.memory_space<vmem>> -> memref<16x128xf32, #tpu.memory_space<vmem>>
        tpu.wait_dma2 semaphore(%run_scoped3A : memref<!tpu.dma_semaphore, #tpu.memory_space<semaphore_mem>>) src(%dma_wait3A_66 : memref<16x128xf32, #tpu.memory_space<vmem>>) dst(%dma_wait3A_63 : memref<16x128xf32, #tpu.memory_space<vmem_shared>>)
        tpu.yield
      }) : () -> ()
    } else {
    }
    %barrier3A = arith.constant 0 : index
    tpu.barrier barrier_id(%barrier3A)
    %scan3A_29 = arith.constant 0 : i32
    %scan3A_30 = arith.constant 0 : i32
    %scan3A_31 = arith.constant 125 : i32
    %scan3A_32 = arith.addi %scan3A_30, %scan3A_31 : i32
    %scan3A_33 = arith.constant 1 : i32
    scf.for %scan3A_45 = %scan3A_30 to %scan3A_32 step %scan3A_33  : i32 {
      %mul3A_46 = arith.constant 10000 : i32
      %mul3A_47 = arith.muli %add3A, %mul3A_46 : i32
      %mul3A_48 = arith.constant 80 : i32
      %mul3A_49 = arith.muli %scan3A_45, %mul3A_48 : i32
      %add3A_50 = arith.addi %mul3A_47, %mul3A_49 : i32
      "tpu.region"() ({
        %run_scoped3A = tpu.sem_alloc : memref<!tpu.dma_semaphore, #tpu.memory_space<semaphore_mem>>
        %dma_start3A_61 = tpu.memref_slice %arg4[%add3A_50] : memref<320000xi32, #tpu.memory_space<hbm>> -> memref<80xi32, #tpu.memory_space<hbm>>
        %dma_start3A_62 = tpu.memref_slice %arg4[%add3A_50] : memref<320000xi32, #tpu.memory_space<hbm>> -> memref<80xi32, #tpu.memory_space<hbm>>
        tpu.enqueue_dma source(%dma_start3A_62 : memref<80xi32, #tpu.memory_space<hbm>>) target(%arg7 : memref<80xi32, #tpu.memory_space<vmem>>) target_semaphore(%run_scoped3A : memref<!tpu.dma_semaphore, #tpu.memory_space<semaphore_mem>>)
        %dma_wait3A_63 = tpu.memref_slice %arg4[%add3A_50] : memref<320000xi32, #tpu.memory_space<hbm>> -> memref<80xi32, #tpu.memory_space<hbm>>
        %dma_wait3A_64 = tpu.memref_slice %arg4[%add3A_50] : memref<320000xi32, #tpu.memory_space<hbm>> -> memref<80xi32, #tpu.memory_space<hbm>>
        tpu.wait_dma2 semaphore(%run_scoped3A : memref<!tpu.dma_semaphore, #tpu.memory_space<semaphore_mem>>) src(%dma_wait3A_64 : memref<80xi32, #tpu.memory_space<hbm>>) dst(%arg7 : memref<80xi32, #tpu.memory_space<vmem>>)
        tpu.yield
      }) : () -> ()
      "tpu.region"() ({
        %run_scoped3A = tpu.sem_alloc : memref<!tpu.dma_semaphore, #tpu.memory_space<semaphore_mem>>
        %dma_start3A_61 = tpu.memref_slice %arg5[%add3A_50] : memref<320000xi32, #tpu.memory_space<hbm>> -> memref<80xi32, #tpu.memory_space<hbm>>
        %dma_start3A_62 = tpu.memref_slice %arg5[%add3A_50] : memref<320000xi32, #tpu.memory_space<hbm>> -> memref<80xi32, #tpu.memory_space<hbm>>
        tpu.enqueue_dma source(%dma_start3A_62 : memref<80xi32, #tpu.memory_space<hbm>>) target(%arg8 : memref<80xi32, #tpu.memory_space<vmem>>) target_semaphore(%run_scoped3A : memref<!tpu.dma_semaphore, #tpu.memory_space<semaphore_mem>>)
        %dma_wait3A_63 = tpu.memref_slice %arg5[%add3A_50] : memref<320000xi32, #tpu.memory_space<hbm>> -> memref<80xi32, #tpu.memory_space<hbm>>
        %dma_wait3A_64 = tpu.memref_slice %arg5[%add3A_50] : memref<320000xi32, #tpu.memory_space<hbm>> -> memref<80xi32, #tpu.memory_space<hbm>>
        tpu.wait_dma2 semaphore(%run_scoped3A : memref<!tpu.dma_semaphore, #tpu.memory_space<semaphore_mem>>) src(%dma_wait3A_64 : memref<80xi32, #tpu.memory_space<hbm>>) dst(%arg8 : memref<80xi32, #tpu.memory_space<vmem>>)
        tpu.yield
      }) : () -> ()
      %dma_start3A = arith.constant 0 : i32
      %dma_start3A_51 = arith.constant 0 : i32
      %dma_start3A_52 = tpu.memref_slice %arg2[%dma_start3A, %dma_start3A_51] : memref<10000x128xf32, #tpu.memory_space<hbm>> -> memref<10000x128xf32, #tpu.memory_space<hbm>>
      tpu.enqueue_indirect_dma source(%dma_start3A_52 : memref<10000x128xf32, #tpu.memory_space<hbm>>) target(%arg9 : memref<80x128xf32, #tpu.memory_space<vmem>>) offsets(%arg7 : memref<80xi32, #tpu.memory_space<vmem>>) semaphore(%arg13 : memref<!tpu.dma_semaphore, #tpu.memory_space<semaphore_mem>>)
      "tpu.region"() ({
        %run_scoped3A = tpu.sem_alloc : memref<!tpu.dma_semaphore, #tpu.memory_space<semaphore_mem>>
        %dma_start3A_61 = arith.constant 0 : i32
        %dma_start3A_62 = tpu.memref_slice %arg3[%add3A_50, %dma_start3A_61] : memref<320000x128xf32, #tpu.memory_space<hbm>> -> memref<80x128xf32, #tpu.memory_space<hbm>>
        %dma_start3A_63 = arith.constant 0 : i32
        %dma_start3A_64 = tpu.memref_slice %arg3[%add3A_50, %dma_start3A_63] : memref<320000x128xf32, #tpu.memory_space<hbm>> -> memref<80x128xf32, #tpu.memory_space<hbm>>
        tpu.enqueue_dma source(%dma_start3A_64 : memref<80x128xf32, #tpu.memory_space<hbm>>) target(%arg10 : memref<80x128xf32, #tpu.memory_space<vmem>>) target_semaphore(%run_scoped3A : memref<!tpu.dma_semaphore, #tpu.memory_space<semaphore_mem>>)
        %dma_wait3A_65 = arith.constant 0 : i32
        %dma_wait3A_66 = tpu.memref_slice %arg3[%add3A_50, %dma_wait3A_65] : memref<320000x128xf32, #tpu.memory_space<hbm>> -> memref<80x128xf32, #tpu.memory_space<hbm>>
        %dma_wait3A_67 = arith.constant 0 : i32
        %dma_wait3A_68 = tpu.memref_slice %arg3[%add3A_50, %dma_wait3A_67] : memref<320000x128xf32, #tpu.memory_space<hbm>> -> memref<80x128xf32, #tpu.memory_space<hbm>>
        tpu.wait_dma2 semaphore(%run_scoped3A : memref<!tpu.dma_semaphore, #tpu.memory_space<semaphore_mem>>) src(%dma_wait3A_68 : memref<80x128xf32, #tpu.memory_space<hbm>>) dst(%arg10 : memref<80x128xf32, #tpu.memory_space<vmem>>)
        tpu.yield
      }) : () -> ()
      %dma_wait3A = arith.constant 0 : i32
      %dma_wait3A_53 = arith.constant 0 : i32
      %dma_wait3A_54 = tpu.memref_slice %arg2[%dma_wait3A, %dma_wait3A_53] : memref<10000x128xf32, #tpu.memory_space<hbm>> -> memref<10000x128xf32, #tpu.memory_space<hbm>>
      tpu.wait_indirect_dma semaphore(%arg13 : memref<!tpu.dma_semaphore, #tpu.memory_space<semaphore_mem>>) src(%dma_wait3A_54 : memref<10000x128xf32, #tpu.memory_space<hbm>>) dst(%arg9 : memref<80x128xf32, #tpu.memory_space<vmem>>)
      %scan3A_55 = arith.constant 0 : i32
      %scan3A_56 = arith.constant 0 : i32
      %scan3A_57 = arith.constant 80 : i32
      %scan3A_58 = arith.addi %scan3A_56, %scan3A_57 : i32
      %scan3A_59 = arith.constant 1 : i32
      scf.for %scan3A_61 = %scan3A_56 to %scan3A_58 step %scan3A_59  : i32 {
        %get3A = arith.index_cast %scan3A_61 : i32 to index
        %get3A_62 = arith.constant 0 : index
        %get3A_63 = tpu.vector_load %arg9[%get3A, %get3A_62] {strides = array<i32>} : memref<80x128xf32, #tpu.memory_space<vmem>>, vector<1x16xf32>,
        %get3A_64 = vector.shape_cast %get3A_63 : vector<1x16xf32> to vector<16xf32>
        %get3A_65 = arith.index_cast %scan3A_61 : i32 to index
        %get3A_66 = arith.constant 0 : index
        %get3A_67 = tpu.vector_load %arg10[%get3A_65, %get3A_66] {strides = array<i32>} : memref<80x128xf32, #tpu.memory_space<vmem>>, vector<1x16xf32>,
        %get3A_68 = vector.shape_cast %get3A_67 : vector<1x16xf32> to vector<16xf32>
        %add3A_69 = arith.addf %get3A_64, %get3A_68 : vector<16xf32>
        %max3A = arith.constant 0.000000e+00 : f32
        %max3A_70 = vector.broadcast %max3A : f32 to vector<16xf32>
        %max3A_71 = arith.maximumf %add3A_69, %max3A_70 : vector<16xf32>
        %swap3A = arith.index_cast %scan3A_61 : i32 to index
        %swap3A_72 = arith.constant 0 : index
        %swap3A_73 = tpu.vector_load %arg9[%swap3A, %swap3A_72] {strides = array<i32>} : memref<80x128xf32, #tpu.memory_space<vmem>>, vector<1x16xf32>,
        %swap3A_74 = vector.shape_cast %swap3A_73 : vector<1x16xf32> to vector<16xf32>
        %swap3A_75 = vector.shape_cast %max3A_71 : vector<16xf32> to vector<1x16xf32>
        tpu.vector_store %arg9[%swap3A, %swap3A_72], %swap3A_75 {strides = array<i32>} : memref<80x128xf32, #tpu.memory_space<vmem>>, vector<1x16xf32>,
        %get3A_76 = arith.index_cast %scan3A_61 : i32 to index
        %get3A_77 = arith.constant 16 : index
        %get3A_78 = tpu.vector_load %arg9[%get3A_76, %get3A_77] {strides = array<i32>} : memref<80x128xf32, #tpu.memory_space<vmem>>, vector<1x16xf32>,
        %get3A_79 = vector.shape_cast %get3A_78 : vector<1x16xf32> to vector<16xf32>
        %get3A_80 = arith.index_cast %scan3A_61 : i32 to index
        %get3A_81 = arith.constant 16 : index
        %get3A_82 = tpu.vector_load %arg10[%get3A_80, %get3A_81] {strides = array<i32>} : memref<80x128xf32, #tpu.memory_space<vmem>>, vector<1x16xf32>,
        %get3A_83 = vector.shape_cast %get3A_82 : vector<1x16xf32> to vector<16xf32>
        %add3A_84 = arith.addf %get3A_79, %get3A_83 : vector<16xf32>
        %max3A_85 = arith.constant 0.000000e+00 : f32
        %max3A_86 = vector.broadcast %max3A_85 : f32 to vector<16xf32>
        %max3A_87 = arith.maximumf %add3A_84, %max3A_86 : vector<16xf32>
        %swap3A_88 = arith.index_cast %scan3A_61 : i32 to index
        %swap3A_89 = arith.constant 16 : index
        %swap3A_90 = tpu.vector_load %arg9[%swap3A_88, %swap3A_89] {strides = array<i32>} : memref<80x128xf32, #tpu.memory_space<vmem>>, vector<1x16xf32>,
        %swap3A_91 = vector.shape_cast %swap3A_90 : vector<1x16xf32> to vector<16xf32>
        %swap3A_92 = vector.shape_cast %max3A_87 : vector<16xf32> to vector<1x16xf32>
        tpu.vector_store %arg9[%swap3A_88, %swap3A_89], %swap3A_92 {strides = array<i32>} : memref<80x128xf32, #tpu.memory_space<vmem>>, vector<1x16xf32>,
        %get3A_93 = arith.index_cast %scan3A_61 : i32 to index
        %get3A_94 = arith.constant 32 : index
        %get3A_95 = tpu.vector_load %arg9[%get3A_93, %get3A_94] {strides = array<i32>} : memref<80x128xf32, #tpu.memory_space<vmem>>, vector<1x16xf32>,
        %get3A_96 = vector.shape_cast %get3A_95 : vector<1x16xf32> to vector<16xf32>
        %get3A_97 = arith.index_cast %scan3A_61 : i32 to index
        %get3A_98 = arith.constant 32 : index
        %get3A_99 = tpu.vector_load %arg10[%get3A_97, %get3A_98] {strides = array<i32>} : memref<80x128xf32, #tpu.memory_space<vmem>>, vector<1x16xf32>,
        %get3A_100 = vector.shape_cast %get3A_99 : vector<1x16xf32> to vector<16xf32>
        %add3A_101 = arith.addf %get3A_96, %get3A_100 : vector<16xf32>
        %max3A_102 = arith.constant 0.000000e+00 : f32
        %max3A_103 = vector.broadcast %max3A_102 : f32 to vector<16xf32>
        %max3A_104 = arith.maximumf %add3A_101, %max3A_103 : vector<16xf32>
        %swap3A_105 = arith.index_cast %scan3A_61 : i32 to index
        %swap3A_106 = arith.constant 32 : index
        %swap3A_107 = tpu.vector_load %arg9[%swap3A_105, %swap3A_106] {strides = array<i32>} : memref<80x128xf32, #tpu.memory_space<vmem>>, vector<1x16xf32>,
        %swap3A_108 = vector.shape_cast %swap3A_107 : vector<1x16xf32> to vector<16xf32>
        %swap3A_109 = vector.shape_cast %max3A_104 : vector<16xf32> to vector<1x16xf32>
        tpu.vector_store %arg9[%swap3A_105, %swap3A_106], %swap3A_109 {strides = array<i32>} : memref<80x128xf32, #tpu.memory_space<vmem>>, vector<1x16xf32>,
        %get3A_110 = arith.index_cast %scan3A_61 : i32 to index
        %get3A_111 = arith.constant 48 : index
        %get3A_112 = tpu.vector_load %arg9[%get3A_110, %get3A_111] {strides = array<i32>} : memref<80x128xf32, #tpu.memory_space<vmem>>, vector<1x16xf32>,
        %get3A_113 = vector.shape_cast %get3A_112 : vector<1x16xf32> to vector<16xf32>
        %get3A_114 = arith.index_cast %scan3A_61 : i32 to index
        %get3A_115 = arith.constant 48 : index
        %get3A_116 = tpu.vector_load %arg10[%get3A_114, %get3A_115] {strides = array<i32>} : memref<80x128xf32, #tpu.memory_space<vmem>>, vector<1x16xf32>,
        %get3A_117 = vector.shape_cast %get3A_116 : vector<1x16xf32> to vector<16xf32>
        %add3A_118 = arith.addf %get3A_113, %get3A_117 : vector<16xf32>
        %max3A_119 = arith.constant 0.000000e+00 : f32
        %max3A_120 = vector.broadcast %max3A_119 : f32 to vector<16xf32>
        %max3A_121 = arith.maximumf %add3A_118, %max3A_120 : vector<16xf32>
        %swap3A_122 = arith.index_cast %scan3A_61 : i32 to index
        %swap3A_123 = arith.constant 48 : index
        %swap3A_124 = tpu.vector_load %arg9[%swap3A_122, %swap3A_123] {strides = array<i32>} : memref<80x128xf32, #tpu.memory_space<vmem>>, vector<1x16xf32>,
        %swap3A_125 = vector.shape_cast %swap3A_124 : vector<1x16xf32> to vector<16xf32>
        %swap3A_126 = vector.shape_cast %max3A_121 : vector<16xf32> to vector<1x16xf32>
        tpu.vector_store %arg9[%swap3A_122, %swap3A_123], %swap3A_126 {strides = array<i32>} : memref<80x128xf32, #tpu.memory_space<vmem>>, vector<1x16xf32>,
        %get3A_127 = arith.index_cast %scan3A_61 : i32 to index
        %get3A_128 = arith.constant 64 : index
        %get3A_129 = tpu.vector_load %arg9[%get3A_127, %get3A_128] {strides = array<i32>} : memref<80x128xf32, #tpu.memory_space<vmem>>, vector<1x16xf32>,
        %get3A_130 = vector.shape_cast %get3A_129 : vector<1x16xf32> to vector<16xf32>
        %get3A_131 = arith.index_cast %scan3A_61 : i32 to index
        %get3A_132 = arith.constant 64 : index
        %get3A_133 = tpu.vector_load %arg10[%get3A_131, %get3A_132] {strides = array<i32>} : memref<80x128xf32, #tpu.memory_space<vmem>>, vector<1x16xf32>,
        %get3A_134 = vector.shape_cast %get3A_133 : vector<1x16xf32> to vector<16xf32>
        %add3A_135 = arith.addf %get3A_130, %get3A_134 : vector<16xf32>
        %max3A_136 = arith.constant 0.000000e+00 : f32
        %max3A_137 = vector.broadcast %max3A_136 : f32 to vector<16xf32>
        %max3A_138 = arith.maximumf %add3A_135, %max3A_137 : vector<16xf32>
        %swap3A_139 = arith.index_cast %scan3A_61 : i32 to index
        %swap3A_140 = arith.constant 64 : index
        %swap3A_141 = tpu.vector_load %arg9[%swap3A_139, %swap3A_140] {strides = array<i32>} : memref<80x128xf32, #tpu.memory_space<vmem>>, vector<1x16xf32>,
        %swap3A_142 = vector.shape_cast %swap3A_141 : vector<1x16xf32> to vector<16xf32>
        %swap3A_143 = vector.shape_cast %max3A_138 : vector<16xf32> to vector<1x16xf32>
        tpu.vector_store %arg9[%swap3A_139, %swap3A_140], %swap3A_143 {strides = array<i32>} : memref<80x128xf32, #tpu.memory_space<vmem>>, vector<1x16xf32>,
        %get3A_144 = arith.index_cast %scan3A_61 : i32 to index
        %get3A_145 = arith.constant 80 : index
        %get3A_146 = tpu.vector_load %arg9[%get3A_144, %get3A_145] {strides = array<i32>} : memref<80x128xf32, #tpu.memory_space<vmem>>, vector<1x16xf32>,
        %get3A_147 = vector.shape_cast %get3A_146 : vector<1x16xf32> to vector<16xf32>
        %get3A_148 = arith.index_cast %scan3A_61 : i32 to index
        %get3A_149 = arith.constant 80 : index
        %get3A_150 = tpu.vector_load %arg10[%get3A_148, %get3A_149] {strides = array<i32>} : memref<80x128xf32, #tpu.memory_space<vmem>>, vector<1x16xf32>,
        %get3A_151 = vector.shape_cast %get3A_150 : vector<1x16xf32> to vector<16xf32>
        %add3A_152 = arith.addf %get3A_147, %get3A_151 : vector<16xf32>
        %max3A_153 = arith.constant 0.000000e+00 : f32
        %max3A_154 = vector.broadcast %max3A_153 : f32 to vector<16xf32>
        %max3A_155 = arith.maximumf %add3A_152, %max3A_154 : vector<16xf32>
        %swap3A_156 = arith.index_cast %scan3A_61 : i32 to index
        %swap3A_157 = arith.constant 80 : index
        %swap3A_158 = tpu.vector_load %arg9[%swap3A_156, %swap3A_157] {strides = array<i32>} : memref<80x128xf32, #tpu.memory_space<vmem>>, vector<1x16xf32>,
        %swap3A_159 = vector.shape_cast %swap3A_158 : vector<1x16xf32> to vector<16xf32>
        %swap3A_160 = vector.shape_cast %max3A_155 : vector<16xf32> to vector<1x16xf32>
        tpu.vector_store %arg9[%swap3A_156, %swap3A_157], %swap3A_160 {strides = array<i32>} : memref<80x128xf32, #tpu.memory_space<vmem>>, vector<1x16xf32>,
        %get3A_161 = arith.index_cast %scan3A_61 : i32 to index
        %get3A_162 = arith.constant 96 : index
        %get3A_163 = tpu.vector_load %arg9[%get3A_161, %get3A_162] {strides = array<i32>} : memref<80x128xf32, #tpu.memory_space<vmem>>, vector<1x16xf32>,
        %get3A_164 = vector.shape_cast %get3A_163 : vector<1x16xf32> to vector<16xf32>
        %get3A_165 = arith.index_cast %scan3A_61 : i32 to index
        %get3A_166 = arith.constant 96 : index
        %get3A_167 = tpu.vector_load %arg10[%get3A_165, %get3A_166] {strides = array<i32>} : memref<80x128xf32, #tpu.memory_space<vmem>>, vector<1x16xf32>,
        %get3A_168 = vector.shape_cast %get3A_167 : vector<1x16xf32> to vector<16xf32>
        %add3A_169 = arith.addf %get3A_164, %get3A_168 : vector<16xf32>
        %max3A_170 = arith.constant 0.000000e+00 : f32
        %max3A_171 = vector.broadcast %max3A_170 : f32 to vector<16xf32>
        %max3A_172 = arith.maximumf %add3A_169, %max3A_171 : vector<16xf32>
        %swap3A_173 = arith.index_cast %scan3A_61 : i32 to index
        %swap3A_174 = arith.constant 96 : index
        %swap3A_175 = tpu.vector_load %arg9[%swap3A_173, %swap3A_174] {strides = array<i32>} : memref<80x128xf32, #tpu.memory_space<vmem>>, vector<1x16xf32>,
        %swap3A_176 = vector.shape_cast %swap3A_175 : vector<1x16xf32> to vector<16xf32>
        %swap3A_177 = vector.shape_cast %max3A_172 : vector<16xf32> to vector<1x16xf32>
        tpu.vector_store %arg9[%swap3A_173, %swap3A_174], %swap3A_177 {strides = array<i32>} : memref<80x128xf32, #tpu.memory_space<vmem>>, vector<1x16xf32>,
        %get3A_178 = arith.index_cast %scan3A_61 : i32 to index
        %get3A_179 = arith.constant 112 : index
        %get3A_180 = tpu.vector_load %arg9[%get3A_178, %get3A_179] {strides = array<i32>} : memref<80x128xf32, #tpu.memory_space<vmem>>, vector<1x16xf32>,
        %get3A_181 = vector.shape_cast %get3A_180 : vector<1x16xf32> to vector<16xf32>
        %get3A_182 = arith.index_cast %scan3A_61 : i32 to index
        %get3A_183 = arith.constant 112 : index
        %get3A_184 = tpu.vector_load %arg10[%get3A_182, %get3A_183] {strides = array<i32>} : memref<80x128xf32, #tpu.memory_space<vmem>>, vector<1x16xf32>,
        %get3A_185 = vector.shape_cast %get3A_184 : vector<1x16xf32> to vector<16xf32>
        %add3A_186 = arith.addf %get3A_181, %get3A_185 : vector<16xf32>
        %max3A_187 = arith.constant 0.000000e+00 : f32
        %max3A_188 = vector.broadcast %max3A_187 : f32 to vector<16xf32>
        %max3A_189 = arith.maximumf %add3A_186, %max3A_188 : vector<16xf32>
        %swap3A_190 = arith.index_cast %scan3A_61 : i32 to index
        %swap3A_191 = arith.constant 112 : index
        %swap3A_192 = tpu.vector_load %arg9[%swap3A_190, %swap3A_191] {strides = array<i32>} : memref<80x128xf32, #tpu.memory_space<vmem>>, vector<1x16xf32>,
        %swap3A_193 = vector.shape_cast %swap3A_192 : vector<1x16xf32> to vector<16xf32>
        %swap3A_194 = vector.shape_cast %max3A_189 : vector<16xf32> to vector<1x16xf32>
        tpu.vector_store %arg9[%swap3A_190, %swap3A_191], %swap3A_194 {strides = array<i32>} : memref<80x128xf32, #tpu.memory_space<vmem>>, vector<1x16xf32>,
      }
      %scan3A_60 = arith.constant 80 : i32
      "tpu.region"() ({
        %run_scoped3A = tpu.sem_alloc : memref<!tpu.dma_semaphore, #tpu.memory_space<semaphore_mem>>
        %dma_start3A_61 = arith.constant 0 : i32
        %dma_start3A_62 = arith.constant 0 : i32
        %dma_start3A_63 = tpu.memref_slice %arg12[%dma_start3A_61, %dma_start3A_62] : memref<10000x128xf32, #tpu.memory_space<vmem_shared>> -> memref<10000x128xf32, #tpu.memory_space<vmem_shared>>
        tpu.enqueue_indirect_dma source(%arg9 : memref<80x128xf32, #tpu.memory_space<vmem>>) target(%dma_start3A_63 : memref<10000x128xf32, #tpu.memory_space<vmem_shared>>) offsets(%arg8 : memref<80xi32, #tpu.memory_space<vmem>>) semaphore(%run_scoped3A : memref<!tpu.dma_semaphore, #tpu.memory_space<semaphore_mem>>) {add = true}
        %dma_wait3A_64 = arith.constant 0 : i32
        %dma_wait3A_65 = arith.constant 0 : i32
        %dma_wait3A_66 = tpu.memref_slice %arg12[%dma_wait3A_64, %dma_wait3A_65] : memref<10000x128xf32, #tpu.memory_space<vmem_shared>> -> memref<10000x128xf32, #tpu.memory_space<vmem_shared>>
        tpu.wait_indirect_dma semaphore(%run_scoped3A : memref<!tpu.dma_semaphore, #tpu.memory_space<semaphore_mem>>) src(%arg9 : memref<80x128xf32, #tpu.memory_space<vmem>>) dst(%dma_wait3A_66 : memref<10000x128xf32, #tpu.memory_space<vmem_shared>>)
        tpu.yield
      }) : () -> ()
    }
    %scan3A_34 = arith.constant 125 : i32
    %barrier3A_35 = arith.constant 0 : index
    tpu.barrier barrier_id(%barrier3A_35)
    %mul3A_36 = arith.constant 624 : i32
    %mul3A_37 = arith.muli %arg1, %mul3A_36 : i32
    %mul3A_38 = arith.constant 624 : i32
    %mul3A_39 = arith.muli %arg1, %mul3A_38 : i32
    "tpu.region"() ({
      %run_scoped3A = tpu.sem_alloc : memref<!tpu.dma_semaphore, #tpu.memory_space<semaphore_mem>>
      %dma_start3A = arith.constant 0 : i32
      %dma_start3A_45 = tpu.memref_slice %arg6[%arg0, %mul3A_39, %dma_start3A] : memref<2x10000x128xf32, #tpu.memory_space<hbm>> -> memref<1x624x128xf32, #tpu.memory_space<hbm>>
      %dma_start3A_46 = tpu.memref_squeeze %dma_start3A_45 : memref<1x624x128xf32, #tpu.memory_space<hbm>> -> memref<624x128xf32, #tpu.memory_space<hbm>>
      %dma_start3A_47 = arith.constant 0 : i32
      %dma_start3A_48 = tpu.memref_slice %arg12[%mul3A_37, %dma_start3A_47] : memref<10000x128xf32, #tpu.memory_space<vmem_shared>> -> memref<624x128xf32, #tpu.memory_space<vmem_shared>>
      tpu.enqueue_dma source(%dma_start3A_48 : memref<624x128xf32, #tpu.memory_space<vmem_shared>>) target(%dma_start3A_46 : memref<624x128xf32, #tpu.memory_space<hbm>>) target_semaphore(%run_scoped3A : memref<!tpu.dma_semaphore, #tpu.memory_space<semaphore_mem>>)
      %dma_wait3A = arith.constant 0 : i32
      %dma_wait3A_49 = tpu.memref_slice %arg6[%arg0, %mul3A_39, %dma_wait3A] : memref<2x10000x128xf32, #tpu.memory_space<hbm>> -> memref<1x624x128xf32, #tpu.memory_space<hbm>>
      %dma_wait3A_50 = tpu.memref_squeeze %dma_wait3A_49 : memref<1x624x128xf32, #tpu.memory_space<hbm>> -> memref<624x128xf32, #tpu.memory_space<hbm>>
      %dma_wait3A_51 = arith.constant 0 : i32
      %dma_wait3A_52 = tpu.memref_slice %arg12[%mul3A_37, %dma_wait3A_51] : memref<10000x128xf32, #tpu.memory_space<vmem_shared>> -> memref<624x128xf32, #tpu.memory_space<vmem_shared>>
      tpu.wait_dma2 semaphore(%run_scoped3A : memref<!tpu.dma_semaphore, #tpu.memory_space<semaphore_mem>>) src(%dma_wait3A_52 : memref<624x128xf32, #tpu.memory_space<vmem_shared>>) dst(%dma_wait3A_50 : memref<624x128xf32, #tpu.memory_space<hbm>>)
      tpu.yield
    }) : () -> ()
    %eq3A_40 = arith.constant 15 : i32
    %eq3A_41 = arith.cmpi eq, %arg1, %eq3A_40 : i32
    %convert_element_type3A_42 = arith.extui %eq3A_41 : i1 to i32
    %cond3A_43 = arith.constant 0 : i32
    %cond3A_44 = arith.cmpi ne, %convert_element_type3A_42, %cond3A_43 : i32
    scf.if %cond3A_44 {
      "tpu.region"() ({
        %run_scoped3A = tpu.sem_alloc : memref<!tpu.dma_semaphore, #tpu.memory_space<semaphore_mem>>
        %dma_start3A = arith.constant 9984 : i32
        %dma_start3A_45 = arith.constant 0 : i32
        %dma_start3A_46 = tpu.memref_slice %arg6[%arg0, %dma_start3A, %dma_start3A_45] : memref<2x10000x128xf32, #tpu.memory_space<hbm>> -> memref<1x16x128xf32, #tpu.memory_space<hbm>>
        %dma_start3A_47 = tpu.memref_squeeze %dma_start3A_46 : memref<1x16x128xf32, #tpu.memory_space<hbm>> -> memref<16x128xf32, #tpu.memory_space<hbm>>
        %dma_start3A_48 = arith.constant 9984 : i32
        %dma_start3A_49 = arith.constant 0 : i32
        %dma_start3A_50 = tpu.memref_slice %arg12[%dma_start3A_48, %dma_start3A_49] : memref<10000x128xf32, #tpu.memory_space<vmem_shared>> -> memref<16x128xf32, #tpu.memory_space<vmem_shared>>
        tpu.enqueue_dma source(%dma_start3A_50 : memref<16x128xf32, #tpu.memory_space<vmem_shared>>) target(%dma_start3A_47 : memref<16x128xf32, #tpu.memory_space<hbm>>) target_semaphore(%run_scoped3A : memref<!tpu.dma_semaphore, #tpu.memory_space<semaphore_mem>>)
        %dma_wait3A = arith.constant 9984 : i32
        %dma_wait3A_51 = arith.constant 0 : i32
        %dma_wait3A_52 = tpu.memref_slice %arg6[%arg0, %dma_wait3A, %dma_wait3A_51] : memref<2x10000x128xf32, #tpu.memory_space<hbm>> -> memref<1x16x128xf32, #tpu.memory_space<hbm>>
        %dma_wait3A_53 = tpu.memref_squeeze %dma_wait3A_52 : memref<1x16x128xf32, #tpu.memory_space<hbm>> -> memref<16x128xf32, #tpu.memory_space<hbm>>
        %dma_wait3A_54 = arith.constant 9984 : i32
        %dma_wait3A_55 = arith.constant 0 : i32
        %dma_wait3A_56 = tpu.memref_slice %arg12[%dma_wait3A_54, %dma_wait3A_55] : memref<10000x128xf32, #tpu.memory_space<vmem_shared>> -> memref<16x128xf32, #tpu.memory_space<vmem_shared>>
        tpu.wait_dma2 semaphore(%run_scoped3A : memref<!tpu.dma_semaphore, #tpu.memory_space<semaphore_mem>>) src(%dma_wait3A_56 : memref<16x128xf32, #tpu.memory_space<vmem_shared>>) dst(%dma_wait3A_53 : memref<16x128xf32, #tpu.memory_space<hbm>>)
        tpu.yield
      }) : () -> ()
    } else {
    }
    return
  }
}

module attributes {stable_mosaic.version = 14 : i64} {
  func.func @_edge_body(%arg0: i32, %arg1: memref<2560x16xf32, #tpu.memory_space<vmem>>, %arg2: memref<16x128xf32, #tpu.memory_space<vmem>>, %arg3: memref<1x128xf32, #tpu.memory_space<vmem>>, %arg4: memref<2560x128xf32, #tpu.memory_space<vmem>>) attributes {dimension_semantics = [#tpu.dimension_semantics<arbitrary>], iteration_bounds = array<i64: 125>, scalar_prefetch = 0 : i64, scratch_operands = 0 : i64, tpu.core_type = #tpu.core_type<tc>, window_params = [{transform_indices = @transform_0, window_bounds = array<i64: 2560, 16>}, {pipeline_mode = #tpu.pipeline_mode<synchronous>, transform_indices = @transform_1, window_bounds = array<i64: 16, 128>}, {pipeline_mode = #tpu.pipeline_mode<synchronous>, transform_indices = @transform_2, window_bounds = array<i64: 1, 128>}, {transform_indices = @transform_3, window_bounds = array<i64: 2560, 128>}]} {
    %get3A = arith.constant 0 : index
    %get3A_0 = arith.constant 0 : index
    %get3A_1 = vector.load %arg1[%get3A, %get3A_0] : memref<2560x16xf32, #tpu.memory_space<vmem>>, vector<2560x16xf32>
    %get3A_2 = arith.constant 0 : index
    %get3A_3 = arith.constant 0 : index
    %get3A_4 = vector.load %arg2[%get3A_2, %get3A_3] : memref<16x128xf32, #tpu.memory_space<vmem>>, vector<16x128xf32>
    %dot_general3A = arith.constant dense<0.000000e+00> : vector<2560x128xf32>
    %dot_general3A_5 = tpu.matmul %get3A_1, %get3A_4, %dot_general3A {dimension_numbers = #tpu.dot_dimension_numbers<[1], [0], [0], [1], [0, 0, 1, 1], [], []>, transpose_lhs_hint = false} : vector<2560x16xf32>, vector<16x128xf32>, vector<2560x128xf32> -> vector<2560x128xf32>
    %get3A_6 = arith.constant 0 : index
    %get3A_7 = arith.constant 0 : index
    %get3A_8 = vector.load %arg3[%get3A_6, %get3A_7] : memref<1x128xf32, #tpu.memory_space<vmem>>, vector<1x128xf32>
    %add3A = vector.broadcast %get3A_8 : vector<1x128xf32> to vector<2560x128xf32>
    %add3A_9 = arith.addf %dot_general3A_5, %add3A : vector<2560x128xf32>
    %swap3A = arith.constant 0 : index
    %swap3A_10 = arith.constant 0 : index
    %swap3A_11 = vector.load %arg4[%swap3A, %swap3A_10] : memref<2560x128xf32, #tpu.memory_space<vmem>>, vector<2560x128xf32>
    tpu.vector_store %arg4[%swap3A, %swap3A_10], %add3A_9 {strides = array<i32>} : memref<2560x128xf32, #tpu.memory_space<vmem>>, vector<2560x128xf32>,
    return
  }
  func.func @transform_0(%arg0: i32) -> (i32, i32) {
    %c0_i32 = arith.constant 0 : i32
    %c0_i32_0 = arith.constant 0 : i32
    return %arg0, %c0_i32 : i32, i32
  }
  func.func @transform_1(%arg0: i32) -> (i32, i32) {
    %c0_i32 = arith.constant 0 : i32
    %c0_i32_0 = arith.constant 0 : i32
    %c0_i32_1 = arith.constant 0 : i32
    return %c0_i32, %c0_i32_0 : i32, i32
  }
  func.func @transform_2(%arg0: i32) -> (i32, i32) {
    %c0_i32 = arith.constant 0 : i32
    %c0_i32_0 = arith.constant 0 : i32
    %c0_i32_1 = arith.constant 0 : i32
    return %c0_i32, %c0_i32_0 : i32, i32
  }
  func.func @transform_3(%arg0: i32) -> (i32, i32) {
    %c0_i32 = arith.constant 0 : i32
    %c0_i32_0 = arith.constant 0 : i32
    return %arg0, %c0_i32 : i32, i32
  }
}

module attributes {stable_mosaic.version = 14 : i64} {
  func.func @_atom_body(%arg0: memref<10000x128xf32, #tpu.memory_space<vmem>>, %arg1: memref<128x128xf32, #tpu.memory_space<vmem>>, %arg2: memref<1x128xf32, #tpu.memory_space<vmem>>, %arg3: memref<1x128xf32, #tpu.memory_space<vmem>>, %arg4: memref<1x128xf32, #tpu.memory_space<vmem>>, %arg5: memref<128x128xf32, #tpu.memory_space<vmem>>, %arg6: memref<1x128xf32, #tpu.memory_space<vmem>>, %arg7: memref<1x128xf32, #tpu.memory_space<vmem>>, %arg8: memref<10000x128xf32, #tpu.memory_space<vmem>>) attributes {dimension_semantics = [], scalar_prefetch = 0 : i64, scratch_operands = 0 : i64, tpu.core_type = #tpu.core_type<tc>} {
    %get3A = arith.constant 0 : index
    %get3A_0 = arith.constant 0 : index
    %get3A_1 = vector.load %arg0[%get3A, %get3A_0] : memref<10000x128xf32, #tpu.memory_space<vmem>>, vector<10000x128xf32>
    %get3A_2 = arith.constant 0 : index
    %get3A_3 = arith.constant 0 : index
    %get3A_4 = vector.load %arg1[%get3A_2, %get3A_3] : memref<128x128xf32, #tpu.memory_space<vmem>>, vector<128x128xf32>
    %dot_general3A = arith.constant dense<0.000000e+00> : vector<10000x128xf32>
    %dot_general3A_5 = tpu.matmul %get3A_1, %get3A_4, %dot_general3A {dimension_numbers = #tpu.dot_dimension_numbers<[1], [0], [0], [1], [0, 0, 1, 1], [], []>, transpose_lhs_hint = false} : vector<10000x128xf32>, vector<128x128xf32>, vector<10000x128xf32> -> vector<10000x128xf32>
    %get3A_6 = arith.constant 0 : index
    %get3A_7 = arith.constant 0 : index
    %get3A_8 = vector.load %arg2[%get3A_6, %get3A_7] : memref<1x128xf32, #tpu.memory_space<vmem>>, vector<1x128xf32>
    %add3A = vector.broadcast %get3A_8 : vector<1x128xf32> to vector<10000x128xf32>
    %add3A_9 = arith.addf %dot_general3A_5, %add3A : vector<10000x128xf32>
    %get3A_10 = arith.constant 0 : index
    %get3A_11 = arith.constant 0 : index
    %get3A_12 = vector.load %arg3[%get3A_10, %get3A_11] : memref<1x128xf32, #tpu.memory_space<vmem>>, vector<1x128xf32>
    %get3A_13 = arith.constant 0 : index
    %get3A_14 = arith.constant 0 : index
    %get3A_15 = vector.load %arg4[%get3A_13, %get3A_14] : memref<1x128xf32, #tpu.memory_space<vmem>>, vector<1x128xf32>
    %reduce_sum3A = arith.constant dense<0.000000e+00> : vector<128xf32>
    %reduce_sum3A_16 = vector.multi_reduction <add>, %add3A_9, %reduce_sum3A [0] : vector<10000x128xf32> to vector<128xf32>
    %broadcast_in_dim3A = vector.shape_cast %reduce_sum3A_16 : vector<128xf32> to vector<1x128xf32>
    %div3A = arith.constant 1.000000e+04 : f32
    %div3A_17 = vector.broadcast %div3A : f32 to vector<1x128xf32>
    %div3A_18 = arith.divf %broadcast_in_dim3A, %div3A_17 : vector<1x128xf32>
    %jit3A = arith.constant 0 : i32
    %reduce_sum3A_19 = arith.constant dense<0.000000e+00> : vector<128xf32>
    %reduce_sum3A_20 = vector.multi_reduction <add>, %add3A_9, %reduce_sum3A_19 [0] : vector<10000x128xf32> to vector<128xf32>
    %broadcast_in_dim3A_21 = vector.shape_cast %reduce_sum3A_20 : vector<128xf32> to vector<1x128xf32>
    %div3A_22 = arith.constant 1.000000e+04 : f32
    %div3A_23 = vector.broadcast %div3A_22 : f32 to vector<1x128xf32>
    %div3A_24 = arith.divf %broadcast_in_dim3A_21, %div3A_23 : vector<1x128xf32>
    %sub3A = vector.broadcast %div3A_24 : vector<1x128xf32> to vector<10000x128xf32>
    %sub3A_25 = arith.subf %add3A_9, %sub3A : vector<10000x128xf32>
    %square3A = arith.mulf %sub3A_25, %sub3A_25 : vector<10000x128xf32>
    %convert_element_type3A = arith.sitofp %jit3A : i32 to f32
    %sub3A_26 = arith.constant 1.000000e+04 : f32
    %sub3A_27 = arith.subf %sub3A_26, %convert_element_type3A : f32
    %reduce_sum3A_28 = arith.constant dense<0.000000e+00> : vector<128xf32>
    %reduce_sum3A_29 = vector.multi_reduction <add>, %square3A, %reduce_sum3A_28 [0] : vector<10000x128xf32> to vector<128xf32>
    %broadcast_in_dim3A_30 = vector.shape_cast %reduce_sum3A_29 : vector<128xf32> to vector<1x128xf32>
    %div3A_31 = vector.broadcast %sub3A_27 : f32 to vector<1x128xf32>
    %div3A_32 = arith.divf %broadcast_in_dim3A_30, %div3A_31 : vector<1x128xf32>
    %gt3A = arith.constant 0.000000e+00 : f32
    %gt3A_33 = arith.cmpf ogt, %sub3A_27, %gt3A : f32
    %jit3A_34 = arith.constant 0x7FC00000 : f32
    %broadcast_in_dim3A_35 = vector.broadcast %jit3A_34 : f32 to vector<1x128xf32>
    %select_n3A = arith.select %gt3A_33, %div3A_32, %broadcast_in_dim3A_35 : vector<1x128xf32>
    %sub3A_36 = vector.broadcast %div3A_18 : vector<1x128xf32> to vector<10000x128xf32>
    %sub3A_37 = arith.subf %add3A_9, %sub3A_36 : vector<10000x128xf32>
    %add3A_38 = arith.constant 9.99999974E-6 : f32
    %add3A_39 = vector.broadcast %add3A_38 : f32 to vector<1x128xf32>
    %add3A_40 = arith.addf %select_n3A, %add3A_39 : vector<1x128xf32>
    %sqrt3A = math.sqrt %add3A_40 : vector<1x128xf32>
    %div3A_41 = vector.broadcast %sqrt3A : vector<1x128xf32> to vector<10000x128xf32>
    %div3A_42 = arith.divf %sub3A_37, %div3A_41 : vector<10000x128xf32>
    %mul3A = vector.broadcast %get3A_12 : vector<1x128xf32> to vector<10000x128xf32>
    %mul3A_43 = arith.mulf %div3A_42, %mul3A : vector<10000x128xf32>
    %add3A_44 = vector.broadcast %get3A_15 : vector<1x128xf32> to vector<10000x128xf32>
    %add3A_45 = arith.addf %mul3A_43, %add3A_44 : vector<10000x128xf32>
    %max3A = arith.constant 0.000000e+00 : f32
    %max3A_46 = vector.broadcast %max3A : f32 to vector<10000x128xf32>
    %max3A_47 = arith.maximumf %add3A_45, %max3A_46 : vector<10000x128xf32>
    %get3A_48 = arith.constant 0 : index
    %get3A_49 = arith.constant 0 : index
    %get3A_50 = vector.load %arg5[%get3A_48, %get3A_49] : memref<128x128xf32, #tpu.memory_space<vmem>>, vector<128x128xf32>
    %dot_general3A_51 = arith.constant dense<0.000000e+00> : vector<10000x128xf32>
    %dot_general3A_52 = tpu.matmul %max3A_47, %get3A_50, %dot_general3A_51 {dimension_numbers = #tpu.dot_dimension_numbers<[1], [0], [0], [1], [0, 0, 1, 1], [], []>, transpose_lhs_hint = false} : vector<10000x128xf32>, vector<128x128xf32>, vector<10000x128xf32> -> vector<10000x128xf32>
    %get3A_53 = arith.constant 0 : index
    %get3A_54 = arith.constant 0 : index
    %get3A_55 = vector.load %arg6[%get3A_53, %get3A_54] : memref<1x128xf32, #tpu.memory_space<vmem>>, vector<1x128xf32>
    %add3A_56 = vector.broadcast %get3A_55 : vector<1x128xf32> to vector<10000x128xf32>
    %add3A_57 = arith.addf %dot_general3A_52, %add3A_56 : vector<10000x128xf32>
    %get3A_58 = arith.constant 0 : index
    %get3A_59 = arith.constant 0 : index
    %get3A_60 = vector.load %arg7[%get3A_58, %get3A_59] : memref<1x128xf32, #tpu.memory_space<vmem>>, vector<1x128xf32>
    %add3A_61 = vector.broadcast %get3A_60 : vector<1x128xf32> to vector<10000x128xf32>
    %add3A_62 = arith.addf %add3A_57, %add3A_61 : vector<10000x128xf32>
    %swap3A = arith.constant 0 : index
    %swap3A_63 = arith.constant 0 : index
    %swap3A_64 = vector.load %arg8[%swap3A, %swap3A_63] : memref<10000x128xf32, #tpu.memory_space<vmem>>, vector<10000x128xf32>
    tpu.vector_store %arg8[%swap3A, %swap3A_63], %add3A_62 {strides = array<i32>} : memref<10000x128xf32, #tpu.memory_space<vmem>>, vector<10000x128xf32>,
    return
  }
}

module attributes {stable_mosaic.version = 14 : i64} {
  func.func @_p1_body(%arg0: i32, %arg1: memref<1000x128xf32, #tpu.memory_space<vmem>>, %arg2: memref<1000x128xf32, #tpu.memory_space<vmem>>, %arg3: memref<1000x128xf32, #tpu.memory_space<vmem>>, %arg4: memref<1x1xf32, #tpu.memory_space<vmem>>, %arg5: memref<128x256xf32, #tpu.memory_space<vmem>>, %arg6: memref<1x256xf32, #tpu.memory_space<vmem>>, %arg7: memref<1000x1xi32, #tpu.memory_space<vmem>>, %arg8: memref<1000x256xf32, #tpu.memory_space<vmem>>, %arg9: memref<1x256xf32, #tpu.memory_space<vmem>>, %arg10: memref<1x256xf32, #tpu.memory_space<vmem>>, %arg11: memref<16x128xf32, #tpu.memory_space<vmem>>) attributes {dimension_semantics = [#tpu.dimension_semantics<arbitrary>], iteration_bounds = array<i64: 10>, scalar_prefetch = 0 : i64, scratch_operands = 0 : i64, tpu.core_type = #tpu.core_type<tc>, window_params = [{transform_indices = @transform_0, window_bounds = array<i64: 1000, 128>}, {transform_indices = @transform_1, window_bounds = array<i64: 1000, 128>}, {transform_indices = @transform_2, window_bounds = array<i64: 1000, 128>}, {pipeline_mode = #tpu.pipeline_mode<synchronous>, transform_indices = @transform_3, window_bounds = array<i64: 1, 1>}, {pipeline_mode = #tpu.pipeline_mode<synchronous>, transform_indices = @transform_4, window_bounds = array<i64: 128, 256>}, {pipeline_mode = #tpu.pipeline_mode<synchronous>, transform_indices = @transform_5, window_bounds = array<i64: 1, 256>}, {transform_indices = @transform_6, window_bounds = array<i64: 1000, 1>}, {transform_indices = @transform_7, window_bounds = array<i64: 1000, 256>}, {pipeline_mode = #tpu.pipeline_mode<synchronous>, transform_indices = @transform_8, window_bounds = array<i64: 1, 256>}, {pipeline_mode = #tpu.pipeline_mode<synchronous>, transform_indices = @transform_9, window_bounds = array<i64: 1, 256>}, {pipeline_mode = #tpu.pipeline_mode<synchronous>, transform_indices = @transform_10, window_bounds = array<i64: 16, 128>}]} {
    %get3A = arith.constant 0 : index
    %get3A_0 = arith.constant 0 : index
    %get3A_1 = vector.load %arg4[%get3A, %get3A_0] : memref<1x1xf32, #tpu.memory_space<vmem>>, vector<1x1xf32>
    %get3A_2 = vector.extract %get3A_1[0, 0] : f32 from vector<1x1xf32>
    %add3A = arith.constant 1.000000e+00 : f32
    %add3A_3 = arith.addf %add3A, %get3A_2 : f32
    %get3A_4 = arith.constant 0 : index
    %get3A_5 = arith.constant 0 : index
    %get3A_6 = vector.load %arg1[%get3A_4, %get3A_5] : memref<1000x128xf32, #tpu.memory_space<vmem>>, vector<1000x128xf32>
    %mul3A = vector.broadcast %add3A_3 : f32 to vector<1000x128xf32>
    %mul3A_7 = arith.mulf %mul3A, %get3A_6 : vector<1000x128xf32>
    %get3A_8 = arith.constant 0 : index
    %get3A_9 = arith.constant 0 : index
    %get3A_10 = vector.load %arg2[%get3A_8, %get3A_9] : memref<1000x128xf32, #tpu.memory_space<vmem>>, vector<1000x128xf32>
    %add3A_11 = arith.addf %mul3A_7, %get3A_10 : vector<1000x128xf32>
    %get3A_12 = arith.constant 0 : index
    %get3A_13 = arith.constant 0 : index
    %get3A_14 = vector.load %arg3[%get3A_12, %get3A_13] : memref<1000x128xf32, #tpu.memory_space<vmem>>, vector<1000x128xf32>
    %add3A_15 = arith.addf %add3A_11, %get3A_14 : vector<1000x128xf32>
    %get3A_16 = arith.constant 0 : index
    %get3A_17 = arith.constant 0 : index
    %get3A_18 = vector.load %arg5[%get3A_16, %get3A_17] : memref<128x256xf32, #tpu.memory_space<vmem>>, vector<128x256xf32>
    %dot_general3A = arith.constant dense<0.000000e+00> : vector<1000x256xf32>
    %dot_general3A_19 = tpu.matmul %add3A_15, %get3A_18, %dot_general3A {dimension_numbers = #tpu.dot_dimension_numbers<[1], [0], [0], [1], [0, 0, 1, 1], [], []>, transpose_lhs_hint = false} : vector<1000x128xf32>, vector<128x256xf32>, vector<1000x256xf32> -> vector<1000x256xf32>
    %get3A_20 = arith.constant 0 : index
    %get3A_21 = arith.constant 0 : index
    %get3A_22 = vector.load %arg6[%get3A_20, %get3A_21] : memref<1x256xf32, #tpu.memory_space<vmem>>, vector<1x256xf32>
    %add3A_23 = vector.broadcast %get3A_22 : vector<1x256xf32> to vector<1000x256xf32>
    %add3A_24 = arith.addf %dot_general3A_19, %add3A_23 : vector<1000x256xf32>
    %swap3A = arith.constant 0 : index
    %swap3A_25 = arith.constant 0 : index
    %swap3A_26 = vector.load %arg8[%swap3A, %swap3A_25] : memref<1000x256xf32, #tpu.memory_space<vmem>>, vector<1000x256xf32>
    tpu.vector_store %arg8[%swap3A, %swap3A_25], %add3A_24 {strides = array<i32>} : memref<1000x256xf32, #tpu.memory_space<vmem>>, vector<1000x256xf32>,
    %reduce_sum3A = arith.constant dense<0.000000e+00> : vector<256xf32>
    %reduce_sum3A_27 = vector.multi_reduction <add>, %add3A_24, %reduce_sum3A [0] : vector<1000x256xf32> to vector<256xf32>
    %broadcast_in_dim3A = vector.shape_cast %reduce_sum3A_27 : vector<256xf32> to vector<1x256xf32>
    %eq3A = arith.constant 0 : i32
    %eq3A_28 = arith.cmpi eq, %arg0, %eq3A : i32
    %get3A_29 = arith.constant 0 : index
    %get3A_30 = arith.constant 0 : index
    %get3A_31 = vector.load %arg9[%get3A_29, %get3A_30] : memref<1x256xf32, #tpu.memory_space<vmem>>, vector<1x256xf32>
    %add3A_32 = arith.addf %get3A_31, %broadcast_in_dim3A : vector<1x256xf32>
    %select_n3A = arith.select %eq3A_28, %broadcast_in_dim3A, %add3A_32 : vector<1x256xf32>
    %swap3A_33 = arith.constant 0 : index
    %swap3A_34 = arith.constant 0 : index
    %swap3A_35 = vector.load %arg9[%swap3A_33, %swap3A_34] : memref<1x256xf32, #tpu.memory_space<vmem>>, vector<1x256xf32>
    tpu.vector_store %arg9[%swap3A_33, %swap3A_34], %select_n3A {strides = array<i32>} : memref<1x256xf32, #tpu.memory_space<vmem>>, vector<1x256xf32>,
    %mul3A_36 = arith.mulf %add3A_24, %add3A_24 : vector<1000x256xf32>
    %reduce_sum3A_37 = arith.constant dense<0.000000e+00> : vector<256xf32>
    %reduce_sum3A_38 = vector.multi_reduction <add>, %mul3A_36, %reduce_sum3A_37 [0] : vector<1000x256xf32> to vector<256xf32>
    %broadcast_in_dim3A_39 = vector.shape_cast %reduce_sum3A_38 : vector<256xf32> to vector<1x256xf32>
    %eq3A_40 = arith.constant 0 : i32
    %eq3A_41 = arith.cmpi eq, %arg0, %eq3A_40 : i32
    %get3A_42 = arith.constant 0 : index
    %get3A_43 = arith.constant 0 : index
    %get3A_44 = vector.load %arg10[%get3A_42, %get3A_43] : memref<1x256xf32, #tpu.memory_space<vmem>>, vector<1x256xf32>
    %add3A_45 = arith.addf %get3A_44, %broadcast_in_dim3A_39 : vector<1x256xf32>
    %select_n3A_46 = arith.select %eq3A_41, %broadcast_in_dim3A_39, %add3A_45 : vector<1x256xf32>
    %swap3A_47 = arith.constant 0 : index
    %swap3A_48 = arith.constant 0 : index
    %swap3A_49 = vector.load %arg10[%swap3A_47, %swap3A_48] : memref<1x256xf32, #tpu.memory_space<vmem>>, vector<1x256xf32>
    tpu.vector_store %arg10[%swap3A_47, %swap3A_48], %select_n3A_46 {strides = array<i32>} : memref<1x256xf32, #tpu.memory_space<vmem>>, vector<1x256xf32>,
    %get3A_50 = arith.constant 0 : index
    %get3A_51 = arith.constant 0 : index
    %get3A_52 = vector.load %arg7[%get3A_50, %get3A_51] : memref<1000x1xi32, #tpu.memory_space<vmem>>, vector<1000x1xi32>
    %iota3A = tpu.iota {dimensions = array<i32: 1>} : vector<1x16xi32>
    %eq3A_53 = vector.broadcast %get3A_52 : vector<1000x1xi32> to vector<1000x16xi32>
    %eq3A_54 = vector.broadcast %iota3A : vector<1x16xi32> to vector<1000x16xi32>
    %eq3A_55 = arith.cmpi eq, %eq3A_53, %eq3A_54 : vector<1000x16xi32>
    %convert_element_type3A = arith.extui %eq3A_55 : vector<1000x16xi1> to vector<1000x16xi32>
    %convert_element_type3A_56 = arith.sitofp %convert_element_type3A : vector<1000x16xi32> to vector<1000x16xf32>
    %get3A_57 = arith.constant 0 : index
    %get3A_58 = arith.constant 0 : index
    %get3A_59 = vector.load %arg1[%get3A_57, %get3A_58] : memref<1000x128xf32, #tpu.memory_space<vmem>>, vector<1000x128xf32>
    %dot_general3A_60 = arith.constant dense<0.000000e+00> : vector<16x128xf32>
    %dot_general3A_61 = tpu.matmul %convert_element_type3A_56, %get3A_59, %dot_general3A_60 {dimension_numbers = #tpu.dot_dimension_numbers<[0], [0], [1], [1], [0, 1, 1, 1], [], []>, precision = #tpu.contract_precision<fp32>, transpose_lhs_hint = false} : vector<1000x16xf32>, vector<1000x128xf32>, vector<16x128xf32> -> vector<16x128xf32>
    %eq3A_62 = arith.constant 0 : i32
    %eq3A_63 = arith.cmpi eq, %arg0, %eq3A_62 : i32
    %get3A_64 = arith.constant 0 : index
    %get3A_65 = arith.constant 0 : index
    %get3A_66 = vector.load %arg11[%get3A_64, %get3A_65] : memref<16x128xf32, #tpu.memory_space<vmem>>, vector<16x128xf32>
    %add3A_67 = arith.addf %get3A_66, %dot_general3A_61 : vector<16x128xf32>
    %select_n3A_68 = arith.select %eq3A_63, %dot_general3A_61, %add3A_67 : vector<16x128xf32>
    %swap3A_69 = arith.constant 0 : index
    %swap3A_70 = arith.constant 0 : index
    %swap3A_71 = vector.load %arg11[%swap3A_69, %swap3A_70] : memref<16x128xf32, #tpu.memory_space<vmem>>, vector<16x128xf32>
    tpu.vector_store %arg11[%swap3A_69, %swap3A_70], %select_n3A_68 {strides = array<i32>} : memref<16x128xf32, #tpu.memory_space<vmem>>, vector<16x128xf32>,
    return
  }
  func.func @transform_0(%arg0: i32) -> (i32, i32) {
    %c0_i32 = arith.constant 0 : i32
    %c0_i32_0 = arith.constant 0 : i32
    return %arg0, %c0_i32 : i32, i32
  }
  func.func @transform_1(%arg0: i32) -> (i32, i32) {
    %c0_i32 = arith.constant 0 : i32
    %c0_i32_0 = arith.constant 0 : i32
    return %arg0, %c0_i32 : i32, i32
  }
  func.func @transform_2(%arg0: i32) -> (i32, i32) {
    %c0_i32 = arith.constant 0 : i32
    %c0_i32_0 = arith.constant 0 : i32
    return %arg0, %c0_i32 : i32, i32
  }
  func.func @transform_3(%arg0: i32) -> (i32, i32) {
    %c0_i32 = arith.constant 0 : i32
    %c0_i32_0 = arith.constant 0 : i32
    %c0_i32_1 = arith.constant 0 : i32
    return %c0_i32, %c0_i32_0 : i32, i32
  }
  func.func @transform_4(%arg0: i32) -> (i32, i32) {
    %c0_i32 = arith.constant 0 : i32
    %c0_i32_0 = arith.constant 0 : i32
    %c0_i32_1 = arith.constant 0 : i32
    return %c0_i32, %c0_i32_0 : i32, i32
  }
  func.func @transform_5(%arg0: i32) -> (i32, i32) {
    %c0_i32 = arith.constant 0 : i32
    %c0_i32_0 = arith.constant 0 : i32
    %c0_i32_1 = arith.constant 0 : i32
    return %c0_i32, %c0_i32_0 : i32, i32
  }
  func.func @transform_6(%arg0: i32) -> (i32, i32) {
    %c0_i32 = arith.constant 0 : i32
    %c0_i32_0 = arith.constant 0 : i32
    return %arg0, %c0_i32 : i32, i32
  }
  func.func @transform_7(%arg0: i32) -> (i32, i32) {
    %c0_i32 = arith.constant 0 : i32
    %c0_i32_0 = arith.constant 0 : i32
    return %arg0, %c0_i32 : i32, i32
  }
  func.func @transform_8(%arg0: i32) -> (i32, i32) {
    %c0_i32 = arith.constant 0 : i32
    %c0_i32_0 = arith.constant 0 : i32
    %c0_i32_1 = arith.constant 0 : i32
    return %c0_i32, %c0_i32_0 : i32, i32
  }
  func.func @transform_9(%arg0: i32) -> (i32, i32) {
    %c0_i32 = arith.constant 0 : i32
    %c0_i32_0 = arith.constant 0 : i32
    %c0_i32_1 = arith.constant 0 : i32
    return %c0_i32, %c0_i32_0 : i32, i32
  }
  func.func @transform_10(%arg0: i32) -> (i32, i32) {
    %c0_i32 = arith.constant 0 : i32
    %c0_i32_0 = arith.constant 0 : i32
    %c0_i32_1 = arith.constant 0 : i32
    return %c0_i32, %c0_i32_0 : i32, i32
  }
}

module attributes {stable_mosaic.version = 14 : i64} {
  func.func @_p2_body(%arg0: i32, %arg1: memref<1000x256xf32, #tpu.memory_space<vmem>>, %arg2: memref<1x256xf32, #tpu.memory_space<vmem>>, %arg3: memref<1x256xf32, #tpu.memory_space<vmem>>, %arg4: memref<1x256xf32, #tpu.memory_space<vmem>>, %arg5: memref<1x256xf32, #tpu.memory_space<vmem>>, %arg6: memref<256x128xf32, #tpu.memory_space<vmem>>, %arg7: memref<1x128xf32, #tpu.memory_space<vmem>>, %arg8: memref<1000x128xf32, #tpu.memory_space<vmem>>, %arg9: memref<1x128xf32, #tpu.memory_space<vmem>>, %arg10: memref<1x128xf32, #tpu.memory_space<vmem>>) attributes {dimension_semantics = [#tpu.dimension_semantics<arbitrary>], iteration_bounds = array<i64: 10>, scalar_prefetch = 0 : i64, scratch_operands = 0 : i64, tpu.core_type = #tpu.core_type<tc>, window_params = [{transform_indices = @transform_0, window_bounds = array<i64: 1000, 256>}, {pipeline_mode = #tpu.pipeline_mode<synchronous>, transform_indices = @transform_1, window_bounds = array<i64: 1, 256>}, {pipeline_mode = #tpu.pipeline_mode<synchronous>, transform_indices = @transform_2, window_bounds = array<i64: 1, 256>}, {pipeline_mode = #tpu.pipeline_mode<synchronous>, transform_indices = @transform_3, window_bounds = array<i64: 1, 256>}, {pipeline_mode = #tpu.pipeline_mode<synchronous>, transform_indices = @transform_4, window_bounds = array<i64: 1, 256>}, {pipeline_mode = #tpu.pipeline_mode<synchronous>, transform_indices = @transform_5, window_bounds = array<i64: 256, 128>}, {pipeline_mode = #tpu.pipeline_mode<synchronous>, transform_indices = @transform_6, window_bounds = array<i64: 1, 128>}, {transform_indices = @transform_7, window_bounds = array<i64: 1000, 128>}, {pipeline_mode = #tpu.pipeline_mode<synchronous>, transform_indices = @transform_8, window_bounds = array<i64: 1, 128>}, {pipeline_mode = #tpu.pipeline_mode<synchronous>, transform_indices = @transform_9, window_bounds = array<i64: 1, 128>}]} {
    %get3A = arith.constant 0 : index
    %get3A_0 = arith.constant 0 : index
    %get3A_1 = vector.load %arg2[%get3A, %get3A_0] : memref<1x256xf32, #tpu.memory_space<vmem>>, vector<1x256xf32>
    %mul3A = arith.constant 9.99999974E-5 : f32
    %mul3A_2 = vector.broadcast %mul3A : f32 to vector<1x256xf32>
    %mul3A_3 = arith.mulf %get3A_1, %mul3A_2 : vector<1x256xf32>
    %get3A_4 = arith.constant 0 : index
    %get3A_5 = arith.constant 0 : index
    %get3A_6 = vector.load %arg3[%get3A_4, %get3A_5] : memref<1x256xf32, #tpu.memory_space<vmem>>, vector<1x256xf32>
    %mul3A_7 = arith.constant 9.99999974E-5 : f32
    %mul3A_8 = vector.broadcast %mul3A_7 : f32 to vector<1x256xf32>
    %mul3A_9 = arith.mulf %get3A_6, %mul3A_8 : vector<1x256xf32>
    %mul3A_10 = arith.mulf %mul3A_3, %mul3A_3 : vector<1x256xf32>
    %sub3A = arith.subf %mul3A_9, %mul3A_10 : vector<1x256xf32>
    %get3A_11 = arith.constant 0 : index
    %get3A_12 = arith.constant 0 : index
    %get3A_13 = vector.load %arg1[%get3A_11, %get3A_12] : memref<1000x256xf32, #tpu.memory_space<vmem>>, vector<1000x256xf32>
    %sub3A_14 = vector.broadcast %mul3A_3 : vector<1x256xf32> to vector<1000x256xf32>
    %sub3A_15 = arith.subf %get3A_13, %sub3A_14 : vector<1000x256xf32>
    %add3A = arith.constant 9.99999974E-6 : f32
    %add3A_16 = vector.broadcast %add3A : f32 to vector<1x256xf32>
    %add3A_17 = arith.addf %sub3A, %add3A_16 : vector<1x256xf32>
    %sqrt3A = math.sqrt %add3A_17 : vector<1x256xf32>
    %div3A = vector.broadcast %sqrt3A : vector<1x256xf32> to vector<1000x256xf32>
    %div3A_18 = arith.divf %sub3A_15, %div3A : vector<1000x256xf32>
    %get3A_19 = arith.constant 0 : index
    %get3A_20 = arith.constant 0 : index
    %get3A_21 = vector.load %arg4[%get3A_19, %get3A_20] : memref<1x256xf32, #tpu.memory_space<vmem>>, vector<1x256xf32>
    %mul3A_22 = vector.broadcast %get3A_21 : vector<1x256xf32> to vector<1000x256xf32>
    %mul3A_23 = arith.mulf %div3A_18, %mul3A_22 : vector<1000x256xf32>
    %get3A_24 = arith.constant 0 : index
    %get3A_25 = arith.constant 0 : index
    %get3A_26 = vector.load %arg5[%get3A_24, %get3A_25] : memref<1x256xf32, #tpu.memory_space<vmem>>, vector<1x256xf32>
    %add3A_27 = vector.broadcast %get3A_26 : vector<1x256xf32> to vector<1000x256xf32>
    %add3A_28 = arith.addf %mul3A_23, %add3A_27 : vector<1000x256xf32>
    %max3A = arith.constant 0.000000e+00 : f32
    %max3A_29 = vector.broadcast %max3A : f32 to vector<1000x256xf32>
    %max3A_30 = arith.maximumf %add3A_28, %max3A_29 : vector<1000x256xf32>
    %get3A_31 = arith.constant 0 : index
    %get3A_32 = arith.constant 0 : index
    %get3A_33 = vector.load %arg6[%get3A_31, %get3A_32] : memref<256x128xf32, #tpu.memory_space<vmem>>, vector<256x128xf32>
    %dot_general3A = arith.constant dense<0.000000e+00> : vector<1000x128xf32>
    %dot_general3A_34 = tpu.matmul %max3A_30, %get3A_33, %dot_general3A {dimension_numbers = #tpu.dot_dimension_numbers<[1], [0], [0], [1], [0, 0, 1, 1], [], []>, transpose_lhs_hint = false} : vector<1000x256xf32>, vector<256x128xf32>, vector<1000x128xf32> -> vector<1000x128xf32>
    %get3A_35 = arith.constant 0 : index
    %get3A_36 = arith.constant 0 : index
    %get3A_37 = vector.load %arg7[%get3A_35, %get3A_36] : memref<1x128xf32, #tpu.memory_space<vmem>>, vector<1x128xf32>
    %add3A_38 = vector.broadcast %get3A_37 : vector<1x128xf32> to vector<1000x128xf32>
    %add3A_39 = arith.addf %dot_general3A_34, %add3A_38 : vector<1000x128xf32>
    %swap3A = arith.constant 0 : index
    %swap3A_40 = arith.constant 0 : index
    %swap3A_41 = vector.load %arg8[%swap3A, %swap3A_40] : memref<1000x128xf32, #tpu.memory_space<vmem>>, vector<1000x128xf32>
    tpu.vector_store %arg8[%swap3A, %swap3A_40], %add3A_39 {strides = array<i32>} : memref<1000x128xf32, #tpu.memory_space<vmem>>, vector<1000x128xf32>,
    %reduce_sum3A = arith.constant dense<0.000000e+00> : vector<128xf32>
    %reduce_sum3A_42 = vector.multi_reduction <add>, %add3A_39, %reduce_sum3A [0] : vector<1000x128xf32> to vector<128xf32>
    %broadcast_in_dim3A = vector.shape_cast %reduce_sum3A_42 : vector<128xf32> to vector<1x128xf32>
    %eq3A = arith.constant 0 : i32
    %eq3A_43 = arith.cmpi eq, %arg0, %eq3A : i32
    %get3A_44 = arith.constant 0 : index
    %get3A_45 = arith.constant 0 : index
    %get3A_46 = vector.load %arg9[%get3A_44, %get3A_45] : memref<1x128xf32, #tpu.memory_space<vmem>>, vector<1x128xf32>
    %add3A_47 = arith.addf %get3A_46, %broadcast_in_dim3A : vector<1x128xf32>
    %select_n3A = arith.select %eq3A_43, %broadcast_in_dim3A, %add3A_47 : vector<1x128xf32>
    %swap3A_48 = arith.constant 0 : index
    %swap3A_49 = arith.constant 0 : index
    %swap3A_50 = vector.load %arg9[%swap3A_48, %swap3A_49] : memref<1x128xf32, #tpu.memory_space<vmem>>, vector<1x128xf32>
    tpu.vector_store %arg9[%swap3A_48, %swap3A_49], %select_n3A {strides = array<i32>} : memref<1x128xf32, #tpu.memory_space<vmem>>, vector<1x128xf32>,
    %mul3A_51 = arith.mulf %add3A_39, %add3A_39 : vector<1000x128xf32>
    %reduce_sum3A_52 = arith.constant dense<0.000000e+00> : vector<128xf32>
    %reduce_sum3A_53 = vector.multi_reduction <add>, %mul3A_51, %reduce_sum3A_52 [0] : vector<1000x128xf32> to vector<128xf32>
    %broadcast_in_dim3A_54 = vector.shape_cast %reduce_sum3A_53 : vector<128xf32> to vector<1x128xf32>
    %eq3A_55 = arith.constant 0 : i32
    %eq3A_56 = arith.cmpi eq, %arg0, %eq3A_55 : i32
    %get3A_57 = arith.constant 0 : index
    %get3A_58 = arith.constant 0 : index
    %get3A_59 = vector.load %arg10[%get3A_57, %get3A_58] : memref<1x128xf32, #tpu.memory_space<vmem>>, vector<1x128xf32>
    %add3A_60 = arith.addf %get3A_59, %broadcast_in_dim3A_54 : vector<1x128xf32>
    %select_n3A_61 = arith.select %eq3A_56, %broadcast_in_dim3A_54, %add3A_60 : vector<1x128xf32>
    %swap3A_62 = arith.constant 0 : index
    %swap3A_63 = arith.constant 0 : index
    %swap3A_64 = vector.load %arg10[%swap3A_62, %swap3A_63] : memref<1x128xf32, #tpu.memory_space<vmem>>, vector<1x128xf32>
    tpu.vector_store %arg10[%swap3A_62, %swap3A_63], %select_n3A_61 {strides = array<i32>} : memref<1x128xf32, #tpu.memory_space<vmem>>, vector<1x128xf32>,
    return
  }
  func.func @transform_0(%arg0: i32) -> (i32, i32) {
    %c0_i32 = arith.constant 0 : i32
    %c0_i32_0 = arith.constant 0 : i32
    return %arg0, %c0_i32 : i32, i32
  }
  func.func @transform_1(%arg0: i32) -> (i32, i32) {
    %c0_i32 = arith.constant 0 : i32
    %c0_i32_0 = arith.constant 0 : i32
    %c0_i32_1 = arith.constant 0 : i32
    return %c0_i32, %c0_i32_0 : i32, i32
  }
  func.func @transform_2(%arg0: i32) -> (i32, i32) {
    %c0_i32 = arith.constant 0 : i32
    %c0_i32_0 = arith.constant 0 : i32
    %c0_i32_1 = arith.constant 0 : i32
    return %c0_i32, %c0_i32_0 : i32, i32
  }
  func.func @transform_3(%arg0: i32) -> (i32, i32) {
    %c0_i32 = arith.constant 0 : i32
    %c0_i32_0 = arith.constant 0 : i32
    %c0_i32_1 = arith.constant 0 : i32
    return %c0_i32, %c0_i32_0 : i32, i32
  }
  func.func @transform_4(%arg0: i32) -> (i32, i32) {
    %c0_i32 = arith.constant 0 : i32
    %c0_i32_0 = arith.constant 0 : i32
    %c0_i32_1 = arith.constant 0 : i32
    return %c0_i32, %c0_i32_0 : i32, i32
  }
  func.func @transform_5(%arg0: i32) -> (i32, i32) {
    %c0_i32 = arith.constant 0 : i32
    %c0_i32_0 = arith.constant 0 : i32
    %c0_i32_1 = arith.constant 0 : i32
    return %c0_i32, %c0_i32_0 : i32, i32
  }
  func.func @transform_6(%arg0: i32) -> (i32, i32) {
    %c0_i32 = arith.constant 0 : i32
    %c0_i32_0 = arith.constant 0 : i32
    %c0_i32_1 = arith.constant 0 : i32
    return %c0_i32, %c0_i32_0 : i32, i32
  }
  func.func @transform_7(%arg0: i32) -> (i32, i32) {
    %c0_i32 = arith.constant 0 : i32
    %c0_i32_0 = arith.constant 0 : i32
    return %arg0, %c0_i32 : i32, i32
  }
  func.func @transform_8(%arg0: i32) -> (i32, i32) {
    %c0_i32 = arith.constant 0 : i32
    %c0_i32_0 = arith.constant 0 : i32
    %c0_i32_1 = arith.constant 0 : i32
    return %c0_i32, %c0_i32_0 : i32, i32
  }
  func.func @transform_9(%arg0: i32) -> (i32, i32) {
    %c0_i32 = arith.constant 0 : i32
    %c0_i32_0 = arith.constant 0 : i32
    %c0_i32_1 = arith.constant 0 : i32
    return %c0_i32, %c0_i32_0 : i32, i32
  }
}

module attributes {stable_mosaic.version = 14 : i64} {
  func.func @_vn_body(%arg0: memref<16x128xf32, #tpu.memory_space<vmem>>, %arg1: memref<1x128xf32, #tpu.memory_space<vmem>>, %arg2: memref<128x256xf32, #tpu.memory_space<vmem>>, %arg3: memref<1x256xf32, #tpu.memory_space<vmem>>, %arg4: memref<1x256xf32, #tpu.memory_space<vmem>>, %arg5: memref<1x256xf32, #tpu.memory_space<vmem>>, %arg6: memref<256x128xf32, #tpu.memory_space<vmem>>, %arg7: memref<1x128xf32, #tpu.memory_space<vmem>>, %arg8: memref<1x128xf32, #tpu.memory_space<vmem>>, %arg9: memref<1x128xf32, #tpu.memory_space<vmem>>, %arg10: memref<16x128xf32, #tpu.memory_space<vmem>>) attributes {dimension_semantics = [], scalar_prefetch = 0 : i64, scratch_operands = 0 : i64, tpu.core_type = #tpu.core_type<tc>} {
    %get3A = arith.constant 0 : index
    %get3A_0 = arith.constant 0 : index
    %get3A_1 = vector.load %arg0[%get3A, %get3A_0] : memref<16x128xf32, #tpu.memory_space<vmem>>, vector<16x128xf32>
    %get3A_2 = arith.constant 0 : index
    %get3A_3 = arith.constant 0 : index
    %get3A_4 = vector.load %arg1[%get3A_2, %get3A_3] : memref<1x128xf32, #tpu.memory_space<vmem>>, vector<1x128xf32>
    %add3A = vector.broadcast %get3A_4 : vector<1x128xf32> to vector<16x128xf32>
    %add3A_5 = arith.addf %get3A_1, %add3A : vector<16x128xf32>
    %get3A_6 = arith.constant 0 : index
    %get3A_7 = arith.constant 0 : index
    %get3A_8 = vector.load %arg2[%get3A_6, %get3A_7] : memref<128x256xf32, #tpu.memory_space<vmem>>, vector<128x256xf32>
    %dot_general3A = arith.constant dense<0.000000e+00> : vector<16x256xf32>
    %dot_general3A_9 = tpu.matmul %add3A_5, %get3A_8, %dot_general3A {dimension_numbers = #tpu.dot_dimension_numbers<[1], [0], [0], [1], [0, 0, 1, 1], [], []>, transpose_lhs_hint = false} : vector<16x128xf32>, vector<128x256xf32>, vector<16x256xf32> -> vector<16x256xf32>
    %get3A_10 = arith.constant 0 : index
    %get3A_11 = arith.constant 0 : index
    %get3A_12 = vector.load %arg3[%get3A_10, %get3A_11] : memref<1x256xf32, #tpu.memory_space<vmem>>, vector<1x256xf32>
    %add3A_13 = vector.broadcast %get3A_12 : vector<1x256xf32> to vector<16x256xf32>
    %add3A_14 = arith.addf %dot_general3A_9, %add3A_13 : vector<16x256xf32>
    %get3A_15 = arith.constant 0 : index
    %get3A_16 = arith.constant 0 : index
    %get3A_17 = vector.load %arg4[%get3A_15, %get3A_16] : memref<1x256xf32, #tpu.memory_space<vmem>>, vector<1x256xf32>
    %get3A_18 = arith.constant 0 : index
    %get3A_19 = arith.constant 0 : index
    %get3A_20 = vector.load %arg5[%get3A_18, %get3A_19] : memref<1x256xf32, #tpu.memory_space<vmem>>, vector<1x256xf32>
    %reduce_sum3A = arith.constant dense<0.000000e+00> : vector<256xf32>
    %reduce_sum3A_21 = vector.multi_reduction <add>, %add3A_14, %reduce_sum3A [0] : vector<16x256xf32> to vector<256xf32>
    %broadcast_in_dim3A = vector.shape_cast %reduce_sum3A_21 : vector<256xf32> to vector<1x256xf32>
    %div3A = arith.constant 1.600000e+01 : f32
    %div3A_22 = vector.broadcast %div3A : f32 to vector<1x256xf32>
    %div3A_23 = arith.divf %broadcast_in_dim3A, %div3A_22 : vector<1x256xf32>
    %jit3A = arith.constant 0 : i32
    %reduce_sum3A_24 = arith.constant dense<0.000000e+00> : vector<256xf32>
    %reduce_sum3A_25 = vector.multi_reduction <add>, %add3A_14, %reduce_sum3A_24 [0] : vector<16x256xf32> to vector<256xf32>
    %broadcast_in_dim3A_26 = vector.shape_cast %reduce_sum3A_25 : vector<256xf32> to vector<1x256xf32>
    %div3A_27 = arith.constant 1.600000e+01 : f32
    %div3A_28 = vector.broadcast %div3A_27 : f32 to vector<1x256xf32>
    %div3A_29 = arith.divf %broadcast_in_dim3A_26, %div3A_28 : vector<1x256xf32>
    %sub3A = vector.broadcast %div3A_29 : vector<1x256xf32> to vector<16x256xf32>
    %sub3A_30 = arith.subf %add3A_14, %sub3A : vector<16x256xf32>
    %square3A = arith.mulf %sub3A_30, %sub3A_30 : vector<16x256xf32>
    %convert_element_type3A = arith.sitofp %jit3A : i32 to f32
    %sub3A_31 = arith.constant 1.600000e+01 : f32
    %sub3A_32 = arith.subf %sub3A_31, %convert_element_type3A : f32
    %reduce_sum3A_33 = arith.constant dense<0.000000e+00> : vector<256xf32>
    %reduce_sum3A_34 = vector.multi_reduction <add>, %square3A, %reduce_sum3A_33 [0] : vector<16x256xf32> to vector<256xf32>
    %broadcast_in_dim3A_35 = vector.shape_cast %reduce_sum3A_34 : vector<256xf32> to vector<1x256xf32>
    %div3A_36 = vector.broadcast %sub3A_32 : f32 to vector<1x256xf32>
    %div3A_37 = arith.divf %broadcast_in_dim3A_35, %div3A_36 : vector<1x256xf32>
    %gt3A = arith.constant 0.000000e+00 : f32
    %gt3A_38 = arith.cmpf ogt, %sub3A_32, %gt3A : f32
    %jit3A_39 = arith.constant 0x7FC00000 : f32
    %broadcast_in_dim3A_40 = vector.broadcast %jit3A_39 : f32 to vector<1x256xf32>
    %select_n3A = arith.select %gt3A_38, %div3A_37, %broadcast_in_dim3A_40 : vector<1x256xf32>
    %sub3A_41 = vector.broadcast %div3A_23 : vector<1x256xf32> to vector<16x256xf32>
    %sub3A_42 = arith.subf %add3A_14, %sub3A_41 : vector<16x256xf32>
    %add3A_43 = arith.constant 9.99999974E-6 : f32
    %add3A_44 = vector.broadcast %add3A_43 : f32 to vector<1x256xf32>
    %add3A_45 = arith.addf %select_n3A, %add3A_44 : vector<1x256xf32>
    %sqrt3A = math.sqrt %add3A_45 : vector<1x256xf32>
    %div3A_46 = vector.broadcast %sqrt3A : vector<1x256xf32> to vector<16x256xf32>
    %div3A_47 = arith.divf %sub3A_42, %div3A_46 : vector<16x256xf32>
    %mul3A = vector.broadcast %get3A_17 : vector<1x256xf32> to vector<16x256xf32>
    %mul3A_48 = arith.mulf %div3A_47, %mul3A : vector<16x256xf32>
    %add3A_49 = vector.broadcast %get3A_20 : vector<1x256xf32> to vector<16x256xf32>
    %add3A_50 = arith.addf %mul3A_48, %add3A_49 : vector<16x256xf32>
    %max3A = arith.constant 0.000000e+00 : f32
    %max3A_51 = vector.broadcast %max3A : f32 to vector<16x256xf32>
    %max3A_52 = arith.maximumf %add3A_50, %max3A_51 : vector<16x256xf32>
    %get3A_53 = arith.constant 0 : index
    %get3A_54 = arith.constant 0 : index
    %get3A_55 = vector.load %arg6[%get3A_53, %get3A_54] : memref<256x128xf32, #tpu.memory_space<vmem>>, vector<256x128xf32>
    %dot_general3A_56 = arith.constant dense<0.000000e+00> : vector<16x128xf32>
    %dot_general3A_57 = tpu.matmul %max3A_52, %get3A_55, %dot_general3A_56 {dimension_numbers = #tpu.dot_dimension_numbers<[1], [0], [0], [1], [0, 0, 1, 1], [], []>, transpose_lhs_hint = false} : vector<16x256xf32>, vector<256x128xf32>, vector<16x128xf32> -> vector<16x128xf32>
    %get3A_58 = arith.constant 0 : index
    %get3A_59 = arith.constant 0 : index
    %get3A_60 = vector.load %arg7[%get3A_58, %get3A_59] : memref<1x128xf32, #tpu.memory_space<vmem>>, vector<1x128xf32>
    %add3A_61 = vector.broadcast %get3A_60 : vector<1x128xf32> to vector<16x128xf32>
    %add3A_62 = arith.addf %dot_general3A_57, %add3A_61 : vector<16x128xf32>
    %get3A_63 = arith.constant 0 : index
    %get3A_64 = arith.constant 0 : index
    %get3A_65 = vector.load %arg8[%get3A_63, %get3A_64] : memref<1x128xf32, #tpu.memory_space<vmem>>, vector<1x128xf32>
    %get3A_66 = arith.constant 0 : index
    %get3A_67 = arith.constant 0 : index
    %get3A_68 = vector.load %arg9[%get3A_66, %get3A_67] : memref<1x128xf32, #tpu.memory_space<vmem>>, vector<1x128xf32>
    %reduce_sum3A_69 = arith.constant dense<0.000000e+00> : vector<128xf32>
    %reduce_sum3A_70 = vector.multi_reduction <add>, %add3A_62, %reduce_sum3A_69 [0] : vector<16x128xf32> to vector<128xf32>
    %broadcast_in_dim3A_71 = vector.shape_cast %reduce_sum3A_70 : vector<128xf32> to vector<1x128xf32>
    %div3A_72 = arith.constant 1.600000e+01 : f32
    %div3A_73 = vector.broadcast %div3A_72 : f32 to vector<1x128xf32>
    %div3A_74 = arith.divf %broadcast_in_dim3A_71, %div3A_73 : vector<1x128xf32>
    %jit3A_75 = arith.constant 0 : i32
    %reduce_sum3A_76 = arith.constant dense<0.000000e+00> : vector<128xf32>
    %reduce_sum3A_77 = vector.multi_reduction <add>, %add3A_62, %reduce_sum3A_76 [0] : vector<16x128xf32> to vector<128xf32>
    %broadcast_in_dim3A_78 = vector.shape_cast %reduce_sum3A_77 : vector<128xf32> to vector<1x128xf32>
    %div3A_79 = arith.constant 1.600000e+01 : f32
    %div3A_80 = vector.broadcast %div3A_79 : f32 to vector<1x128xf32>
    %div3A_81 = arith.divf %broadcast_in_dim3A_78, %div3A_80 : vector<1x128xf32>
    %sub3A_82 = vector.broadcast %div3A_81 : vector<1x128xf32> to vector<16x128xf32>
    %sub3A_83 = arith.subf %add3A_62, %sub3A_82 : vector<16x128xf32>
    %square3A_84 = arith.mulf %sub3A_83, %sub3A_83 : vector<16x128xf32>
    %convert_element_type3A_85 = arith.sitofp %jit3A_75 : i32 to f32
    %sub3A_86 = arith.constant 1.600000e+01 : f32
    %sub3A_87 = arith.subf %sub3A_86, %convert_element_type3A_85 : f32
    %reduce_sum3A_88 = arith.constant dense<0.000000e+00> : vector<128xf32>
    %reduce_sum3A_89 = vector.multi_reduction <add>, %square3A_84, %reduce_sum3A_88 [0] : vector<16x128xf32> to vector<128xf32>
    %broadcast_in_dim3A_90 = vector.shape_cast %reduce_sum3A_89 : vector<128xf32> to vector<1x128xf32>
    %div3A_91 = vector.broadcast %sub3A_87 : f32 to vector<1x128xf32>
    %div3A_92 = arith.divf %broadcast_in_dim3A_90, %div3A_91 : vector<1x128xf32>
    %gt3A_93 = arith.constant 0.000000e+00 : f32
    %gt3A_94 = arith.cmpf ogt, %sub3A_87, %gt3A_93 : f32
    %jit3A_95 = arith.constant 0x7FC00000 : f32
    %broadcast_in_dim3A_96 = vector.broadcast %jit3A_95 : f32 to vector<1x128xf32>
    %select_n3A_97 = arith.select %gt3A_94, %div3A_92, %broadcast_in_dim3A_96 : vector<1x128xf32>
    %sub3A_98 = vector.broadcast %div3A_74 : vector<1x128xf32> to vector<16x128xf32>
    %sub3A_99 = arith.subf %add3A_62, %sub3A_98 : vector<16x128xf32>
    %add3A_100 = arith.constant 9.99999974E-6 : f32
    %add3A_101 = vector.broadcast %add3A_100 : f32 to vector<1x128xf32>
    %add3A_102 = arith.addf %select_n3A_97, %add3A_101 : vector<1x128xf32>
    %sqrt3A_103 = math.sqrt %add3A_102 : vector<1x128xf32>
    %div3A_104 = vector.broadcast %sqrt3A_103 : vector<1x128xf32> to vector<16x128xf32>
    %div3A_105 = arith.divf %sub3A_99, %div3A_104 : vector<16x128xf32>
    %mul3A_106 = vector.broadcast %get3A_65 : vector<1x128xf32> to vector<16x128xf32>
    %mul3A_107 = arith.mulf %div3A_105, %mul3A_106 : vector<16x128xf32>
    %add3A_108 = vector.broadcast %get3A_68 : vector<1x128xf32> to vector<16x128xf32>
    %add3A_109 = arith.addf %mul3A_107, %add3A_108 : vector<16x128xf32>
    %max3A_110 = arith.constant 0.000000e+00 : f32
    %max3A_111 = vector.broadcast %max3A_110 : f32 to vector<16x128xf32>
    %max3A_112 = arith.maximumf %add3A_109, %max3A_111 : vector<16x128xf32>
    %swap3A = arith.constant 0 : index
    %swap3A_113 = arith.constant 0 : index
    %swap3A_114 = vector.load %arg10[%swap3A, %swap3A_113] : memref<16x128xf32, #tpu.memory_space<vmem>>, vector<16x128xf32>
    tpu.vector_store %arg10[%swap3A, %swap3A_113], %max3A_112 {strides = array<i32>} : memref<16x128xf32, #tpu.memory_space<vmem>>, vector<16x128xf32>,
    return
  }
}

module attributes {stable_mosaic.version = 14 : i64} {
  func.func @_p3_body(%arg0: i32, %arg1: memref<1000x128xf32, #tpu.memory_space<vmem>>, %arg2: memref<1x128xf32, #tpu.memory_space<vmem>>, %arg3: memref<1x128xf32, #tpu.memory_space<vmem>>, %arg4: memref<1x128xf32, #tpu.memory_space<vmem>>, %arg5: memref<1x128xf32, #tpu.memory_space<vmem>>, %arg6: memref<1000x1xi32, #tpu.memory_space<vmem>>, %arg7: memref<16x128xf32, #tpu.memory_space<vmem>>, %arg8: memref<1000x128xf32, #tpu.memory_space<vmem>>) attributes {dimension_semantics = [#tpu.dimension_semantics<arbitrary>], iteration_bounds = array<i64: 10>, scalar_prefetch = 0 : i64, scratch_operands = 0 : i64, tpu.core_type = #tpu.core_type<tc>, window_params = [{transform_indices = @transform_0, window_bounds = array<i64: 1000, 128>}, {pipeline_mode = #tpu.pipeline_mode<synchronous>, transform_indices = @transform_1, window_bounds = array<i64: 1, 128>}, {pipeline_mode = #tpu.pipeline_mode<synchronous>, transform_indices = @transform_2, window_bounds = array<i64: 1, 128>}, {pipeline_mode = #tpu.pipeline_mode<synchronous>, transform_indices = @transform_3, window_bounds = array<i64: 1, 128>}, {pipeline_mode = #tpu.pipeline_mode<synchronous>, transform_indices = @transform_4, window_bounds = array<i64: 1, 128>}, {transform_indices = @transform_5, window_bounds = array<i64: 1000, 1>}, {pipeline_mode = #tpu.pipeline_mode<synchronous>, transform_indices = @transform_6, window_bounds = array<i64: 16, 128>}, {transform_indices = @transform_7, window_bounds = array<i64: 1000, 128>}]} {
    %get3A = arith.constant 0 : index
    %get3A_0 = arith.constant 0 : index
    %get3A_1 = vector.load %arg2[%get3A, %get3A_0] : memref<1x128xf32, #tpu.memory_space<vmem>>, vector<1x128xf32>
    %mul3A = arith.constant 9.99999974E-5 : f32
    %mul3A_2 = vector.broadcast %mul3A : f32 to vector<1x128xf32>
    %mul3A_3 = arith.mulf %get3A_1, %mul3A_2 : vector<1x128xf32>
    %get3A_4 = arith.constant 0 : index
    %get3A_5 = arith.constant 0 : index
    %get3A_6 = vector.load %arg3[%get3A_4, %get3A_5] : memref<1x128xf32, #tpu.memory_space<vmem>>, vector<1x128xf32>
    %mul3A_7 = arith.constant 9.99999974E-5 : f32
    %mul3A_8 = vector.broadcast %mul3A_7 : f32 to vector<1x128xf32>
    %mul3A_9 = arith.mulf %get3A_6, %mul3A_8 : vector<1x128xf32>
    %mul3A_10 = arith.mulf %mul3A_3, %mul3A_3 : vector<1x128xf32>
    %sub3A = arith.subf %mul3A_9, %mul3A_10 : vector<1x128xf32>
    %get3A_11 = arith.constant 0 : index
    %get3A_12 = arith.constant 0 : index
    %get3A_13 = vector.load %arg1[%get3A_11, %get3A_12] : memref<1000x128xf32, #tpu.memory_space<vmem>>, vector<1000x128xf32>
    %sub3A_14 = vector.broadcast %mul3A_3 : vector<1x128xf32> to vector<1000x128xf32>
    %sub3A_15 = arith.subf %get3A_13, %sub3A_14 : vector<1000x128xf32>
    %add3A = arith.constant 9.99999974E-6 : f32
    %add3A_16 = vector.broadcast %add3A : f32 to vector<1x128xf32>
    %add3A_17 = arith.addf %sub3A, %add3A_16 : vector<1x128xf32>
    %sqrt3A = math.sqrt %add3A_17 : vector<1x128xf32>
    %div3A = vector.broadcast %sqrt3A : vector<1x128xf32> to vector<1000x128xf32>
    %div3A_18 = arith.divf %sub3A_15, %div3A : vector<1000x128xf32>
    %get3A_19 = arith.constant 0 : index
    %get3A_20 = arith.constant 0 : index
    %get3A_21 = vector.load %arg4[%get3A_19, %get3A_20] : memref<1x128xf32, #tpu.memory_space<vmem>>, vector<1x128xf32>
    %mul3A_22 = vector.broadcast %get3A_21 : vector<1x128xf32> to vector<1000x128xf32>
    %mul3A_23 = arith.mulf %div3A_18, %mul3A_22 : vector<1000x128xf32>
    %get3A_24 = arith.constant 0 : index
    %get3A_25 = arith.constant 0 : index
    %get3A_26 = vector.load %arg5[%get3A_24, %get3A_25] : memref<1x128xf32, #tpu.memory_space<vmem>>, vector<1x128xf32>
    %add3A_27 = vector.broadcast %get3A_26 : vector<1x128xf32> to vector<1000x128xf32>
    %add3A_28 = arith.addf %mul3A_23, %add3A_27 : vector<1000x128xf32>
    %get3A_29 = arith.constant 0 : index
    %get3A_30 = arith.constant 0 : index
    %get3A_31 = vector.load %arg6[%get3A_29, %get3A_30] : memref<1000x1xi32, #tpu.memory_space<vmem>>, vector<1000x1xi32>
    %iota3A = tpu.iota {dimensions = array<i32: 1>} : vector<1x16xi32>
    %eq3A = vector.broadcast %get3A_31 : vector<1000x1xi32> to vector<1000x16xi32>
    %eq3A_32 = vector.broadcast %iota3A : vector<1x16xi32> to vector<1000x16xi32>
    %eq3A_33 = arith.cmpi eq, %eq3A, %eq3A_32 : vector<1000x16xi32>
    %convert_element_type3A = arith.extui %eq3A_33 : vector<1000x16xi1> to vector<1000x16xi32>
    %convert_element_type3A_34 = arith.sitofp %convert_element_type3A : vector<1000x16xi32> to vector<1000x16xf32>
    %max3A = arith.constant 0.000000e+00 : f32
    %max3A_35 = vector.broadcast %max3A : f32 to vector<1000x128xf32>
    %max3A_36 = arith.maximumf %add3A_28, %max3A_35 : vector<1000x128xf32>
    %get3A_37 = arith.constant 0 : index
    %get3A_38 = arith.constant 0 : index
    %get3A_39 = vector.load %arg7[%get3A_37, %get3A_38] : memref<16x128xf32, #tpu.memory_space<vmem>>, vector<16x128xf32>
    %dot_general3A = arith.constant dense<0.000000e+00> : vector<1000x128xf32>
    %dot_general3A_40 = tpu.matmul %convert_element_type3A_34, %get3A_39, %dot_general3A {dimension_numbers = #tpu.dot_dimension_numbers<[1], [0], [0], [1], [0, 0, 1, 1], [], []>, precision = #tpu.contract_precision<fp32>, transpose_lhs_hint = false} : vector<1000x16xf32>, vector<16x128xf32>, vector<1000x128xf32> -> vector<1000x128xf32>
    %add3A_41 = arith.addf %max3A_36, %dot_general3A_40 : vector<1000x128xf32>
    %swap3A = arith.constant 0 : index
    %swap3A_42 = arith.constant 0 : index
    %swap3A_43 = vector.load %arg8[%swap3A, %swap3A_42] : memref<1000x128xf32, #tpu.memory_space<vmem>>, vector<1000x128xf32>
    tpu.vector_store %arg8[%swap3A, %swap3A_42], %add3A_41 {strides = array<i32>} : memref<1000x128xf32, #tpu.memory_space<vmem>>, vector<1000x128xf32>,
    return
  }
  func.func @transform_0(%arg0: i32) -> (i32, i32) {
    %c0_i32 = arith.constant 0 : i32
    %c0_i32_0 = arith.constant 0 : i32
    return %arg0, %c0_i32 : i32, i32
  }
  func.func @transform_1(%arg0: i32) -> (i32, i32) {
    %c0_i32 = arith.constant 0 : i32
    %c0_i32_0 = arith.constant 0 : i32
    %c0_i32_1 = arith.constant 0 : i32
    return %c0_i32, %c0_i32_0 : i32, i32
  }
  func.func @transform_2(%arg0: i32) -> (i32, i32) {
    %c0_i32 = arith.constant 0 : i32
    %c0_i32_0 = arith.constant 0 : i32
    %c0_i32_1 = arith.constant 0 : i32
    return %c0_i32, %c0_i32_0 : i32, i32
  }
  func.func @transform_3(%arg0: i32) -> (i32, i32) {
    %c0_i32 = arith.constant 0 : i32
    %c0_i32_0 = arith.constant 0 : i32
    %c0_i32_1 = arith.constant 0 : i32
    return %c0_i32, %c0_i32_0 : i32, i32
  }
  func.func @transform_4(%arg0: i32) -> (i32, i32) {
    %c0_i32 = arith.constant 0 : i32
    %c0_i32_0 = arith.constant 0 : i32
    %c0_i32_1 = arith.constant 0 : i32
    return %c0_i32, %c0_i32_0 : i32, i32
  }
  func.func @transform_5(%arg0: i32) -> (i32, i32) {
    %c0_i32 = arith.constant 0 : i32
    %c0_i32_0 = arith.constant 0 : i32
    return %arg0, %c0_i32 : i32, i32
  }
  func.func @transform_6(%arg0: i32) -> (i32, i32) {
    %c0_i32 = arith.constant 0 : i32
    %c0_i32_0 = arith.constant 0 : i32
    %c0_i32_1 = arith.constant 0 : i32
    return %c0_i32, %c0_i32_0 : i32, i32
  }
  func.func @transform_7(%arg0: i32) -> (i32, i32) {
    %c0_i32 = arith.constant 0 : i32
    %c0_i32_0 = arith.constant 0 : i32
    return %arg0, %c0_i32 : i32, i32
  }
}

module attributes {stable_mosaic.version = 14 : i64} {
  func.func @_p1_body(%arg0: i32, %arg1: memref<1000x128xf32, #tpu.memory_space<vmem>>, %arg2: memref<1000x128xf32, #tpu.memory_space<vmem>>, %arg3: memref<1000x128xf32, #tpu.memory_space<vmem>>, %arg4: memref<1x1xf32, #tpu.memory_space<vmem>>, %arg5: memref<128x256xf32, #tpu.memory_space<vmem>>, %arg6: memref<1x256xf32, #tpu.memory_space<vmem>>, %arg7: memref<1000x1xi32, #tpu.memory_space<vmem>>, %arg8: memref<1000x256xf32, #tpu.memory_space<vmem>>, %arg9: memref<1x256xf32, #tpu.memory_space<vmem>>, %arg10: memref<1x256xf32, #tpu.memory_space<vmem>>, %arg11: memref<16x128xf32, #tpu.memory_space<vmem>>) attributes {dimension_semantics = [#tpu.dimension_semantics<arbitrary>], iteration_bounds = array<i64: 10>, scalar_prefetch = 0 : i64, scratch_operands = 0 : i64, tpu.core_type = #tpu.core_type<tc>, window_params = [{transform_indices = @transform_0, window_bounds = array<i64: 1000, 128>}, {transform_indices = @transform_1, window_bounds = array<i64: 1000, 128>}, {transform_indices = @transform_2, window_bounds = array<i64: 1000, 128>}, {pipeline_mode = #tpu.pipeline_mode<synchronous>, transform_indices = @transform_3, window_bounds = array<i64: 1, 1>}, {pipeline_mode = #tpu.pipeline_mode<synchronous>, transform_indices = @transform_4, window_bounds = array<i64: 128, 256>}, {pipeline_mode = #tpu.pipeline_mode<synchronous>, transform_indices = @transform_5, window_bounds = array<i64: 1, 256>}, {transform_indices = @transform_6, window_bounds = array<i64: 1000, 1>}, {transform_indices = @transform_7, window_bounds = array<i64: 1000, 256>}, {pipeline_mode = #tpu.pipeline_mode<synchronous>, transform_indices = @transform_8, window_bounds = array<i64: 1, 256>}, {pipeline_mode = #tpu.pipeline_mode<synchronous>, transform_indices = @transform_9, window_bounds = array<i64: 1, 256>}, {pipeline_mode = #tpu.pipeline_mode<synchronous>, transform_indices = @transform_10, window_bounds = array<i64: 16, 128>}]} {
    %get3A = arith.constant 0 : index
    %get3A_0 = arith.constant 0 : index
    %get3A_1 = vector.load %arg4[%get3A, %get3A_0] : memref<1x1xf32, #tpu.memory_space<vmem>>, vector<1x1xf32>
    %get3A_2 = vector.extract %get3A_1[0, 0] : f32 from vector<1x1xf32>
    %add3A = arith.constant 1.000000e+00 : f32
    %add3A_3 = arith.addf %add3A, %get3A_2 : f32
    %get3A_4 = arith.constant 0 : index
    %get3A_5 = arith.constant 0 : index
    %get3A_6 = vector.load %arg1[%get3A_4, %get3A_5] : memref<1000x128xf32, #tpu.memory_space<vmem>>, vector<1000x128xf32>
    %mul3A = vector.broadcast %add3A_3 : f32 to vector<1000x128xf32>
    %mul3A_7 = arith.mulf %mul3A, %get3A_6 : vector<1000x128xf32>
    %get3A_8 = arith.constant 0 : index
    %get3A_9 = arith.constant 0 : index
    %get3A_10 = vector.load %arg2[%get3A_8, %get3A_9] : memref<1000x128xf32, #tpu.memory_space<vmem>>, vector<1000x128xf32>
    %add3A_11 = arith.addf %mul3A_7, %get3A_10 : vector<1000x128xf32>
    %get3A_12 = arith.constant 0 : index
    %get3A_13 = arith.constant 0 : index
    %get3A_14 = vector.load %arg3[%get3A_12, %get3A_13] : memref<1000x128xf32, #tpu.memory_space<vmem>>, vector<1000x128xf32>
    %add3A_15 = arith.addf %add3A_11, %get3A_14 : vector<1000x128xf32>
    %get3A_16 = arith.constant 0 : index
    %get3A_17 = arith.constant 0 : index
    %get3A_18 = vector.load %arg5[%get3A_16, %get3A_17] : memref<128x256xf32, #tpu.memory_space<vmem>>, vector<128x256xf32>
    %dot_general3A = arith.constant dense<0.000000e+00> : vector<1000x256xf32>
    %dot_general3A_19 = tpu.matmul %add3A_15, %get3A_18, %dot_general3A {dimension_numbers = #tpu.dot_dimension_numbers<[1], [0], [0], [1], [0, 0, 1, 1], [], []>, transpose_lhs_hint = false} : vector<1000x128xf32>, vector<128x256xf32>, vector<1000x256xf32> -> vector<1000x256xf32>
    %get3A_20 = arith.constant 0 : index
    %get3A_21 = arith.constant 0 : index
    %get3A_22 = vector.load %arg6[%get3A_20, %get3A_21] : memref<1x256xf32, #tpu.memory_space<vmem>>, vector<1x256xf32>
    %add3A_23 = vector.broadcast %get3A_22 : vector<1x256xf32> to vector<1000x256xf32>
    %add3A_24 = arith.addf %dot_general3A_19, %add3A_23 : vector<1000x256xf32>
    %swap3A = arith.constant 0 : index
    %swap3A_25 = arith.constant 0 : index
    %swap3A_26 = vector.load %arg8[%swap3A, %swap3A_25] : memref<1000x256xf32, #tpu.memory_space<vmem>>, vector<1000x256xf32>
    tpu.vector_store %arg8[%swap3A, %swap3A_25], %add3A_24 {strides = array<i32>} : memref<1000x256xf32, #tpu.memory_space<vmem>>, vector<1000x256xf32>,
    %reduce_sum3A = arith.constant dense<0.000000e+00> : vector<256xf32>
    %reduce_sum3A_27 = vector.multi_reduction <add>, %add3A_24, %reduce_sum3A [0] : vector<1000x256xf32> to vector<256xf32>
    %broadcast_in_dim3A = vector.shape_cast %reduce_sum3A_27 : vector<256xf32> to vector<1x256xf32>
    %eq3A = arith.constant 0 : i32
    %eq3A_28 = arith.cmpi eq, %arg0, %eq3A : i32
    %get3A_29 = arith.constant 0 : index
    %get3A_30 = arith.constant 0 : index
    %get3A_31 = vector.load %arg9[%get3A_29, %get3A_30] : memref<1x256xf32, #tpu.memory_space<vmem>>, vector<1x256xf32>
    %add3A_32 = arith.addf %get3A_31, %broadcast_in_dim3A : vector<1x256xf32>
    %select_n3A = arith.select %eq3A_28, %broadcast_in_dim3A, %add3A_32 : vector<1x256xf32>
    %swap3A_33 = arith.constant 0 : index
    %swap3A_34 = arith.constant 0 : index
    %swap3A_35 = vector.load %arg9[%swap3A_33, %swap3A_34] : memref<1x256xf32, #tpu.memory_space<vmem>>, vector<1x256xf32>
    tpu.vector_store %arg9[%swap3A_33, %swap3A_34], %select_n3A {strides = array<i32>} : memref<1x256xf32, #tpu.memory_space<vmem>>, vector<1x256xf32>,
    %mul3A_36 = arith.mulf %add3A_24, %add3A_24 : vector<1000x256xf32>
    %reduce_sum3A_37 = arith.constant dense<0.000000e+00> : vector<256xf32>
    %reduce_sum3A_38 = vector.multi_reduction <add>, %mul3A_36, %reduce_sum3A_37 [0] : vector<1000x256xf32> to vector<256xf32>
    %broadcast_in_dim3A_39 = vector.shape_cast %reduce_sum3A_38 : vector<256xf32> to vector<1x256xf32>
    %eq3A_40 = arith.constant 0 : i32
    %eq3A_41 = arith.cmpi eq, %arg0, %eq3A_40 : i32
    %get3A_42 = arith.constant 0 : index
    %get3A_43 = arith.constant 0 : index
    %get3A_44 = vector.load %arg10[%get3A_42, %get3A_43] : memref<1x256xf32, #tpu.memory_space<vmem>>, vector<1x256xf32>
    %add3A_45 = arith.addf %get3A_44, %broadcast_in_dim3A_39 : vector<1x256xf32>
    %select_n3A_46 = arith.select %eq3A_41, %broadcast_in_dim3A_39, %add3A_45 : vector<1x256xf32>
    %swap3A_47 = arith.constant 0 : index
    %swap3A_48 = arith.constant 0 : index
    %swap3A_49 = vector.load %arg10[%swap3A_47, %swap3A_48] : memref<1x256xf32, #tpu.memory_space<vmem>>, vector<1x256xf32>
    tpu.vector_store %arg10[%swap3A_47, %swap3A_48], %select_n3A_46 {strides = array<i32>} : memref<1x256xf32, #tpu.memory_space<vmem>>, vector<1x256xf32>,
    %get3A_50 = arith.constant 0 : index
    %get3A_51 = arith.constant 0 : index
    %get3A_52 = vector.load %arg7[%get3A_50, %get3A_51] : memref<1000x1xi32, #tpu.memory_space<vmem>>, vector<1000x1xi32>
    %iota3A = tpu.iota {dimensions = array<i32: 1>} : vector<1x16xi32>
    %eq3A_53 = vector.broadcast %get3A_52 : vector<1000x1xi32> to vector<1000x16xi32>
    %eq3A_54 = vector.broadcast %iota3A : vector<1x16xi32> to vector<1000x16xi32>
    %eq3A_55 = arith.cmpi eq, %eq3A_53, %eq3A_54 : vector<1000x16xi32>
    %convert_element_type3A = arith.extui %eq3A_55 : vector<1000x16xi1> to vector<1000x16xi32>
    %convert_element_type3A_56 = arith.sitofp %convert_element_type3A : vector<1000x16xi32> to vector<1000x16xf32>
    %get3A_57 = arith.constant 0 : index
    %get3A_58 = arith.constant 0 : index
    %get3A_59 = vector.load %arg1[%get3A_57, %get3A_58] : memref<1000x128xf32, #tpu.memory_space<vmem>>, vector<1000x128xf32>
    %dot_general3A_60 = arith.constant dense<0.000000e+00> : vector<16x128xf32>
    %dot_general3A_61 = tpu.matmul %convert_element_type3A_56, %get3A_59, %dot_general3A_60 {dimension_numbers = #tpu.dot_dimension_numbers<[0], [0], [1], [1], [0, 1, 1, 1], [], []>, precision = #tpu.contract_precision<fp32>, transpose_lhs_hint = false} : vector<1000x16xf32>, vector<1000x128xf32>, vector<16x128xf32> -> vector<16x128xf32>
    %eq3A_62 = arith.constant 0 : i32
    %eq3A_63 = arith.cmpi eq, %arg0, %eq3A_62 : i32
    %get3A_64 = arith.constant 0 : index
    %get3A_65 = arith.constant 0 : index
    %get3A_66 = vector.load %arg11[%get3A_64, %get3A_65] : memref<16x128xf32, #tpu.memory_space<vmem>>, vector<16x128xf32>
    %add3A_67 = arith.addf %get3A_66, %dot_general3A_61 : vector<16x128xf32>
    %select_n3A_68 = arith.select %eq3A_63, %dot_general3A_61, %add3A_67 : vector<16x128xf32>
    %swap3A_69 = arith.constant 0 : index
    %swap3A_70 = arith.constant 0 : index
    %swap3A_71 = vector.load %arg11[%swap3A_69, %swap3A_70] : memref<16x128xf32, #tpu.memory_space<vmem>>, vector<16x128xf32>
    tpu.vector_store %arg11[%swap3A_69, %swap3A_70], %select_n3A_68 {strides = array<i32>} : memref<16x128xf32, #tpu.memory_space<vmem>>, vector<16x128xf32>,
    return
  }
  func.func @transform_0(%arg0: i32) -> (i32, i32) {
    %c0_i32 = arith.constant 0 : i32
    %c0_i32_0 = arith.constant 0 : i32
    return %arg0, %c0_i32 : i32, i32
  }
  func.func @transform_1(%arg0: i32) -> (i32, i32) {
    %c0_i32 = arith.constant 0 : i32
    %c0_i32_0 = arith.constant 0 : i32
    return %arg0, %c0_i32 : i32, i32
  }
  func.func @transform_2(%arg0: i32) -> (i32, i32) {
    %c0_i32 = arith.constant 0 : i32
    %c0_i32_0 = arith.constant 0 : i32
    return %arg0, %c0_i32 : i32, i32
  }
  func.func @transform_3(%arg0: i32) -> (i32, i32) {
    %c0_i32 = arith.constant 0 : i32
    %c0_i32_0 = arith.constant 0 : i32
    %c0_i32_1 = arith.constant 0 : i32
    return %c0_i32, %c0_i32_0 : i32, i32
  }
  func.func @transform_4(%arg0: i32) -> (i32, i32) {
    %c0_i32 = arith.constant 0 : i32
    %c0_i32_0 = arith.constant 0 : i32
    %c0_i32_1 = arith.constant 0 : i32
    return %c0_i32, %c0_i32_0 : i32, i32
  }
  func.func @transform_5(%arg0: i32) -> (i32, i32) {
    %c0_i32 = arith.constant 0 : i32
    %c0_i32_0 = arith.constant 0 : i32
    %c0_i32_1 = arith.constant 0 : i32
    return %c0_i32, %c0_i32_0 : i32, i32
  }
  func.func @transform_6(%arg0: i32) -> (i32, i32) {
    %c0_i32 = arith.constant 0 : i32
    %c0_i32_0 = arith.constant 0 : i32
    return %arg0, %c0_i32 : i32, i32
  }
  func.func @transform_7(%arg0: i32) -> (i32, i32) {
    %c0_i32 = arith.constant 0 : i32
    %c0_i32_0 = arith.constant 0 : i32
    return %arg0, %c0_i32 : i32, i32
  }
  func.func @transform_8(%arg0: i32) -> (i32, i32) {
    %c0_i32 = arith.constant 0 : i32
    %c0_i32_0 = arith.constant 0 : i32
    %c0_i32_1 = arith.constant 0 : i32
    return %c0_i32, %c0_i32_0 : i32, i32
  }
  func.func @transform_9(%arg0: i32) -> (i32, i32) {
    %c0_i32 = arith.constant 0 : i32
    %c0_i32_0 = arith.constant 0 : i32
    %c0_i32_1 = arith.constant 0 : i32
    return %c0_i32, %c0_i32_0 : i32, i32
  }
  func.func @transform_10(%arg0: i32) -> (i32, i32) {
    %c0_i32 = arith.constant 0 : i32
    %c0_i32_0 = arith.constant 0 : i32
    %c0_i32_1 = arith.constant 0 : i32
    return %c0_i32, %c0_i32_0 : i32, i32
  }
}

module attributes {stable_mosaic.version = 14 : i64} {
  func.func @_p3_body(%arg0: i32, %arg1: memref<1000x128xf32, #tpu.memory_space<vmem>>, %arg2: memref<1x128xf32, #tpu.memory_space<vmem>>, %arg3: memref<1x128xf32, #tpu.memory_space<vmem>>, %arg4: memref<1x128xf32, #tpu.memory_space<vmem>>, %arg5: memref<1x128xf32, #tpu.memory_space<vmem>>, %arg6: memref<1000x128xf32, #tpu.memory_space<vmem>>) attributes {dimension_semantics = [#tpu.dimension_semantics<arbitrary>], iteration_bounds = array<i64: 10>, scalar_prefetch = 0 : i64, scratch_operands = 0 : i64, tpu.core_type = #tpu.core_type<tc>, window_params = [{transform_indices = @transform_0, window_bounds = array<i64: 1000, 128>}, {pipeline_mode = #tpu.pipeline_mode<synchronous>, transform_indices = @transform_1, window_bounds = array<i64: 1, 128>}, {pipeline_mode = #tpu.pipeline_mode<synchronous>, transform_indices = @transform_2, window_bounds = array<i64: 1, 128>}, {pipeline_mode = #tpu.pipeline_mode<synchronous>, transform_indices = @transform_3, window_bounds = array<i64: 1, 128>}, {pipeline_mode = #tpu.pipeline_mode<synchronous>, transform_indices = @transform_4, window_bounds = array<i64: 1, 128>}, {transform_indices = @transform_5, window_bounds = array<i64: 1000, 128>}]} {
    %get3A = arith.constant 0 : index
    %get3A_0 = arith.constant 0 : index
    %get3A_1 = vector.load %arg2[%get3A, %get3A_0] : memref<1x128xf32, #tpu.memory_space<vmem>>, vector<1x128xf32>
    %mul3A = arith.constant 9.99999974E-5 : f32
    %mul3A_2 = vector.broadcast %mul3A : f32 to vector<1x128xf32>
    %mul3A_3 = arith.mulf %get3A_1, %mul3A_2 : vector<1x128xf32>
    %get3A_4 = arith.constant 0 : index
    %get3A_5 = arith.constant 0 : index
    %get3A_6 = vector.load %arg3[%get3A_4, %get3A_5] : memref<1x128xf32, #tpu.memory_space<vmem>>, vector<1x128xf32>
    %mul3A_7 = arith.constant 9.99999974E-5 : f32
    %mul3A_8 = vector.broadcast %mul3A_7 : f32 to vector<1x128xf32>
    %mul3A_9 = arith.mulf %get3A_6, %mul3A_8 : vector<1x128xf32>
    %mul3A_10 = arith.mulf %mul3A_3, %mul3A_3 : vector<1x128xf32>
    %sub3A = arith.subf %mul3A_9, %mul3A_10 : vector<1x128xf32>
    %get3A_11 = arith.constant 0 : index
    %get3A_12 = arith.constant 0 : index
    %get3A_13 = vector.load %arg1[%get3A_11, %get3A_12] : memref<1000x128xf32, #tpu.memory_space<vmem>>, vector<1000x128xf32>
    %sub3A_14 = vector.broadcast %mul3A_3 : vector<1x128xf32> to vector<1000x128xf32>
    %sub3A_15 = arith.subf %get3A_13, %sub3A_14 : vector<1000x128xf32>
    %add3A = arith.constant 9.99999974E-6 : f32
    %add3A_16 = vector.broadcast %add3A : f32 to vector<1x128xf32>
    %add3A_17 = arith.addf %sub3A, %add3A_16 : vector<1x128xf32>
    %sqrt3A = math.sqrt %add3A_17 : vector<1x128xf32>
    %div3A = vector.broadcast %sqrt3A : vector<1x128xf32> to vector<1000x128xf32>
    %div3A_18 = arith.divf %sub3A_15, %div3A : vector<1000x128xf32>
    %get3A_19 = arith.constant 0 : index
    %get3A_20 = arith.constant 0 : index
    %get3A_21 = vector.load %arg4[%get3A_19, %get3A_20] : memref<1x128xf32, #tpu.memory_space<vmem>>, vector<1x128xf32>
    %mul3A_22 = vector.broadcast %get3A_21 : vector<1x128xf32> to vector<1000x128xf32>
    %mul3A_23 = arith.mulf %div3A_18, %mul3A_22 : vector<1000x128xf32>
    %get3A_24 = arith.constant 0 : index
    %get3A_25 = arith.constant 0 : index
    %get3A_26 = vector.load %arg5[%get3A_24, %get3A_25] : memref<1x128xf32, #tpu.memory_space<vmem>>, vector<1x128xf32>
    %add3A_27 = vector.broadcast %get3A_26 : vector<1x128xf32> to vector<1000x128xf32>
    %add3A_28 = arith.addf %mul3A_23, %add3A_27 : vector<1000x128xf32>
    %swap3A = arith.constant 0 : index
    %swap3A_29 = arith.constant 0 : index
    %swap3A_30 = vector.load %arg6[%swap3A, %swap3A_29] : memref<1000x128xf32, #tpu.memory_space<vmem>>, vector<1000x128xf32>
    tpu.vector_store %arg6[%swap3A, %swap3A_29], %add3A_28 {strides = array<i32>} : memref<1000x128xf32, #tpu.memory_space<vmem>>, vector<1000x128xf32>,
    return
  }
  func.func @transform_0(%arg0: i32) -> (i32, i32) {
    %c0_i32 = arith.constant 0 : i32
    %c0_i32_0 = arith.constant 0 : i32
    return %arg0, %c0_i32 : i32, i32
  }
  func.func @transform_1(%arg0: i32) -> (i32, i32) {
    %c0_i32 = arith.constant 0 : i32
    %c0_i32_0 = arith.constant 0 : i32
    %c0_i32_1 = arith.constant 0 : i32
    return %c0_i32, %c0_i32_0 : i32, i32
  }
  func.func @transform_2(%arg0: i32) -> (i32, i32) {
    %c0_i32 = arith.constant 0 : i32
    %c0_i32_0 = arith.constant 0 : i32
    %c0_i32_1 = arith.constant 0 : i32
    return %c0_i32, %c0_i32_0 : i32, i32
  }
  func.func @transform_3(%arg0: i32) -> (i32, i32) {
    %c0_i32 = arith.constant 0 : i32
    %c0_i32_0 = arith.constant 0 : i32
    %c0_i32_1 = arith.constant 0 : i32
    return %c0_i32, %c0_i32_0 : i32, i32
  }
  func.func @transform_4(%arg0: i32) -> (i32, i32) {
    %c0_i32 = arith.constant 0 : i32
    %c0_i32_0 = arith.constant 0 : i32
    %c0_i32_1 = arith.constant 0 : i32
    return %c0_i32, %c0_i32_0 : i32, i32
  }
  func.func @transform_5(%arg0: i32) -> (i32, i32) {
    %c0_i32 = arith.constant 0 : i32
    %c0_i32_0 = arith.constant 0 : i32
    return %arg0, %c0_i32 : i32, i32
  }
}

</mosaic_0001>

<sc_bundles>
// kernel: kernel.14.cloned.1.call-start
scs
__scs_entry_jumppad:
0x0: {  	(pc) =	sbr.rel $0x88, $3  }
0x1: {  	(tag) =	ssettag $0x0;
	lr =	simm.s32 $0x1  }
0x2: {  	[smem:$0x3F78] =	sst lr;
	_ =	strace $0xD0000000  }
0x3: {  	_ = 	snop  }
0x4: {  	_ = 	snop  }
0x5: {  	_ = 	snop  }
0x6: {  	_ = 	snop  }
0x7: {  	_ = 	snop  }
__scs_overlays_trampoline_lowered:
0x8: {  	[smem:$0x3F87] =	sst s0  }
0x9: {  	[smem:$0x3F88] =	sst s1  }
0xa: {  	[smem:$0x3F89] =	sst s2  }
0xb: {  	[smem:$0x3F8A] =	sst s3  }
0xc: {  	[smem:$0x3F8B] =	sst s4  }
0xd: {  	[smem:$0x3F8C] =	sst s5  }
0xe: {  	[smem:$0x3F8D] =	sst s6  }
0xf: {  	[smem:$0x3F8E] =	sst s7  }
0x10: {  	[smem:$0x3F8F] =	sst s8  }
0x11: {  	[smem:$0x3F90] =	sst s9;
	s0 =	simm.s32 @!p0 $0x0  }
0x12: {  	s1 =	sld [smem:$0x3F76];
	s0 =	simm.s32 @p0 $0x1  }
0x13: {  	[smem:$0x3F91] =	sst s0;
	s0 =	simm.s32 @!p1 $0x0  }
0x14: {  	s2 =	sld [smem:$0x3F75];
	s0 =	simm.s32 @p1 $0x1  }
0x15: {  	[smem:$0x3F92] =	sst s0;
	s0 =	simm.s32 @!p2 $0x0  }
0x16: {  	s3 =	sld [smem:$0x3FDB];
	s0 =	simm.s32 @p2 $0x1  }
0x17: {  	s4 =	simm.s32 $0x1BF5;
	[smem:$0x3F94] =	sst s0  }
0x18: {  	s0 =	sld [smem:$0x3F77];
	_ =	swait.ge [sflag:s4], $0x0  }
0x19: {  	s7 =	sld [smem:$0x3F78]  }
0x1a: {  	s8 =	sadd.s32 $0xFFFFE003, lr  }
0x1b: {  	s9 =	sadd.s32 $0xFFFFFEF7, lr;
	s5 =	simm.s32 $0xFFFFFFFF;
	p2 =	slt.u32 s8, $0xFFFFF086  }
0x1c: {  	p1 =	slt.u32 s9, $0xF7A;
	s5 =	simm.s32 @!p2 $0x0  }
0x1d: {  	s5 =	simm.s32 @p1 $0x1;
	p0 =	seq.s32 s7, s2  }
0x1e: {  	s7 =	smul.u32 @!p0 $0xF7A, s2;
	p2 =	seq.s32 @!p0 s5, $0x0  }
0x1f: {  	s9 =	smul.u32 $0xF7A, s1;
	s8 =	simm.s32 @!p0 $0x1BF5;
	p2 =	por !p2, p0  }
0x20: {  	[sflag:s8] =	ssyncset.s32 @!p0 $0xFFFFF086;
	s6 =	sadd.s32 @!p0 s3, s7;
	s7 =	simm.s32 @!p0 $0x108  }
0x21: {  	s3 =	sadd.s32 s3, s9;
	s6 =	sadd.s32 @!p0 $0x88, s6;
	s7 =	simm.s32 @p2 $0x1082  }
0x22: {  	[simem:s7], [sflag:s8] =	dma.local @!p0 [hbm:s6], $0xF7A  }
0x23: {  	s9 =	sor.u32 $0xD0000000, s2;
	s6 =	simm.s32 $0x108;
	_ =	swait.ge @!p0 [sflag:s8], $0x0  }
0x24: {  	s3 =	sadd.s32 $0x88, s3;
	s6 =	simm.s32 @!p1 $0x1082;
	[sflag:s4] =	ssyncset.s32 $0xFFFFF086  }
0x25: {  	[simem:s6], [sflag:s4] =	dma.local [hbm:s3], $0xF7A  }
0x26: {  	[smem:$0x3F78] =	sst s1;
	(tag) =	ssettag s2;
	_ =	strace s9  }
0x27: {  	s1 =	sld [smem:$0x3F88]  }
0x28: {  	s2 =	sld [smem:$0x3F89]  }
0x29: {  	s4 =	sld [smem:$0x3F8B]  }
0x2a: {  	p0 =	seq.s32 s5, $0x0;
	s5 =	sld [smem:$0x3F8C]  }
0x2b: {  	s6 =	sld [smem:$0x3F8D]  }
0x2c: {  	s7 =	sld [smem:$0x3F8E]  }
0x2d: {  	s3 =	simm.s32 $0x108;
	s8 =	sld [smem:$0x3F8F]  }
0x2e: {  	s3 =	simm.s32 @!p0 $0x1082;
	s9 =	sld [smem:$0x3F90]  }
0x2f: {  	lr =	sadd.s32 s0, s3;
	s0 =	sld [smem:$0x3F87]  }
0x30: {  	s3 =	sld [smem:$0x3F8A]  }
0x31: {  	[smem:$0x3F93] =	sst s10  }
0x32: {  	s10 =	sld [smem:$0x3F91];
	_ =	sdelay $0x3  }
0x33: {  	p0 =	seq.s32 s10, $0x1;
	s10 =	sld [smem:$0x3F93];
	_ =	sdelay $0x3  }
0x34: {  	[smem:$0x3F93] =	sst s10  }
0x35: {  	s10 =	sld [smem:$0x3F92];
	_ =	sdelay $0x3  }
0x36: {  	p1 =	seq.s32 s10, $0x1;
	s10 =	sld [smem:$0x3F93];
	_ =	sdelay $0x3  }
0x37: {  	[smem:$0x3F93] =	sst s10  }
0x38: {  	s10 =	sld [smem:$0x3F94]  }
0x39: {  	_ = 	snop;
	(pc) =	sbr.ind lr, $3  }
0x3a: {  	_ = 	snop  }
0x3b: {  	_ = 	snop  }
0x3c: {  	p2 =	seq.s32 s10, $0x1;
	s10 =	sld [smem:$0x3F93]  }
0x3d: {  	_ =	shalt  }
0x3e: {  	_ =	shalt  }
0x3f: {  	_ =	shalt  }
0x40: {  	_ =	shalt  }
0x41: {  	_ =	shalt  }
0x42: {  	_ =	shalt  }
0x43: {  	_ =	shalt  }
0x44: {  	_ =	shalt  }
0x45: {  	_ =	shalt  }
0x46: {  	_ =	shalt  }
0x47: {  	_ =	shalt  }
0x48: {  	_ =	shalt  }
0x49: {  	_ =	shalt  }
0x4a: {  	_ =	shalt  }
0x4b: {  	_ =	shalt  }
0x4c: {  	_ =	shalt  }
0x4d: {  	_ =	shalt  }
0x4e: {  	_ =	shalt  }
0x4f: {  	_ =	shalt  }
0x50: {  	_ =	shalt  }
0x51: {  	_ =	shalt  }
0x52: {  	_ =	shalt  }
0x53: {  	_ =	shalt  }
0x54: {  	_ =	shalt  }
0x55: {  	_ =	shalt  }
0x56: {  	_ =	shalt  }
0x57: {  	_ =	shalt  }
0x58: {  	_ =	shalt  }
0x59: {  	_ =	shalt  }
0x5a: {  	_ =	shalt  }
0x5b: {  	_ =	shalt  }
0x5c: {  	_ =	shalt  }
0x5d: {  	_ =	shalt  }
0x5e: {  	_ =	shalt  }
0x5f: {  	_ =	shalt  }
0x60: {  	_ =	shalt  }
0x61: {  	_ =	shalt  }
0x62: {  	_ =	shalt  }
0x63: {  	_ =	shalt  }
0x64: {  	_ =	shalt  }
0x65: {  	_ =	shalt  }
0x66: {  	_ =	shalt  }
0x67: {  	_ =	shalt  }
0x68: {  	_ =	shalt  }
0x69: {  	_ =	shalt  }
0x6a: {  	_ =	shalt  }
0x6b: {  	_ =	shalt  }
0x6c: {  	_ =	shalt  }
0x6d: {  	_ =	shalt  }
0x6e: {  	_ =	shalt  }
0x6f: {  	_ =	shalt  }
0x70: {  	_ =	shalt  }
0x71: {  	_ =	shalt  }
0x72: {  	_ =	shalt  }
0x73: {  	_ =	shalt  }
0x74: {  	_ =	shalt  }
0x75: {  	_ =	shalt  }
0x76: {  	_ =	shalt  }
0x77: {  	_ =	shalt  }
0x78: {  	_ =	shalt  }
0x79: {  	_ =	shalt  }
0x7a: {  	_ =	shalt  }
0x7b: {  	_ =	shalt  }
0x7c: {  	_ =	shalt  }
0x7d: {  	_ =	shalt  }
0x7e: {  	_ =	shalt  }
0x7f: {  	_ =	shalt  }
0x80: {  	_ =	shalt  }
0x81: {  	_ =	shalt  }
0x82: {  	_ =	shalt  }
0x83: {  	_ =	shalt  }
0x84: {  	_ =	shalt  }
0x85: {  	_ =	shalt  }
0x86: {  	_ =	shalt  }
0x87: {  	_ =	shalt  }
.Lfunc_end0:
.L_simem_size_0:
called_computation_lowered:
.L_overlay_start_0:
0x88: {  	s2 =	sld [smem:$0x3FD9]  }
0x89: {  	s3 =	sld [smem:$0x3FFE];
	_ =	sdelay $0x1  }
0x8a: {  	s1 =	srdreg.scid  }
0x8b: {  	s0 =	sand.u32 $0x1, s1  }
0x8c: {  	s17 =	sshll.u32 s0, $0xA;
	s2 =	sadd.s32 s3, s2  }
0x8d: {  	s2 =	sadd.s32 s2, s17  }
0x8e: {  	[smem:$0x3F9F] =	sst s2  }
0x8f: {  	_ = 	snop  }
0x90: {  	s2 =	sld [smem:$0x3FD0];
	(tm) =	ssettm $0x1  }
0x91: {  	s18 =	sld [smem:$0x3FFB];
	_ =	sdelay $0x3  }
0x92: {  	_ =	strace s18  }
0x93: {  	s3 =	sld [smem:$0x3FFC];
	_ =	sdelay $0x3  }
0x94: {  	_ =	strace s3  }
0x95: {  	s3 =	sld [smem:$0x3FFD];
	_ =	sdelay $0x3  }
0x96: {  	_ =	strace s3  }
0x97: {  	_ =	strace $0x8FFFFFFF  }
0x98: {  	s19 =	sld [smem:$0x3FDB];
	_ =	sdelay $0x1  }
0x99: {  	s4 =	simm.s32 $_scs_section_size  }
0x9a: {  	s5 =	simm.s32 $_size__tile_overlayer_lowered;
	s6 =	simm.s32 $_tile_overlayer_lowered  }
0x9b: {  	s22 =	simm.s32 $0x1BFF;
	s21 =	sshll.u32 s6, $0x1;
	s3 =	sadd.s32 s4, s19  }
0x9c: {  	s7 =	simm.s32 $0x0;
	s20 =	sshll.u32 s5, $0x1;
	s5 =	sadd.s32 s21, s3  }
0x9d: {  	[timem:s7], [sflag:s22] =	dma.local [hbm:s5], s20  }
0x9e: {  	_ =	swait.ge [sflag:s22], s20  }
0x9f: {  	s4 =	ssub.s32 $0x0, s20;
	[sflag:s22] =	ssyncset.done $0x0  }
0xa0: {  	[sflag:s22] =	ssyncadd.s32 s4;
	_ =	sdelay $0x1  }
0xa1: {  	s23 =	simm.s32 $0x1B8B  }
0xa2: {  	_ =	swait.ge [sflag:s23], $0x1  }
0xa3: {  	[sflag:s23] =	ssyncset.done $0x0  }
0xa4: {  	s25 =	simm.s32 $0x1B8E;
	s24 =	sld [smem:$0x3FFE];
	[sflag:s23] =	ssyncadd.s32 $0xFFFFFFFF  }
0xa5: {  	s26 =	simm.s32 $execute0_lowered;
	[smem:$0x3FD2] =	sst s25  }
0xa6: {  	s5 =	sshll.u32 s26, $0x1;
	_ =	strace $0x80000046;
	[dreg:$0x1] =	wrdreg $0xFFFFFFFF  }
0xa7: {  	s28 =	simm.s32 $_size_execute0_lowered;
	s3 =	sadd.s32 s3, s5;
	[dreg:$0x0] =	wrdreg $0x0  }
0xa8: {  	s5 =	sshll.u32 s28, $0x1;
	[dreg:$0x2] =	wrdreg s3  }
0xa9: {  	[dreg:$0x3] =	wrdreg s5  }
0xaa: {  	[dreg:$0x4] =	wrdreg $0xC0  }
0xab: {  	_ =	task [dreg:s7], $0x5FFFF  }
0xac: {  	[dreg:$0x1] =	wrdreg $0xFFFFFFFF  }
0xad: {  	[dreg:$0x0] =	wrdreg $0x60  }
0xae: {  	[dreg:$0x2] =	wrdreg s2  }
0xaf: {  	[dreg:$0x3] =	wrdreg s24  }
0xb0: {  	[dreg:$0x4] =	wrdreg $0x91000  }
0xb1: {  	[dreg:$0x5] =	wrdreg $0x9  }
0xb2: {  	_ =	task.clear_ibuf [dreg:s7], $0x6FFFF;
	_ =	strace $0x90000046  }
0xb3: {  	s29 =	simm.s32 $0x9;
	_ =	strace $0x80000048  }
0xb4: {  	_ =	swait.ge [sflag:s29], $0x1  }
0xb5: {  	[sflag:s29] =	ssyncadd.s32 $0xFFFFFFFF  }
0xb6: {  	_ =	strace $0x90000048  }
0xb7: {  	_ =	sfence  }
0xb8: {  	s30 =	sld [smem:$0x0];
	_ =	sdelay $0x2  }
0xb9: {  	s31 =	sshll.u32 s1, $0xD;
	s1 =	sshrl.u32 s1, $0x2  }
0xba: {  	s3 =	sand.u32 $0x4000, s31;
	s1 =	sadd.s32 s1, s30  }
0xbb: {  	s0 =	sor.u32 s3, s0;
	s1 =	sshll.u32 s1, $0x11  }
0xbc: {  	s0 =	sor.u32 s1, s0  }
0xbd: {  	s0 =	sadd.s32 $0x8F2B, s0  }
0xbe: {  	[sflag:s0] =	ssyncadd.remote.s32 $0x1  }
0xbf: {  	_ =	sfence.sel $0xFFFF  }
0xc0: {  	[dreg:$0x0] =	wrdreg $0xFFFFFFFF;
	(pc) =	sbr.abs _section_cstart, $3  }
0xc1: {  	[dreg:$0x1] =	wrdreg $0xFFFFFFFF  }
0xc2: {  	_ =	task.clear_ibuf [dreg:s7], $0x2FFFF;
	_ =	strace $0x9FFFFFFF  }
0xc3: {  	(tm) =	ssettm $0x7FFFFFFF  }
tec
execute0_lowered:
.L_overlay_start_1:
0x0: {  	(tag) =	ssettag $0x1  }
0x1: {  	s1 =	rddreg [dreg:$0x0]  }
0x2: {  	s8 =	rddreg [dreg:$0x1]  }
0x3: {  	s2 =	rddreg [dreg:$0x2]  }
0x4: {  	s0 =	rddreg [dreg:$0x3];
	s3 =	simm.s32 $0x0;
	s4 =	srdreg.scid  }
0x5: {  	s19 =	simm.s32 $0x2;
	s20 =	simm.s32 $0x80;
	s21 =	simm.s32 $0x50  }
0x6: {  	s22 =	simm.s32 $0x100;
	s23 =	simm.s32 $0x2900;
	s24 =	simm.s32 $0x1  }
0x7: {  	[smem:$0x7FF] =	sst s3;
	s9 =	sand.u32 $0x1, s4;
	s5 =	sadd.s32 $0x4FDC00, s8  }
0x8: {  	s4 =	stileid.u32;
	s6 =	sadd.s32 $0x11E00, s8;
	s15 =	sadd.s32 $0x9DFC00, s8  }
0x9: {  	s7 =	sadd.s32 $0x8000, s8;
	_ =	strace $0x80000047;
	s12 =	smul.u32 $0x4E000, s4  }
0xa: {  	s10 =	ssub.s32 $0x2, s9;
	s30 =	sshll.u32 s4, $0x1;
	s13 =	smul.u32 $0x138800, s9  }
0xb: {  	s16 =	smul.u32 $0x13800, s4;
	p0 =	sne.s32 s4, $0xF;
	s11 =	sshrl.u32 s10, $0x1  }
0xc: {  	s14 =	sor.u32 s9, s30;
	s17 =	ssub.s32 s10, s11;
	s31 =	sshrl.u32 s12, $0x2  }
0xd: {  	s16 =	sadd.s32 s16, s13;
	s18 =	sshrl.u32 s13, $0x3;
	s13 =	sadd.s32 $0x138000, s2  }
0xe: {  	s14 =	smul.u32 $0x2710, s14;
	s8 =	sadd.s32 s31, s2;
	s16 =	sshrl.u32 s16, $0x3  }
0xf: {  	s18 =	sadd.s32 s15, s18;
	s17 =	smax.u32 s17, $0x1;
	s9 =	sadd.s32 $0x4000, s8  }
0x10: {  	s10 =	sadd.s32 $0x8000, s8;
	s11 =	sadd.s32 $0xC000, s8;
	s12 =	sadd.s32 $0x10000, s8  }
0x11: {  	v0 =	vimm.f32 $0.0e+00;
	s15 =	sadd.s32 s15, s16;
	s16 =	sadd.s32 $0x27000, s18;
	s18 =	simm.s32 $0x5100  }
.LBB2_1:
0x12: {  	s25 =	simm.s32 $0x0;
	s26 =	simm.s32 $0x200  }
.LBB2_2:
0x13: {  	p1 =	sne.s32 s26, $0xFE00;
	[tilespmem:s25+$0x5170] =	vst v0  }
0x14: {  	[tilespmem:s25+$0x5100] =	vst v0  }
0x15: {  	[tilespmem:s25+$0x5110] =	vst v0  }
.Ltmp0:
0x16: {  	[tilespmem:s25+$0x5120] =	vst v0;
	(pc) =	sbr.rel @p1 .LBB2_2-.Ltmp0, $4  }
0x17: {  	[tilespmem:s25+$0x5130] =	vst v0  }
0x18: {  	[tilespmem:s25+$0x5140] =	vst v0  }
0x19: {  	[tilespmem:s25+$0x5150] =	vst v0  }
0x1a: {  	[tilespmem:s25+$0x5160] =	vst v0;
	s25 =	sshra.s32 s26, $0x2;
	s26 =	sadd.s32 $0x200, s26  }
0x1b: {  	[tilespmem:s25+$0x5170] =	vst v0  }
0x1c: {  	[tilespmem:s25+$0x5100] =	vst v0  }
0x1d: {  	[tilespmem:s25+$0x5110] =	vst v0  }
0x1e: {  	[tilespmem:s25+$0x5120] =	vst v0  }
0x1f: {  	[tilespmem:s25+$0x5130] =	vst v0  }
0x20: {  	[tilespmem:s25+$0x5140] =	vst v0  }
0x21: {  	[tilespmem:s25+$0x5150] =	vst v0  }
0x22: {  	[tilespmem:s25+$0x5160] =	vst v0  }
0x23: {  	[spmem:s8] =	stream.linear.scatter [tilespmem:s18], [sflag:$0x2], $0x4000, $0x38;
	[tilespmem:$0x1C980] =	vst v63  }
0x24: {  	_ =	swait.ge [sflag:s19], $0x4000  }
0x25: {  	[sflag:s19] =	ssyncset.done $0x0  }
0x26: {  	[sflag:s19] =	ssyncadd.s32 $0xFFFFC000  }
0x27: {  	[spmem:s9] =	stream.linear.scatter [tilespmem:s18], [sflag:$0x2], $0x4000, $0x38;
	[tilespmem:$0x1C980] =	vst v63  }
0x28: {  	_ =	swait.ge [sflag:s19], $0x4000  }
0x29: {  	[sflag:s19] =	ssyncset.done $0x0  }
0x2a: {  	[sflag:s19] =	ssyncadd.s32 $0xFFFFC000  }
0x2b: {  	[spmem:s10] =	stream.linear.scatter [tilespmem:s18], [sflag:$0x2], $0x4000, $0x38;
	[tilespmem:$0x1C980] =	vst v63  }
0x2c: {  	_ =	swait.ge [sflag:s19], $0x4000  }
0x2d: {  	[sflag:s19] =	ssyncset.done $0x0  }
0x2e: {  	[sflag:s19] =	ssyncadd.s32 $0xFFFFC000  }
0x2f: {  	[spmem:s11] =	stream.linear.scatter [tilespmem:s18], [sflag:$0x2], $0x4000, $0x38;
	[tilespmem:$0x1C980] =	vst v63  }
0x30: {  	_ =	swait.ge [sflag:s19], $0x4000  }
0x31: {  	[sflag:s19] =	ssyncset.done $0x0  }
0x32: {  	[sflag:s19] =	ssyncadd.s32 $0xFFFFC000  }
0x33: {  	[spmem:s12] =	stream.linear.scatter [tilespmem:s18], [sflag:$0x2], $0x3800, $0x38;
	[tilespmem:$0x1C980] =	vst v63  }
0x34: {  	_ =	swait.ge [sflag:s19], $0x3800  }
0x35: {  	[sflag:s19] =	ssyncset.done $0x0  }
0x36: {  	s25 =	simm.s32 @!p0 $0x5100;
	[sflag:s19] =	ssyncadd.s32 $0xFFFFC800  }
0x37: {  	[spmem:s13] =	stream.linear.scatter @!p0 [tilespmem:s25], [sflag:$0x2], $0x800, $0x38;
	[tilespmem:$0x1C980] =	vst v63  }
0x38: {  	s25 =	simm.s32 @!p0 $0x2  }
0x39: {  	_ =	swait.ge @!p0 [sflag:s25], $0x800  }
0x3a: {  	[sflag:s25] =	ssyncset.done @!p0 $0x0  }
0x3b: {  	[sflag:s25] =	ssyncadd.s32 @!p0 $0xFFFFF800  }
0x3c: {  	s26 =	simm.s32 $0x0;
	s25 =	simm.s32 $0x0;
	[bflag:$0x0] =	sbarrier.arrive $0xFFFF  }
.LBB2_4:
0x3d: {  	s28 =	smul.u32 $0x50, s26;
	_ =	sdelay $0x1  }
0x3e: {  	s28 =	sadd.s32 s14, s28  }
0x3f: {  	s29 =	sshrl.u32 s28, $0x3  }
0x40: {  	s30 =	sadd.s32 s6, s29  }
0x41: {  	[tilespmem:s25], [sflag:$0x2] =	stream.linear.gather [hbm4b:s30+s25], $0x50, $0x38;
	[tilespmem:$0x1C980] =	vst v63  }
0x42: {  	_ =	swait.ge [sflag:s19], $0x50  }
0x43: {  	[sflag:s19] =	ssyncset.done $0x0  }
0x44: {  	s29 =	sadd.s32 s7, s29;
	[sflag:s19] =	ssyncadd.s32 $0xFFFFFFB0  }
0x45: {  	[tilespmem:s20], [sflag:$0x2] =	stream.linear.gather [hbm4b:s29+s25], $0x50, $0x38;
	[tilespmem:$0x1C980] =	vst v63  }
0x46: {  	_ =	swait.ge [sflag:s19], $0x50  }
0x47: {  	[sflag:s19] =	ssyncset.done $0x0  }
0x48: {  	s28 =	sshll.u32 s28, $0x4;
	[sflag:s19] =	ssyncadd.s32 $0xFFFFFFB0  }
0x49: {  	[tilespmem:s22], [sflag:$0x1] =	stream.indirect.gather [hbm4b:s1+s21], $0x80, s25, s21, $0xb8;
	[tilespmem:$0x1C980] =	vst v63  }
0x4a: {  	s28 =	sadd.s32 s5, s28  }
0x4b: {  	[tilespmem:s23], [sflag:$0x2] =	stream.linear.gather [hbm4b:s28+s25], $0x2800, $0x38;
	[tilespmem:$0x1C980] =	vst v63  }
0x4c: {  	_ =	swait.ge [sflag:s19], $0x2800  }
0x4d: {  	[sflag:s19] =	ssyncset.done $0x0  }
0x4e: {  	[sflag:s19] =	ssyncadd.s32 $0xFFFFD800  }
0x4f: {  	_ =	swait.ge [sflag:s24], $0x2800  }
0x50: {  	[sflag:s24] =	ssyncset.done $0x0  }
0x51: {  	s28 =	simm.s32 $0x0;
	[sflag:s24] =	ssyncadd.s32 $0xFFFFD800  }
0x52: {  	v7 =	vld [tilespmem:s28+$0x2900]  }
0x53: {  	v12 =	vld [tilespmem:s28+$0x2910]  }
0x54: {  	v6 =	vld [tilespmem:s28+$0x2920]  }
0x55: {  	v5 =	vld [tilespmem:s28+$0x2930]  }
0x56: {  	v4 =	vld [tilespmem:s28+$0x2940]  }
0x57: {  	v3 =	vld [tilespmem:s28+$0x2950]  }
0x58: {  	v2 =	vld [tilespmem:s28+$0x2960]  }
0x59: {  	v1 =	vld [tilespmem:s28+$0x2970]  }
0x5a: {  	v13 =	vld [tilespmem:s28+$0x100]  }
0x5b: {  	v14 =	vld [tilespmem:s28+$0x110]  }
0x5c: {  	v11 =	vld [tilespmem:s28+$0x120]  }
0x5d: {  	v10 =	vld [tilespmem:s28+$0x130]  }
0x5e: {  	v9 =	vld [tilespmem:s28+$0x140]  }
0x5f: {  	v8 =	vld [tilespmem:s28+$0x150];
	v13 =	vadd.f32 v7, v13  }
0x60: {  	s29 =	simm.s32 $0x200;
	v12 =	vadd.f32 v12, v14;
	v7 =	vld [tilespmem:s28+$0x160]  }
.LBB2_5:
0x61: {  	s30 =	sshra.s32 s29, $0x2;
	p1 =	sne.s32 s29, $0x9E00;
	v13 =	vmax.f32 v13, $0.0e+00;
	v6 =	vadd.f32 v6, v11;
	v11 =	vld [tilespmem:s28+$0x170]  }
0x62: {  	v14 =	vld [tilespmem:s30+$0x2900];
	[tilespmem:s28+$0x100] =	vst v13;
	v12 =	vmax.f32 v12, $0.0e+00;
	v5 =	vadd.f32 v5, v10  }
0x63: {  	v15 =	vld [tilespmem:s30+$0x2910];
	[tilespmem:s28+$0x110] =	vst v12;
	v10 =	vmax.f32 v6, $0.0e+00;
	v4 =	vadd.f32 v4, v9  }
0x64: {  	v6 =	vld [tilespmem:s30+$0x2920];
	[tilespmem:s28+$0x120] =	vst v10;
	v9 =	vmax.f32 v5, $0.0e+00;
	v3 =	vadd.f32 v3, v8  }
0x65: {  	v5 =	vld [tilespmem:s30+$0x2930];
	[tilespmem:s28+$0x130] =	vst v9;
	v8 =	vmax.f32 v4, $0.0e+00;
	v2 =	vadd.f32 v2, v7  }
0x66: {  	v4 =	vld [tilespmem:s30+$0x2940];
	[tilespmem:s28+$0x140] =	vst v8;
	v7 =	vmax.f32 v3, $0.0e+00;
	v1 =	vadd.f32 v1, v11  }
0x67: {  	v3 =	vld [tilespmem:s30+$0x2950];
	[tilespmem:s28+$0x150] =	vst v7;
	v7 =	vmax.f32 v2, $0.0e+00  }
0x68: {  	v2 =	vld [tilespmem:s30+$0x2960];
	[tilespmem:s28+$0x160] =	vst v7;
	v7 =	vmax.f32 v1, $0.0e+00  }
0x69: {  	v1 =	vld [tilespmem:s30+$0x2970];
	[tilespmem:s28+$0x170] =	vst v7;
	s28 =	smov.u32 s30  }
0x6a: {  	v7 =	vld [tilespmem:s28+$0x100]  }
0x6b: {  	v12 =	vld [tilespmem:s28+$0x110]  }
.Ltmp1:
0x6c: {  	v11 =	vld [tilespmem:s28+$0x120];
	(pc) =	sbr.rel @p1 .LBB2_5-.Ltmp1, $4  }
0x6d: {  	v10 =	vld [tilespmem:s28+$0x130]  }
0x6e: {  	v9 =	vld [tilespmem:s28+$0x140]  }
0x6f: {  	v13 =	vadd.f32 v14, v7;
	v8 =	vld [tilespmem:s28+$0x150]  }
0x70: {  	s29 =	sadd.s32 $0x200, s29;
	v12 =	vadd.f32 v15, v12;
	v7 =	vld [tilespmem:s28+$0x160]  }
0x71: {  	v13 =	vmax.f32 v13, $0.0e+00;
	v6 =	vadd.f32 v6, v11;
	v63 =	vld [tilespmem:s28+$0x170]  }
0x72: {  	[tilespmem:s28+$0x100] =	vst v13;
	v12 =	vmax.f32 v12, $0.0e+00;
	v5 =	vadd.f32 v5, v10  }
0x73: {  	[tilespmem:s28+$0x110] =	vst v12;
	v6 =	vmax.f32 v6, $0.0e+00;
	v4 =	vadd.f32 v4, v9  }
0x74: {  	[tilespmem:s28+$0x120] =	vst v6;
	v5 =	vmax.f32 v5, $0.0e+00;
	v3 =	vadd.f32 v3, v8  }
0x75: {  	[tilespmem:s28+$0x130] =	vst v5;
	v4 =	vmax.f32 v4, $0.0e+00;
	v2 =	vadd.f32 v2, v7  }
0x76: {  	[tilespmem:s28+$0x140] =	vst v4;
	v3 =	vmax.f32 v3, $0.0e+00;
	v1 =	vadd.f32 v1, v63  }
0x77: {  	s26 =	sadd.s32 $0x1, s26;
	[tilespmem:s28+$0x150] =	vst v3;
	v2 =	vmax.f32 v2, $0.0e+00  }
0x78: {  	p1 =	sne.s32 s26, $0x7D;
	[tilespmem:s28+$0x160] =	vst v2;
	v1 =	vmax.f32 v1, $0.0e+00  }
.Ltmp2:
0x79: {  	[tilespmem:s28+$0x170] =	vst v1;
	(pc) =	sbr.rel @p1 .LBB2_4-.Ltmp2, $4  }
0x7a: {  	[spmem:s2] =	stream.indirect.scatter.add.f32 [tilespmem:s22], [sflag:$0x2], $0x80, s20, s21, $0xb8;
	[tilespmem:$0x1C980] =	vst v63  }
0x7b: {  	_ =	swait.ge [sflag:s19], $0x2800  }
0x7c: {  	[sflag:s19] =	ssyncset.done $0x0  }
0x7d: {  	[sflag:s19] =	ssyncadd.s32 $0xFFFFD800  }
0x7e: {  	s25 =	sshll.u32 s4, $0x6  }
0x7f: {  	[bflag:$0x0] =	sbarrier.arrive $0xFFFF;
	s26 =	sshrl.u32 s8, $0x3;
	s25 =	sor.u32 $0x1C02, s25  }
0x80: {  	[hbm:s15], [sflag:s25] =	dma.local [spmem:s26], $0x2700  }
0x81: {  	_ =	swait.ge [sflag:s19], $0x2700  }
0x82: {  	s3 =	sadd.s32 $0x1, s3;
	[sflag:s19] =	ssyncset.done $0x0  }
0x83: {  	p1 =	sne.s32 s3, s17;
	s26 =	sshrl.u32 @!p0 s13, $0x3;
	[sflag:s19] =	ssyncadd.s32 $0xFFFFD900  }
0x84: {  	[hbm:s16], [sflag:s25] =	dma.local @!p0 [spmem:s26], $0x100  }
.Ltmp3:
0x85: {  	_ = 	snop;
	(pc) =	sbr.rel @p1 .LBB2_1-.Ltmp3, $4  }
0x86: {  	s25 =	simm.s32 @!p0 $0x2  }
0x87: {  	_ =	swait.ge @!p0 [sflag:s25], $0x100  }
0x88: {  	[sflag:s25] =	ssyncset.done @!p0 $0x0  }
0x89: {  	[sflag:s25] =	ssyncadd.s32 @!p0 $0xFFFFFF00  }
0x8a: {  	_ =	sfence.sel $0x180000  }
0x8b: {  	[bflag:$0x0] =	sbarrier.arrive $0xFFFF  }
0x8c: {  	p0 =	sne.s32 s4, $0x0;
	_ =	strace $0x90000047  }
0x8d: {  	s0 =	sadd.s32 @!p0 $0x100000, s0;
	[bflag:$0x2] =	sbarrier.arrive $0xFFFF  }
0x8e: {  	[sflag:s0] =	ssyncadd.tile.s32 @!p0 $0x1;
	_ =	shalt  }
.Lfunc_end2:
_tile_overlayer_lowered:
.L_overlay_start_2:
0x8f: {  	(tag) =	ssettag $0x2  }
0x90: {  	s0 =	rddreg [dreg:$0x0];
	s2 =	stileid.u32  }
0x91: {  	s1 =	rddreg [dreg:$0x1];
	p0 =	sne.s32 s2, $0x0  }
0x92: {  	s3 =	rddreg [dreg:$0x2];
	[bflag:$0x3] =	sbarrier.arrive $0xFFFF;
	s2 =	simm.s32 @!p0 $0x1C02  }
0x93: {  	[timem:s3], [sflag:s2] =	dma.local @!p0 [hbm:s0], s1  }
0x94: {  	s0 =	simm.s32 @!p0 $0x2  }
0x95: {  	_ =	swait.ge @!p0 [sflag:s0], s1  }
0x96: {  	s1 =	ssub.s32 @!p0 $0x0, s1;
	[sflag:s0] =	ssyncset.done @!p0 $0x0  }
0x97: {  	[sflag:s0] =	ssyncadd.s32 @!p0 s1  }
0x98: {  	[bflag:$0x3] =	sbarrier.arrive $0xFFFF  }
0x99: {  	_ =	shalt  }

// kernel: kernel.17.cloned.1.call-start
scs
__scs_entry_jumppad:
0x0: {  	(pc) =	sbr.rel $0x88, $3  }
0x1: {  	(tag) =	ssettag $0x0;
	lr =	simm.s32 $0x1  }
0x2: {  	[smem:$0x3F78] =	sst lr;
	_ =	strace $0xD0000000  }
0x3: {  	_ = 	snop  }
0x4: {  	_ = 	snop  }
0x5: {  	_ = 	snop  }
0x6: {  	_ = 	snop  }
0x7: {  	_ = 	snop  }
__scs_overlays_trampoline_lowered:
0x8: {  	[smem:$0x3F87] =	sst s0  }
0x9: {  	[smem:$0x3F88] =	sst s1  }
0xa: {  	[smem:$0x3F89] =	sst s2  }
0xb: {  	[smem:$0x3F8A] =	sst s3  }
0xc: {  	[smem:$0x3F8B] =	sst s4  }
0xd: {  	[smem:$0x3F8C] =	sst s5  }
0xe: {  	[smem:$0x3F8D] =	sst s6  }
0xf: {  	[smem:$0x3F8E] =	sst s7  }
0x10: {  	[smem:$0x3F8F] =	sst s8  }
0x11: {  	[smem:$0x3F90] =	sst s9;
	s0 =	simm.s32 @!p0 $0x0  }
0x12: {  	s1 =	sld [smem:$0x3F76];
	s0 =	simm.s32 @p0 $0x1  }
0x13: {  	[smem:$0x3F91] =	sst s0;
	s0 =	simm.s32 @!p1 $0x0  }
0x14: {  	s2 =	sld [smem:$0x3F75];
	s0 =	simm.s32 @p1 $0x1  }
0x15: {  	[smem:$0x3F92] =	sst s0;
	s0 =	simm.s32 @!p2 $0x0  }
0x16: {  	s3 =	sld [smem:$0x3FDB];
	s0 =	simm.s32 @p2 $0x1  }
0x17: {  	s4 =	simm.s32 $0x1BF5;
	[smem:$0x3F94] =	sst s0  }
0x18: {  	s0 =	sld [smem:$0x3F77];
	_ =	swait.ge [sflag:s4], $0x0  }
0x19: {  	s7 =	sld [smem:$0x3F78]  }
0x1a: {  	s8 =	sadd.s32 $0xFFFFE003, lr  }
0x1b: {  	s9 =	sadd.s32 $0xFFFFFEF7, lr;
	s5 =	simm.s32 $0xFFFFFFFF;
	p2 =	slt.u32 s8, $0xFFFFF086  }
0x1c: {  	p1 =	slt.u32 s9, $0xF7A;
	s5 =	simm.s32 @!p2 $0x0  }
0x1d: {  	s5 =	simm.s32 @p1 $0x1;
	p0 =	seq.s32 s7, s2  }
0x1e: {  	s7 =	smul.u32 @!p0 $0xF7A, s2;
	p2 =	seq.s32 @!p0 s5, $0x0  }
0x1f: {  	s9 =	smul.u32 $0xF7A, s1;
	s8 =	simm.s32 @!p0 $0x1BF5;
	p2 =	por !p2, p0  }
0x20: {  	[sflag:s8] =	ssyncset.s32 @!p0 $0xFFFFF086;
	s6 =	sadd.s32 @!p0 s3, s7;
	s7 =	simm.s32 @!p0 $0x108  }
0x21: {  	s3 =	sadd.s32 s3, s9;
	s6 =	sadd.s32 @!p0 $0x88, s6;
	s7 =	simm.s32 @p2 $0x1082  }
0x22: {  	[simem:s7], [sflag:s8] =	dma.local @!p0 [hbm:s6], $0xF7A  }
0x23: {  	s9 =	sor.u32 $0xD0000000, s2;
	s6 =	simm.s32 $0x108;
	_ =	swait.ge @!p0 [sflag:s8], $0x0  }
0x24: {  	s3 =	sadd.s32 $0x88, s3;
	s6 =	simm.s32 @!p1 $0x1082;
	[sflag:s4] =	ssyncset.s32 $0xFFFFF086  }
0x25: {  	[simem:s6], [sflag:s4] =	dma.local [hbm:s3], $0xF7A  }
0x26: {  	[smem:$0x3F78] =	sst s1;
	(tag) =	ssettag s2;
	_ =	strace s9  }
0x27: {  	s1 =	sld [smem:$0x3F88]  }
0x28: {  	s2 =	sld [smem:$0x3F89]  }
0x29: {  	s4 =	sld [smem:$0x3F8B]  }
0x2a: {  	p0 =	seq.s32 s5, $0x0;
	s5 =	sld [smem:$0x3F8C]  }
0x2b: {  	s6 =	sld [smem:$0x3F8D]  }
0x2c: {  	s7 =	sld [smem:$0x3F8E]  }
0x2d: {  	s3 =	simm.s32 $0x108;
	s8 =	sld [smem:$0x3F8F]  }
0x2e: {  	s3 =	simm.s32 @!p0 $0x1082;
	s9 =	sld [smem:$0x3F90]  }
0x2f: {  	lr =	sadd.s32 s0, s3;
	s0 =	sld [smem:$0x3F87]  }
0x30: {  	s3 =	sld [smem:$0x3F8A]  }
0x31: {  	[smem:$0x3F93] =	sst s10  }
0x32: {  	s10 =	sld [smem:$0x3F91];
	_ =	sdelay $0x3  }
0x33: {  	p0 =	seq.s32 s10, $0x1;
	s10 =	sld [smem:$0x3F93];
	_ =	sdelay $0x3  }
0x34: {  	[smem:$0x3F93] =	sst s10  }
0x35: {  	s10 =	sld [smem:$0x3F92];
	_ =	sdelay $0x3  }
0x36: {  	p1 =	seq.s32 s10, $0x1;
	s10 =	sld [smem:$0x3F93];
	_ =	sdelay $0x3  }
0x37: {  	[smem:$0x3F93] =	sst s10  }
0x38: {  	s10 =	sld [smem:$0x3F94]  }
0x39: {  	_ = 	snop;
	(pc) =	sbr.ind lr, $3  }
0x3a: {  	_ = 	snop  }
0x3b: {  	_ = 	snop  }
0x3c: {  	p2 =	seq.s32 s10, $0x1;
	s10 =	sld [smem:$0x3F93]  }
0x3d: {  	_ =	shalt  }
0x3e: {  	_ =	shalt  }
0x3f: {  	_ =	shalt  }
0x40: {  	_ =	shalt  }
0x41: {  	_ =	shalt  }
0x42: {  	_ =	shalt  }
0x43: {  	_ =	shalt  }
0x44: {  	_ =	shalt  }
0x45: {  	_ =	shalt  }
0x46: {  	_ =	shalt  }
0x47: {  	_ =	shalt  }
0x48: {  	_ =	shalt  }
0x49: {  	_ =	shalt  }
0x4a: {  	_ =	shalt  }
0x4b: {  	_ =	shalt  }
0x4c: {  	_ =	shalt  }
0x4d: {  	_ =	shalt  }
0x4e: {  	_ =	shalt  }
0x4f: {  	_ =	shalt  }
0x50: {  	_ =	shalt  }
0x51: {  	_ =	shalt  }
0x52: {  	_ =	shalt  }
0x53: {  	_ =	shalt  }
0x54: {  	_ =	shalt  }
0x55: {  	_ =	shalt  }
0x56: {  	_ =	shalt  }
0x57: {  	_ =	shalt  }
0x58: {  	_ =	shalt  }
0x59: {  	_ =	shalt  }
0x5a: {  	_ =	shalt  }
0x5b: {  	_ =	shalt  }
0x5c: {  	_ =	shalt  }
0x5d: {  	_ =	shalt  }
0x5e: {  	_ =	shalt  }
0x5f: {  	_ =	shalt  }
0x60: {  	_ =	shalt  }
0x61: {  	_ =	shalt  }
0x62: {  	_ =	shalt  }
0x63: {  	_ =	shalt  }
0x64: {  	_ =	shalt  }
0x65: {  	_ =	shalt  }
0x66: {  	_ =	shalt  }
0x67: {  	_ =	shalt  }
0x68: {  	_ =	shalt  }
0x69: {  	_ =	shalt  }
0x6a: {  	_ =	shalt  }
0x6b: {  	_ =	shalt  }
0x6c: {  	_ =	shalt  }
0x6d: {  	_ =	shalt  }
0x6e: {  	_ =	shalt  }
0x6f: {  	_ =	shalt  }
0x70: {  	_ =	shalt  }
0x71: {  	_ =	shalt  }
0x72: {  	_ =	shalt  }
0x73: {  	_ =	shalt  }
0x74: {  	_ =	shalt  }
0x75: {  	_ =	shalt  }
0x76: {  	_ =	shalt  }
0x77: {  	_ =	shalt  }
0x78: {  	_ =	shalt  }
0x79: {  	_ =	shalt  }
0x7a: {  	_ =	shalt  }
0x7b: {  	_ =	shalt  }
0x7c: {  	_ =	shalt  }
0x7d: {  	_ =	shalt  }
0x7e: {  	_ =	shalt  }
0x7f: {  	_ =	shalt  }
0x80: {  	_ =	shalt  }
0x81: {  	_ =	shalt  }
0x82: {  	_ =	shalt  }
0x83: {  	_ =	shalt  }
0x84: {  	_ =	shalt  }
0x85: {  	_ =	shalt  }
0x86: {  	_ =	shalt  }
0x87: {  	_ =	shalt  }
.Lfunc_end0:
.L_simem_size_0:
called_computation.1_lowered:
.L_overlay_start_0:
0x88: {  	s2 =	sld [smem:$0x3FD9]  }
0x89: {  	s3 =	sld [smem:$0x3FFE];
	_ =	sdelay $0x1  }
0x8a: {  	s1 =	srdreg.scid  }
0x8b: {  	s0 =	sand.u32 $0x1, s1  }
0x8c: {  	s17 =	sshll.u32 s0, $0xA;
	s2 =	sadd.s32 s3, s2  }
0x8d: {  	s2 =	sadd.s32 s2, s17  }
0x8e: {  	[smem:$0x3F9F] =	sst s2  }
0x8f: {  	_ = 	snop  }
0x90: {  	s2 =	sld [smem:$0x3FD0];
	(tm) =	ssettm $0x1  }
0x91: {  	s18 =	sld [smem:$0x3FFB];
	_ =	sdelay $0x3  }
0x92: {  	_ =	strace s18  }
0x93: {  	s3 =	sld [smem:$0x3FFC];
	_ =	sdelay $0x3  }
0x94: {  	_ =	strace s3  }
0x95: {  	s3 =	sld [smem:$0x3FFD];
	_ =	sdelay $0x3  }
0x96: {  	_ =	strace s3  }
0x97: {  	_ =	strace $0x8FFFFFFF  }
0x98: {  	s19 =	sld [smem:$0x3FDB];
	_ =	sdelay $0x1  }
0x99: {  	s4 =	simm.s32 $_scs_section_size  }
0x9a: {  	s5 =	simm.s32 $_size__tile_overlayer_lowered;
	s6 =	simm.s32 $_tile_overlayer_lowered  }
0x9b: {  	s22 =	simm.s32 $0x1BFF;
	s21 =	sshll.u32 s6, $0x1;
	s3 =	sadd.s32 s4, s19  }
0x9c: {  	s7 =	simm.s32 $0x0;
	s20 =	sshll.u32 s5, $0x1;
	s5 =	sadd.s32 s21, s3  }
0x9d: {  	[timem:s7], [sflag:s22] =	dma.local [hbm:s5], s20  }
0x9e: {  	_ =	swait.ge [sflag:s22], s20  }
0x9f: {  	s4 =	ssub.s32 $0x0, s20;
	[sflag:s22] =	ssyncset.done $0x0  }
0xa0: {  	[sflag:s22] =	ssyncadd.s32 s4;
	_ =	sdelay $0x1  }
0xa1: {  	s23 =	simm.s32 $0x1B8B  }
0xa2: {  	_ =	swait.ge [sflag:s23], $0x1  }
0xa3: {  	[sflag:s23] =	ssyncset.done $0x0  }
0xa4: {  	s25 =	simm.s32 $0x1B8E;
	s24 =	sld [smem:$0x3FFE];
	[sflag:s23] =	ssyncadd.s32 $0xFFFFFFFF  }
0xa5: {  	s26 =	simm.s32 $execute0_lowered;
	[smem:$0x3FD2] =	sst s25  }
0xa6: {  	s5 =	sshll.u32 s26, $0x1;
	_ =	strace $0x80000049;
	[dreg:$0x1] =	wrdreg $0xFFFFFFFF  }
0xa7: {  	s28 =	simm.s32 $_size_execute0_lowered;
	s3 =	sadd.s32 s3, s5;
	[dreg:$0x0] =	wrdreg $0x0  }
0xa8: {  	s5 =	sshll.u32 s28, $0x1;
	[dreg:$0x2] =	wrdreg s3  }
0xa9: {  	[dreg:$0x3] =	wrdreg s5  }
0xaa: {  	[dreg:$0x4] =	wrdreg $0xC0  }
0xab: {  	_ =	task [dreg:s7], $0x5FFFF  }
0xac: {  	[dreg:$0x1] =	wrdreg $0xFFFFFFFF  }
0xad: {  	[dreg:$0x0] =	wrdreg $0x60  }
0xae: {  	[dreg:$0x2] =	wrdreg s2  }
0xaf: {  	[dreg:$0x3] =	wrdreg s24  }
0xb0: {  	[dreg:$0x4] =	wrdreg $0x91000  }
0xb1: {  	[dreg:$0x5] =	wrdreg $0x9  }
0xb2: {  	_ =	task.clear_ibuf [dreg:s7], $0x6FFFF;
	_ =	strace $0x90000049  }
0xb3: {  	s29 =	simm.s32 $0x9;
	_ =	strace $0x8000004B  }
0xb4: {  	_ =	swait.ge [sflag:s29], $0x1  }
0xb5: {  	[sflag:s29] =	ssyncadd.s32 $0xFFFFFFFF  }
0xb6: {  	_ =	strace $0x9000004B  }
0xb7: {  	_ =	sfence  }
0xb8: {  	s30 =	sld [smem:$0x0];
	_ =	sdelay $0x2  }
0xb9: {  	s31 =	sshll.u32 s1, $0xD;
	s1 =	sshrl.u32 s1, $0x2  }
0xba: {  	s3 =	sand.u32 $0x4000, s31;
	s1 =	sadd.s32 s1, s30  }
0xbb: {  	s0 =	sor.u32 s3, s0;
	s1 =	sshll.u32 s1, $0x11  }
0xbc: {  	s0 =	sor.u32 s1, s0  }
0xbd: {  	s0 =	sadd.s32 $0x8F2B, s0  }
0xbe: {  	[sflag:s0] =	ssyncadd.remote.s32 $0x1  }
0xbf: {  	_ =	sfence.sel $0xFFFF  }
0xc0: {  	[dreg:$0x0] =	wrdreg $0xFFFFFFFF;
	(pc) =	sbr.abs _section_cstart, $3  }
0xc1: {  	[dreg:$0x1] =	wrdreg $0xFFFFFFFF  }
0xc2: {  	_ =	task.clear_ibuf [dreg:s7], $0x2FFFF;
	_ =	strace $0x9FFFFFFF  }
0xc3: {  	(tm) =	ssettm $0x7FFFFFFF  }
tec
execute0_lowered:
.L_overlay_start_1:
0x0: {  	(tag) =	ssettag $0x1  }
0x1: {  	s1 =	rddreg [dreg:$0x0]  }
0x2: {  	s8 =	rddreg [dreg:$0x1]  }
0x3: {  	s2 =	rddreg [dreg:$0x2]  }
0x4: {  	s0 =	rddreg [dreg:$0x3];
	s3 =	simm.s32 $0x0;
	s4 =	srdreg.scid  }
0x5: {  	s19 =	simm.s32 $0x2;
	s20 =	simm.s32 $0x80;
	s21 =	simm.s32 $0x50  }
0x6: {  	s22 =	simm.s32 $0x100;
	s23 =	simm.s32 $0x2900;
	s24 =	simm.s32 $0x1  }
0x7: {  	[smem:$0x7FF] =	sst s3;
	s9 =	sand.u32 $0x1, s4;
	s5 =	sadd.s32 $0xA55200, s8  }
0x8: {  	s4 =	stileid.u32;
	s6 =	sadd.s32 $0x11E00, s8;
	s7 =	sadd.s32 $0x8000, s8  }
0x9: {  	s15 =	sadd.s32 $0x1BC00, s8;
	_ =	strace $0x8000004A;
	s12 =	smul.u32 $0x4E000, s4  }
0xa: {  	s10 =	ssub.s32 $0x2, s9;
	s30 =	sshll.u32 s4, $0x1;
	s13 =	smul.u32 $0x138800, s9  }
0xb: {  	s16 =	smul.u32 $0x13800, s4;
	p0 =	sne.s32 s4, $0xF;
	s11 =	sshrl.u32 s10, $0x1  }
0xc: {  	s14 =	sor.u32 s9, s30;
	s17 =	ssub.s32 s10, s11;
	s31 =	sshrl.u32 s12, $0x2  }
0xd: {  	s16 =	sadd.s32 s16, s13;
	s18 =	sshrl.u32 s13, $0x3;
	s13 =	sadd.s32 $0x138000, s2  }
0xe: {  	s14 =	smul.u32 $0x2710, s14;
	s8 =	sadd.s32 s31, s2;
	s16 =	sshrl.u32 s16, $0x3  }
0xf: {  	s18 =	sadd.s32 s15, s18;
	s17 =	smax.u32 s17, $0x1;
	s9 =	sadd.s32 $0x4000, s8  }
0x10: {  	s10 =	sadd.s32 $0x8000, s8;
	s11 =	sadd.s32 $0xC000, s8;
	s12 =	sadd.s32 $0x10000, s8  }
0x11: {  	v0 =	vimm.f32 $0.0e+00;
	s15 =	sadd.s32 s15, s16;
	s16 =	sadd.s32 $0x27000, s18;
	s18 =	simm.s32 $0x5100  }
.LBB2_1:
0x12: {  	s25 =	simm.s32 $0x0;
	s26 =	simm.s32 $0x200  }
.LBB2_2:
0x13: {  	p1 =	sne.s32 s26, $0xFE00;
	[tilespmem:s25+$0x5170] =	vst v0  }
0x14: {  	[tilespmem:s25+$0x5100] =	vst v0  }
0x15: {  	[tilespmem:s25+$0x5110] =	vst v0  }
.Ltmp0:
0x16: {  	[tilespmem:s25+$0x5120] =	vst v0;
	(pc) =	sbr.rel @p1 .LBB2_2-.Ltmp0, $4  }
0x17: {  	[tilespmem:s25+$0x5130] =	vst v0  }
0x18: {  	[tilespmem:s25+$0x5140] =	vst v0  }
0x19: {  	[tilespmem:s25+$0x5150] =	vst v0  }
0x1a: {  	[tilespmem:s25+$0x5160] =	vst v0;
	s25 =	sshra.s32 s26, $0x2;
	s26 =	sadd.s32 $0x200, s26  }
0x1b: {  	[tilespmem:s25+$0x5170] =	vst v0  }
0x1c: {  	[tilespmem:s25+$0x5100] =	vst v0  }
0x1d: {  	[tilespmem:s25+$0x5110] =	vst v0  }
0x1e: {  	[tilespmem:s25+$0x5120] =	vst v0  }
0x1f: {  	[tilespmem:s25+$0x5130] =	vst v0  }
0x20: {  	[tilespmem:s25+$0x5140] =	vst v0  }
0x21: {  	[tilespmem:s25+$0x5150] =	vst v0  }
0x22: {  	[tilespmem:s25+$0x5160] =	vst v0  }
0x23: {  	[spmem:s8] =	stream.linear.scatter [tilespmem:s18], [sflag:$0x2], $0x4000, $0x38;
	[tilespmem:$0x1C980] =	vst v63  }
0x24: {  	_ =	swait.ge [sflag:s19], $0x4000  }
0x25: {  	[sflag:s19] =	ssyncset.done $0x0  }
0x26: {  	[sflag:s19] =	ssyncadd.s32 $0xFFFFC000  }
0x27: {  	[spmem:s9] =	stream.linear.scatter [tilespmem:s18], [sflag:$0x2], $0x4000, $0x38;
	[tilespmem:$0x1C980] =	vst v63  }
0x28: {  	_ =	swait.ge [sflag:s19], $0x4000  }
0x29: {  	[sflag:s19] =	ssyncset.done $0x0  }
0x2a: {  	[sflag:s19] =	ssyncadd.s32 $0xFFFFC000  }
0x2b: {  	[spmem:s10] =	stream.linear.scatter [tilespmem:s18], [sflag:$0x2], $0x4000, $0x38;
	[tilespmem:$0x1C980] =	vst v63  }
0x2c: {  	_ =	swait.ge [sflag:s19], $0x4000  }
0x2d: {  	[sflag:s19] =	ssyncset.done $0x0  }
0x2e: {  	[sflag:s19] =	ssyncadd.s32 $0xFFFFC000  }
0x2f: {  	[spmem:s11] =	stream.linear.scatter [tilespmem:s18], [sflag:$0x2], $0x4000, $0x38;
	[tilespmem:$0x1C980] =	vst v63  }
0x30: {  	_ =	swait.ge [sflag:s19], $0x4000  }
0x31: {  	[sflag:s19] =	ssyncset.done $0x0  }
0x32: {  	[sflag:s19] =	ssyncadd.s32 $0xFFFFC000  }
0x33: {  	[spmem:s12] =	stream.linear.scatter [tilespmem:s18], [sflag:$0x2], $0x3800, $0x38;
	[tilespmem:$0x1C980] =	vst v63  }
0x34: {  	_ =	swait.ge [sflag:s19], $0x3800  }
0x35: {  	[sflag:s19] =	ssyncset.done $0x0  }
0x36: {  	s25 =	simm.s32 @!p0 $0x5100;
	[sflag:s19] =	ssyncadd.s32 $0xFFFFC800  }
0x37: {  	[spmem:s13] =	stream.linear.scatter @!p0 [tilespmem:s25], [sflag:$0x2], $0x800, $0x38;
	[tilespmem:$0x1C980] =	vst v63  }
0x38: {  	s25 =	simm.s32 @!p0 $0x2  }
0x39: {  	_ =	swait.ge @!p0 [sflag:s25], $0x800  }
0x3a: {  	[sflag:s25] =	ssyncset.done @!p0 $0x0  }
0x3b: {  	[sflag:s25] =	ssyncadd.s32 @!p0 $0xFFFFF800  }
0x3c: {  	s26 =	simm.s32 $0x0;
	s25 =	simm.s32 $0x0;
	[bflag:$0x0] =	sbarrier.arrive $0xFFFF  }
.LBB2_4:
0x3d: {  	s28 =	smul.u32 $0x50, s26;
	_ =	sdelay $0x1  }
0x3e: {  	s28 =	sadd.s32 s14, s28  }
0x3f: {  	s29 =	sshrl.u32 s28, $0x3  }
0x40: {  	s30 =	sadd.s32 s6, s29  }
0x41: {  	[tilespmem:s25], [sflag:$0x2] =	stream.linear.gather [hbm4b:s30+s25], $0x50, $0x38;
	[tilespmem:$0x1C980] =	vst v63  }
0x42: {  	_ =	swait.ge [sflag:s19], $0x50  }
0x43: {  	[sflag:s19] =	ssyncset.done $0x0  }
0x44: {  	s29 =	sadd.s32 s7, s29;
	[sflag:s19] =	ssyncadd.s32 $0xFFFFFFB0  }
0x45: {  	[tilespmem:s20], [sflag:$0x2] =	stream.linear.gather [hbm4b:s29+s25], $0x50, $0x38;
	[tilespmem:$0x1C980] =	vst v63  }
0x46: {  	_ =	swait.ge [sflag:s19], $0x50  }
0x47: {  	[sflag:s19] =	ssyncset.done $0x0  }
0x48: {  	s28 =	sshll.u32 s28, $0x4;
	[sflag:s19] =	ssyncadd.s32 $0xFFFFFFB0  }
0x49: {  	[tilespmem:s22], [sflag:$0x1] =	stream.indirect.gather [hbm4b:s1+s21], $0x80, s25, s21, $0xb8;
	[tilespmem:$0x1C980] =	vst v63  }
0x4a: {  	s28 =	sadd.s32 s5, s28  }
0x4b: {  	[tilespmem:s23], [sflag:$0x2] =	stream.linear.gather [hbm4b:s28+s25], $0x2800, $0x38;
	[tilespmem:$0x1C980] =	vst v63  }
0x4c: {  	_ =	swait.ge [sflag:s19], $0x2800  }
0x4d: {  	[sflag:s19] =	ssyncset.done $0x0  }
0x4e: {  	[sflag:s19] =	ssyncadd.s32 $0xFFFFD800  }
0x4f: {  	_ =	swait.ge [sflag:s24], $0x2800  }
0x50: {  	[sflag:s24] =	ssyncset.done $0x0  }
0x51: {  	s28 =	simm.s32 $0x0;
	[sflag:s24] =	ssyncadd.s32 $0xFFFFD800  }
0x52: {  	v7 =	vld [tilespmem:s28+$0x2900]  }
0x53: {  	v12 =	vld [tilespmem:s28+$0x2910]  }
0x54: {  	v6 =	vld [tilespmem:s28+$0x2920]  }
0x55: {  	v5 =	vld [tilespmem:s28+$0x2930]  }
0x56: {  	v4 =	vld [tilespmem:s28+$0x2940]  }
0x57: {  	v3 =	vld [tilespmem:s28+$0x2950]  }
0x58: {  	v2 =	vld [tilespmem:s28+$0x2960]  }
0x59: {  	v1 =	vld [tilespmem:s28+$0x2970]  }
0x5a: {  	v13 =	vld [tilespmem:s28+$0x100]  }
0x5b: {  	v14 =	vld [tilespmem:s28+$0x110]  }
0x5c: {  	v11 =	vld [tilespmem:s28+$0x120]  }
0x5d: {  	v10 =	vld [tilespmem:s28+$0x130]  }
0x5e: {  	v9 =	vld [tilespmem:s28+$0x140]  }
0x5f: {  	v8 =	vld [tilespmem:s28+$0x150];
	v13 =	vadd.f32 v7, v13  }
0x60: {  	s29 =	simm.s32 $0x200;
	v12 =	vadd.f32 v12, v14;
	v7 =	vld [tilespmem:s28+$0x160]  }
.LBB2_5:
0x61: {  	s30 =	sshra.s32 s29, $0x2;
	p1 =	sne.s32 s29, $0x9E00;
	v13 =	vmax.f32 v13, $0.0e+00;
	v6 =	vadd.f32 v6, v11;
	v11 =	vld [tilespmem:s28+$0x170]  }
0x62: {  	v14 =	vld [tilespmem:s30+$0x2900];
	[tilespmem:s28+$0x100] =	vst v13;
	v12 =	vmax.f32 v12, $0.0e+00;
	v5 =	vadd.f32 v5, v10  }
0x63: {  	v15 =	vld [tilespmem:s30+$0x2910];
	[tilespmem:s28+$0x110] =	vst v12;
	v10 =	vmax.f32 v6, $0.0e+00;
	v4 =	vadd.f32 v4, v9  }
0x64: {  	v6 =	vld [tilespmem:s30+$0x2920];
	[tilespmem:s28+$0x120] =	vst v10;
	v9 =	vmax.f32 v5, $0.0e+00;
	v3 =	vadd.f32 v3, v8  }
0x65: {  	v5 =	vld [tilespmem:s30+$0x2930];
	[tilespmem:s28+$0x130] =	vst v9;
	v8 =	vmax.f32 v4, $0.0e+00;
	v2 =	vadd.f32 v2, v7  }
0x66: {  	v4 =	vld [tilespmem:s30+$0x2940];
	[tilespmem:s28+$0x140] =	vst v8;
	v7 =	vmax.f32 v3, $0.0e+00;
	v1 =	vadd.f32 v1, v11  }
0x67: {  	v3 =	vld [tilespmem:s30+$0x2950];
	[tilespmem:s28+$0x150] =	vst v7;
	v7 =	vmax.f32 v2, $0.0e+00  }
0x68: {  	v2 =	vld [tilespmem:s30+$0x2960];
	[tilespmem:s28+$0x160] =	vst v7;
	v7 =	vmax.f32 v1, $0.0e+00  }
0x69: {  	v1 =	vld [tilespmem:s30+$0x2970];
	[tilespmem:s28+$0x170] =	vst v7;
	s28 =	smov.u32 s30  }
0x6a: {  	v7 =	vld [tilespmem:s28+$0x100]  }
0x6b: {  	v12 =	vld [tilespmem:s28+$0x110]  }
.Ltmp1:
0x6c: {  	v11 =	vld [tilespmem:s28+$0x120];
	(pc) =	sbr.rel @p1 .LBB2_5-.Ltmp1, $4  }
0x6d: {  	v10 =	vld [tilespmem:s28+$0x130]  }
0x6e: {  	v9 =	vld [tilespmem:s28+$0x140]  }
0x6f: {  	v13 =	vadd.f32 v14, v7;
	v8 =	vld [tilespmem:s28+$0x150]  }
0x70: {  	s29 =	sadd.s32 $0x200, s29;
	v12 =	vadd.f32 v15, v12;
	v7 =	vld [tilespmem:s28+$0x160]  }
0x71: {  	v13 =	vmax.f32 v13, $0.0e+00;
	v6 =	vadd.f32 v6, v11;
	v63 =	vld [tilespmem:s28+$0x170]  }
0x72: {  	[tilespmem:s28+$0x100] =	vst v13;
	v12 =	vmax.f32 v12, $0.0e+00;
	v5 =	vadd.f32 v5, v10  }
0x73: {  	[tilespmem:s28+$0x110] =	vst v12;
	v6 =	vmax.f32 v6, $0.0e+00;
	v4 =	vadd.f32 v4, v9  }
0x74: {  	[tilespmem:s28+$0x120] =	vst v6;
	v5 =	vmax.f32 v5, $0.0e+00;
	v3 =	vadd.f32 v3, v8  }
0x75: {  	[tilespmem:s28+$0x130] =	vst v5;
	v4 =	vmax.f32 v4, $0.0e+00;
	v2 =	vadd.f32 v2, v7  }
0x76: {  	[tilespmem:s28+$0x140] =	vst v4;
	v3 =	vmax.f32 v3, $0.0e+00;
	v1 =	vadd.f32 v1, v63  }
0x77: {  	s26 =	sadd.s32 $0x1, s26;
	[tilespmem:s28+$0x150] =	vst v3;
	v2 =	vmax.f32 v2, $0.0e+00  }
0x78: {  	p1 =	sne.s32 s26, $0x7D;
	[tilespmem:s28+$0x160] =	vst v2;
	v1 =	vmax.f32 v1, $0.0e+00  }
.Ltmp2:
0x79: {  	[tilespmem:s28+$0x170] =	vst v1;
	(pc) =	sbr.rel @p1 .LBB2_4-.Ltmp2, $4  }
0x7a: {  	[spmem:s2] =	stream.indirect.scatter.add.f32 [tilespmem:s22], [sflag:$0x2], $0x80, s20, s21, $0xb8;
	[tilespmem:$0x1C980] =	vst v63  }
0x7b: {  	_ =	swait.ge [sflag:s19], $0x2800  }
0x7c: {  	[sflag:s19] =	ssyncset.done $0x0  }
0x7d: {  	[sflag:s19] =	ssyncadd.s32 $0xFFFFD800  }
0x7e: {  	s25 =	sshll.u32 s4, $0x6  }
0x7f: {  	[bflag:$0x0] =	sbarrier.arrive $0xFFFF;
	s26 =	sshrl.u32 s8, $0x3;
	s25 =	sor.u32 $0x1C02, s25  }
0x80: {  	[hbm:s15], [sflag:s25] =	dma.local [spmem:s26], $0x2700  }
0x81: {  	_ =	swait.ge [sflag:s19], $0x2700  }
0x82: {  	s3 =	sadd.s32 $0x1, s3;
	[sflag:s19] =	ssyncset.done $0x0  }
0x83: {  	p1 =	sne.s32 s3, s17;
	s26 =	sshrl.u32 @!p0 s13, $0x3;
	[sflag:s19] =	ssyncadd.s32 $0xFFFFD900  }
0x84: {  	[hbm:s16], [sflag:s25] =	dma.local @!p0 [spmem:s26], $0x100  }
.Ltmp3:
0x85: {  	_ = 	snop;
	(pc) =	sbr.rel @p1 .LBB2_1-.Ltmp3, $4  }
0x86: {  	s25 =	simm.s32 @!p0 $0x2  }
0x87: {  	_ =	swait.ge @!p0 [sflag:s25], $0x100  }
0x88: {  	[sflag:s25] =	ssyncset.done @!p0 $0x0  }
0x89: {  	[sflag:s25] =	ssyncadd.s32 @!p0 $0xFFFFFF00  }
0x8a: {  	_ =	sfence.sel $0x180000  }
0x8b: {  	[bflag:$0x0] =	sbarrier.arrive $0xFFFF  }
0x8c: {  	p0 =	sne.s32 s4, $0x0;
	_ =	strace $0x9000004A  }
0x8d: {  	s0 =	sadd.s32 @!p0 $0x100000, s0;
	[bflag:$0x2] =	sbarrier.arrive $0xFFFF  }
0x8e: {  	[sflag:s0] =	ssyncadd.tile.s32 @!p0 $0x1;
	_ =	shalt  }
.Lfunc_end2:
_tile_overlayer_lowered:
.L_overlay_start_2:
0x8f: {  	(tag) =	ssettag $0x2  }
0x90: {  	s0 =	rddreg [dreg:$0x0];
	s2 =	stileid.u32  }
0x91: {  	s1 =	rddreg [dreg:$0x1];
	p0 =	sne.s32 s2, $0x0  }
0x92: {  	s3 =	rddreg [dreg:$0x2];
	[bflag:$0x3] =	sbarrier.arrive $0xFFFF;
	s2 =	simm.s32 @!p0 $0x1C02  }
0x93: {  	[timem:s3], [sflag:s2] =	dma.local @!p0 [hbm:s0], s1  }
0x94: {  	s0 =	simm.s32 @!p0 $0x2  }
0x95: {  	_ =	swait.ge @!p0 [sflag:s0], s1  }
0x96: {  	s1 =	ssub.s32 @!p0 $0x0, s1;
	[sflag:s0] =	ssyncset.done @!p0 $0x0  }
0x97: {  	[sflag:s0] =	ssyncadd.s32 @!p0 s1  }
0x98: {  	[bflag:$0x3] =	sbarrier.arrive $0xFFFF  }
0x99: {  	_ =	shalt  }

</sc_bundles>
